<compile_context>
chip_gen: v7x
topology: tpu7x:2x2x1
jax: 0.10.2.dev20260603
libtpu: 0.0.44.dev20260713+nightly
codegen_flags: <defaults>
</compile_context>

<pallas_src>
import functools

import jax
import jax.numpy as jnp
from jax import lax
from jax.experimental import pallas as pl
from jax.experimental.pallas import tpu as pltpu
from jax.experimental.pallas import tpu_sc as plsc

_NC = 2
_NS = 16
_D = 512
_DH = _D // _NC
_EC = 64
_NCH = 37
_QC = 64
_EPT = _EC * _NCH
_NE = _NS * _EPT
_ACC_ROWS = 2560
_OWN = _ACC_ROWS // _NS


def _matmul_bias_kernel(x_ref, w_ref, b_ref, o_ref, *, relu):
    acc = jnp.dot(x_ref[...], w_ref[...], preferred_element_type=jnp.float32)
    acc = acc + b_ref[...]
    if relu:
        acc = jnp.maximum(acc, 0.0)
    o_ref[...] = acc


def _feats_kernel(h_ref, p_ref, w_ref, b_ref, o_ref):
    acc = jnp.dot(h_ref[...], w_ref[0:512, :], preferred_element_type=jnp.float32)
    acc = acc + jnp.dot(p_ref[...], w_ref[512:515, :],
                        preferred_element_type=jnp.float32)
    o_ref[...] = acc + b_ref[...]


def _feats_mm(h, p2, w, b, bm=1000):
    m = h.shape[0]
    n = w.shape[1]
    return pl.pallas_call(
        _feats_kernel,
        grid=(pl.cdiv(m, bm),),
        in_specs=[
            pl.BlockSpec((bm, h.shape[1]), lambda i: (i, 0)),
            pl.BlockSpec((bm, p2.shape[1]), lambda i: (i, 0)),
            pl.BlockSpec((w.shape[0], n), lambda i: (0, 0)),
            pl.BlockSpec((1, n), lambda i: (0, 0)),
        ],
        out_specs=pl.BlockSpec((bm, n), lambda i: (i, 0)),
        out_shape=jax.ShapeDtypeStruct((m, n), jnp.float32),
    )(h, p2, w, b.reshape(1, n))


def _matmul_bias(x, w, b, relu=False, bm=1024):
    m, k = x.shape
    n = w.shape[1]
    grid = (pl.cdiv(m, bm),)
    return pl.pallas_call(
        functools.partial(_matmul_bias_kernel, relu=relu),
        grid=grid,
        in_specs=[
            pl.BlockSpec((bm, k), lambda i: (i, 0)),
            pl.BlockSpec((k, n), lambda i: (0, 0)),
            pl.BlockSpec((1, n), lambda i: (0, 0)),
        ],
        out_specs=pl.BlockSpec((bm, n), lambda i: (i, 0)),
        out_shape=jax.ShapeDtypeStruct((m, n), jnp.float32),
    )(x, w, b.reshape(1, n))


def _matmul_two_kernel(x_ref, w_ref, b_ref, g_ref, a_ref):
    acc = jnp.dot(x_ref[...], w_ref[...], preferred_element_type=jnp.float32)
    g_ref[0] = acc
    a_ref[0] = acc + b_ref[...]


def _matmul_two(x, w, b, bm=1000):
    m, k = x.shape
    n = w.shape[1]
    shp = jax.ShapeDtypeStruct((_NC, m, n // _NC), jnp.float32)
    return pl.pallas_call(
        _matmul_two_kernel,
        grid=(_NC, pl.cdiv(m, bm)),
        in_specs=[
            pl.BlockSpec((bm, k), lambda hf, i: (i, 0)),
            pl.BlockSpec((k, n // _NC), lambda hf, i: (0, hf)),
            pl.BlockSpec((1, n // _NC), lambda hf, i: (0, hf)),
        ],
        out_specs=[
            pl.BlockSpec((1, bm, n // _NC), lambda hf, i: (hf, i, 0)),
            pl.BlockSpec((1, bm, n // _NC), lambda hf, i: (hf, i, 0)),
        ],
        out_shape=[shp, shp],
    )(x, w, b.reshape(1, n))


def _edge_msg_kernel(a_hbm, g_hbm, ei_hbm, ejg_hbm, m_hbm,
                     idi, idjg, buf_a0, buf_g0, buf_a1, buf_g1, sem0, sem1):
    c = lax.axis_index("c")
    s = lax.axis_index("s")

    pltpu.sync_copy(ei_hbm.at[s], idi)
    pltpu.sync_copy(ejg_hbm.at[s], idjg)

    off = (c * 10000).astype(jnp.int32) + jnp.zeros((16,), jnp.int32)

    def _reb_row(r, carry):
        for t in range(_EC // 16):
            idi[r, pl.ds(t * 16, 16)] = idi[r, pl.ds(t * 16, 16)] + off
            idjg[r, pl.ds(t * 16, 16)] = idjg[r, pl.ds(t * 16, 16)] + off
        return carry

    lax.fori_loop(0, _NCH, _reb_row, 0)

    def _issue(ci, buf_a, buf_g, sem):
        pltpu.async_copy(a_hbm.at[idi.at[ci]], buf_a, sem)
        pltpu.async_copy(g_hbm.at[idjg.at[ci]], buf_g, sem)

    def _wait(buf_a, buf_g, sem):
        pltpu.make_async_copy(a_hbm.at[idi.at[0]], buf_a, sem).wait()
        pltpu.make_async_copy(g_hbm.at[idjg.at[0]], buf_g, sem).wait()

    def _compute(ci, buf_a, buf_g):
        def _row(r, carry):
            def _vec(v, c2):
                av = buf_a[r, pl.ds(v * 16, 16)]
                gv = buf_g[r, pl.ds(v * 16, 16)]
                buf_a[r, pl.ds(v * 16, 16)] = jnp.maximum(av - gv, 0.0)
                return c2
            return lax.fori_loop(0, _DH // 16, _vec, carry)

        lax.fori_loop(0, _EC, _row, 0)
        pltpu.sync_copy(buf_a, m_hbm.at[c, pl.ds(s * _EPT + ci * _EC, _EC)])

    _issue(0, buf_a0, buf_g0, sem0)
    _issue(1, buf_a1, buf_g1, sem1)

    def _pair(k, carry):
        ci = 2 * k
        _wait(buf_a0, buf_g0, sem0)
        _compute(ci, buf_a0, buf_g0)

        @pl.when(ci + 2 < _NCH)
        def _():
            _issue(ci + 2, buf_a0, buf_g0, sem0)

        _wait(buf_a1, buf_g1, sem1)
        _compute(ci + 1, buf_a1, buf_g1)

        @pl.when(ci + 3 < _NCH)
        def _():
            _issue(ci + 3, buf_a1, buf_g1, sem1)

        return carry

    lax.fori_loop(0, _NCH // 2, _pair, 0)
    if _NCH % 2 == 1:
        _wait(buf_a0, buf_g0, sem0)
        _compute(_NCH - 1, buf_a0, buf_g0)


def _edge_msg(a2, g2, ei, ejg):
    k = pl.kernel(
        _edge_msg_kernel,
        mesh=plsc.VectorSubcoreMesh(core_axis_name="c", subcore_axis_name="s"),
        out_type=jax.ShapeDtypeStruct((_NC, _NE, _DH), jnp.float32),
        scratch_types=[
            pltpu.VMEM((_NCH, _EC), jnp.int32),
            pltpu.VMEM((_NCH, _EC), jnp.int32),
            pltpu.VMEM((_EC, _DH), jnp.float32),
            pltpu.VMEM((_EC, _DH), jnp.float32),
            pltpu.VMEM((_EC, _DH), jnp.float32),
            pltpu.VMEM((_EC, _DH), jnp.float32),
            pltpu.SemaphoreType.DMA,
            pltpu.SemaphoreType.DMA,
        ],
    )
    nflat = _NC * a2.shape[1]
    return k(a2.reshape(nflat, _DH), g2.reshape(nflat, _DH), ei, ejg)


def _seg_sum_kernel(m_hbm, es_hbm, jr_hbm, bnd_hbm, out_hbm,
                    eids, bvm, idxc0, idxc1, jrc0, jrc1, gbuf0, gbuf1,
                    acc, sem0, sem1):
    c = lax.axis_index("c")
    s = lax.axis_index("s")
    row0 = s * _OWN

    pltpu.sync_copy(bnd_hbm, bvm)
    pltpu.sync_copy(es_hbm, eids)

    start = bvm[pl.ds(s, 16)][0]
    end = bvm[pl.ds(s + 1, 16)][0]
    base = (start // _QC) * _QC
    nq = (end - base + _QC - 1) // _QC

    zf = jnp.zeros((16,), jnp.float32)

    def _zr(r, carry):
        def _zv(v, c2):
            acc[r, pl.ds(v * 16, 16)] = zf
            return c2
        return lax.fori_loop(0, _DH // 16, _zv, carry)

    lax.fori_loop(0, _OWN, _zr, 0)

    off = (c * _NE).astype(jnp.int32) + jnp.zeros((16,), jnp.int32)

    def _issue(q, idxc, jrc, gbuf, sem):
        p = base + q * _QC
        for t in range(_QC // 16):
            idxc[pl.ds(t * 16, 16)] = eids[pl.ds(p + t * 16, 16)] + off
        pltpu.async_copy(m_hbm.at[idxc], gbuf, sem)
        pltpu.async_copy(jr_hbm.at[pl.ds(p, _QC + 16)], jrc, sem)

    def _wait(jrc, gbuf, sem):
        pltpu.make_async_copy(m_hbm.at[idxc0], gbuf, sem).wait()
        pltpu.make_async_copy(jr_hbm.at[pl.ds(0, _QC + 16)], jrc, sem).wait()

    def _accum(q, jrc, gbuf, carry2):
        p = base + q * _QC
        lo = jnp.maximum(0, start - p)
        hi = jnp.minimum(_QC, end - p)

        def _acc1(k2, c3):
            rr = jrc[pl.ds(k2, 16)][0]

            def _av(v, c4):
                acc[rr, pl.ds(v * 16, 16)] = (
                    acc[rr, pl.ds(v * 16, 16)] + gbuf[k2, pl.ds(v * 16, 16)]
                )
                return c4

            return lax.fori_loop(0, _DH // 16, _av, c3)

        return lax.fori_loop(lo, hi, _acc1, carry2)

    @pl.when(nq > 0)
    def _():
        _issue(0, idxc0, jrc0, gbuf0, sem0)

    def _pair(k, carry):
        q0 = 2 * k
        q1 = q0 + 1
        _wait(jrc0, gbuf0, sem0)

        @pl.when(q1 < nq)
        def _():
            _issue(q1, idxc1, jrc1, gbuf1, sem1)

        _accum(q0, jrc0, gbuf0, 0)

        @pl.when(q0 + 2 < nq)
        def _():
            _issue(q0 + 2, idxc0, jrc0, gbuf0, sem0)

        @pl.when(q1 < nq)
        def _():
            _wait(jrc1, gbuf1, sem1)
            _accum(q1, jrc1, gbuf1, 0)

        return carry

    lax.fori_loop(0, (nq + 1) // 2, _pair, 0)
    pltpu.sync_copy(acc, out_hbm.at[c, pl.ds(row0, _OWN)])


def _seg_sum(m2, es, jr, bnd):
    k = pl.kernel(
        _seg_sum_kernel,
        mesh=plsc.VectorSubcoreMesh(core_axis_name="c", subcore_axis_name="s"),
        out_type=jax.ShapeDtypeStruct((_NC, _ACC_ROWS, _DH), jnp.float32),
        scratch_types=[
            pltpu.VMEM((_NE + 64,), jnp.int32),
            pltpu.VMEM((32,), jnp.int32),
            pltpu.VMEM((_QC,), jnp.int32),
            pltpu.VMEM((_QC,), jnp.int32),
            pltpu.VMEM((_QC + 16,), jnp.int32),
            pltpu.VMEM((_QC + 16,), jnp.int32),
            pltpu.VMEM((_QC, _DH), jnp.float32),
            pltpu.VMEM((_QC, _DH), jnp.float32),
            pltpu.VMEM((_OWN, _DH), jnp.float32),
            pltpu.SemaphoreType.DMA,
            pltpu.SemaphoreType.DMA,
        ],
    )
    return k(m2.reshape(_NC * _NE, _DH), es, jr, bnd)


def _knn_kernel(dp_ref, upt_ref, o_ref, *, nu, m_i):
    dx = dp_ref[:, 0:1]
    dy = dp_ref[:, 1:2]
    dz = dp_ref[:, 2:3]
    ux = upt_ref[0:1, :]
    uy = upt_ref[1:2, :]
    uz = upt_ref[2:3, :]
    d2 = (dx - ux) ** 2 + (dy - uy) ** 2
    d2 = d2 + (dz - uz) ** 2
    bm = d2.shape[0]
    iota = jax.lax.broadcasted_iota(jnp.int32, (bm, nu), 1)
    for k in range(m_i):
        mv = jnp.min(d2, axis=1, keepdims=True)
        sel = jnp.where(d2 == mv, iota, nu)
        mi = jnp.min(sel, axis=1, keepdims=True)
        o_ref[:, k : k + 1] = mi
        d2 = jnp.where(iota == mi, jnp.inf, d2)


def _knn(down_pos, up_pos_t, m_i, bm=768):
    nd = down_pos.shape[0]
    nu = up_pos_t.shape[1]
    return pl.pallas_call(
        functools.partial(_knn_kernel, nu=nu, m_i=m_i),
        grid=(pl.cdiv(nd, bm),),
        in_specs=[
            pl.BlockSpec((bm, 3), lambda i: (i, 0)),
            pl.BlockSpec((3, nu), lambda i: (0, 0)),
        ],
        out_specs=pl.BlockSpec((bm, m_i), lambda i: (i, 0)),
        out_shape=jax.ShapeDtypeStruct((nd, m_i), jnp.int32),
    )(down_pos, up_pos_t)


def kernel(h, s_l, scores, W_att, b_att, W1, b1, W2, b2):
    n = h.shape[0]
    number_up = n // 4
    number_down = n - number_up
    M_i = 5

    order = jnp.flip(jnp.argsort(scores))
    up_idx = order[:number_up]
    up_points = jnp.zeros((n,), dtype=bool).at[up_idx].set(True)
    cs_up = jnp.cumsum(up_points.astype(jnp.int32))
    arange_n = jnp.arange(n, dtype=jnp.int32)
    positions = jnp.where(
        up_points, number_down + cs_up - 1, arange_n - cs_up
    )
    group_order = jnp.zeros((n,), jnp.int32).at[positions].set(arange_n)
    nodes_down = group_order[:number_down]
    nodes_up = group_order[number_down:]

    down_pos = s_l[nodes_down]
    up_pos_t = s_l[nodes_up].T
    neigh = _knn(down_pos, up_pos_t, M_i)
    jpos = neigh.reshape(-1)
    j = nodes_up[jpos]
    i = jnp.repeat(nodes_down, M_i)

    feats = _feats_mm(h, s_l, W_att, b_att, bm=1000)
    G, A = _matmul_two(feats, W1, b1, bm=1000)

    n_edges = number_down * M_i
    pad = _NE - n_edges
    ei = jnp.concatenate([i, jnp.zeros((pad,), jnp.int32)]).reshape(_NS, _NCH, _EC)
    ejg = jnp.concatenate([j, jnp.zeros((pad,), jnp.int32)]).reshape(_NS, _NCH, _EC)
    jpos_p = jnp.concatenate([jpos, jnp.full((pad,), _ACC_ROWS - 1, jnp.int32)])
    bkt = jpos_p // _OWN
    oh = (bkt[:, None] == jnp.arange(_NS)[None, :]).astype(jnp.int32)
    pos_in = jnp.sum(jnp.cumsum(oh, axis=0) * oh, axis=1)
    offs = jnp.concatenate(
        [jnp.zeros((1,), jnp.int32), jnp.cumsum(jnp.sum(oh, axis=0))]
    ).astype(jnp.int32)
    position = offs[bkt] + pos_in - 1
    es = jnp.zeros((_NE + 64,), jnp.int32).at[position].set(
        jnp.arange(_NE, dtype=jnp.int32)
    )
    jr = jnp.zeros((_NE + 128,), jnp.int32).at[position].set(jpos_p - bkt * _OWN)
    bnd = jnp.concatenate([offs, jnp.full((15,), offs[_NS], jnp.int32)])
    m2 = _edge_msg(A, G, ei, ejg)
    partial = _seg_sum(m2, es, jr, bnd)

    cnt = jax.ops.segment_sum(
        jnp.ones(jpos.shape, dtype=jnp.float32), jpos, num_segments=number_up
    )
    agg_up = jnp.concatenate(
        [partial[0, :number_up], partial[1, :number_up]], axis=1
    )
    agg_up = agg_up / jnp.maximum(cnt, 1.0)[:, None]
    upd = _matmul_bias(agg_up, W2, jnp.zeros_like(b2), bm=640)
    upd_p = jnp.concatenate([upd, jnp.zeros((1, _D), jnp.float32)])
    idxg = jnp.where(up_points, cs_up - 1, number_up)
    out = feats + b2 + upd_p[idxg]
    return out, up_points, i, j

# --- scband reference (transcript-rebuilt; emitter-appended) ---
"""Pipeline reference for scband-downsample-14001593385539 (READ-ONLY COPY).

The authoritative reference and input builder live on the scoring server;
editing this copy changes nothing except your own understanding.
"""

import jax, jax.numpy as jnp
import numpy as np

N = 10000
HIDDEN = 512


def setup_inputs(seed: int = 0) -> dict:
    key = jax.random.key(seed)
    ks = jax.random.split(key, 9)
    h = jax.random.normal(ks[0], (N, HIDDEN), dtype=jnp.float32)
    s_l = jax.random.normal(ks[1], (N, 3), dtype=jnp.float32)
    scores = jax.random.uniform(ks[2], (N,), dtype=jnp.float32)
    # embedding_features_to_att: Linear(hidden_dim + 3, hidden_dim)
    W_att = jax.random.normal(ks[3], (HIDDEN + 3, HIDDEN), dtype=jnp.float32) * 0.02
    b_att = jnp.zeros((HIDDEN,), dtype=jnp.float32)
    # MLP_difs(hidden_dim, hidden_dim): edge-difference MLP + mean aggregation
    W1 = jax.random.normal(ks[4], (HIDDEN, HIDDEN), dtype=jnp.float32) * 0.02
    b1 = jnp.zeros((HIDDEN,), dtype=jnp.float32)
    W2 = jax.random.normal(ks[5], (HIDDEN, HIDDEN), dtype=jnp.float32) * 0.02
    b2 = jnp.zeros((HIDDEN,), dtype=jnp.float32)
    return {"h": h, "s_l": s_l, "scores": scores, "W_att": W_att, "b_att": b_att,
            "W1": W1, "b1": b1, "W2": W2, "b2": b2}


def reference(h, s_l, scores, W_att, b_att, W1, b1, W2, b2):
    n = h.shape[0]
    number_up = int(np.floor(n * 0.25))
    number_down = n - number_up
    # up points = top-25% by score (descending sort, take first number_up)
    order = jnp.flip(jnp.argsort(scores))
    up_idx = order[:number_up]
    up_points = jnp.zeros((n,), dtype=bool).at[up_idx].set(True)
    M_i = 5 if number_up > 5 else number_up
    # stable sort of the mask: down-node indices first (ascending),
    # up-node indices last (ascending) -- same order as boolean masking
    group_order = jnp.argsort(up_points, stable=True)
    nodes_down = group_order[:number_down]
    nodes_up = group_order[number_down:]
    # directional kNN: for each down point, M_i nearest up points in s_l space
    down_pos = s_l[nodes_down]
    up_pos = s_l[nodes_up]
    d2 = jnp.sum((down_pos[:, None, :] - up_pos[None, :, :]) ** 2, axis=-1)  # [Nd, Nu]
    _, neigh_indices = jax.lax.top_k(-d2, M_i)  # [Nd, M_i]
    j = nodes_up[neigh_indices].reshape(-1)
    i = jnp.repeat(nodes_down, M_i)
    # features = Linear(cat(h, s_l))
    feats = jnp.concatenate([h, s_l], axis=1) @ W_att + b_att
    # MLP_difs: per-edge difference MLP, mean-aggregated at dst, residual add
    diff = feats[i] - feats[j]
    m = jax.nn.relu(diff @ W1 + b1)
    agg = jax.ops.segment_sum(m, j, num_segments=n)
    cnt = jax.ops.segment_sum(jnp.ones(j.shape, dtype=jnp.float32), j, num_segments=n)
    agg = agg / jnp.maximum(cnt, 1.0)[:, None]
    feats = feats + agg @ W2 + b2
    return feats, up_points, i, j

if __name__ == "__main__":
    import jax
    _d = setup_inputs()
    print(jax.jit(kernel)(*tuple(_d.values())))

</pallas_src>

<mosaic_0001>
#map = affine_map<(d0, d1) -> (0, 0)>
#map1 = affine_map<(d0, d1) -> (0, 0, 0)>
module attributes {stable_mosaic.version = 14 : i64} {
  func.func @_edge_msg_kernel(%arg0: i32, %arg1: i32, %arg2: memref<20000x256xf32, #tpu.memory_space<hbm>>, %arg3: memref<20000x256xf32, #tpu.memory_space<hbm>>, %arg4: memref<16x37x64xi32, #tpu.memory_space<hbm>>, %arg5: memref<16x37x64xi32, #tpu.memory_space<hbm>>, %arg6: memref<2x37888x256xf32, #tpu.memory_space<hbm>>, %arg7: memref<37x64xi32, #tpu.memory_space<vmem>>, %arg8: memref<37x64xi32, #tpu.memory_space<vmem>>, %arg9: memref<64x256xf32, #tpu.memory_space<vmem>>, %arg10: memref<64x256xf32, #tpu.memory_space<vmem>>, %arg11: memref<64x256xf32, #tpu.memory_space<vmem>>, %arg12: memref<64x256xf32, #tpu.memory_space<vmem>>, %arg13: memref<!tpu.dma_semaphore, #tpu.memory_space<semaphore_mem>>, %arg14: memref<!tpu.dma_semaphore, #tpu.memory_space<semaphore_mem>>) attributes {dimension_semantics = [#tpu.dimension_semantics<core_parallel>, #tpu.dimension_semantics<subcore_parallel>], iteration_bounds = array<i64: 2, 16>, scalar_prefetch = 0 : i64, scratch_operands = 8 : i64, tpu.core_type = #tpu.core_type<sc_vector_subcore>, window_params = [{transform_indices = #map}, {transform_indices = #map}, {transform_indices = #map1}, {transform_indices = #map1}, {transform_indices = #map1}]} {
    "tpu.region"() ({
      %run_scoped3A = tpu.sem_alloc : memref<!tpu.dma_semaphore, #tpu.memory_space<semaphore_mem>>
      %dma_start3A_64 = arith.constant 0 : i32
      %dma_start3A_65 = arith.constant 0 : i32
      %dma_start3A_66 = tpu.memref_slice %arg4[%arg1, %dma_start3A_64, %dma_start3A_65] : memref<16x37x64xi32, #tpu.memory_space<hbm>> -> memref<1x37x64xi32, #tpu.memory_space<hbm>>
      %dma_start3A_67 = tpu.memref_squeeze %dma_start3A_66 : memref<1x37x64xi32, #tpu.memory_space<hbm>> -> memref<37x64xi32, #tpu.memory_space<hbm>>
      %dma_start3A_68 = arith.constant 0 : i32
      %dma_start3A_69 = arith.constant 0 : i32
      %dma_start3A_70 = tpu.memref_slice %arg4[%arg1, %dma_start3A_68, %dma_start3A_69] : memref<16x37x64xi32, #tpu.memory_space<hbm>> -> memref<1x37x64xi32, #tpu.memory_space<hbm>>
      %dma_start3A_71 = tpu.memref_squeeze %dma_start3A_70 : memref<1x37x64xi32, #tpu.memory_space<hbm>> -> memref<37x64xi32, #tpu.memory_space<hbm>>
      tpu.enqueue_dma source(%dma_start3A_71 : memref<37x64xi32, #tpu.memory_space<hbm>>) target(%arg7 : memref<37x64xi32, #tpu.memory_space<vmem>>) target_semaphore(%run_scoped3A : memref<!tpu.dma_semaphore, #tpu.memory_space<semaphore_mem>>)
      %dma_wait3A_72 = arith.constant 0 : i32
      %dma_wait3A_73 = arith.constant 0 : i32
      %dma_wait3A_74 = tpu.memref_slice %arg4[%arg1, %dma_wait3A_72, %dma_wait3A_73] : memref<16x37x64xi32, #tpu.memory_space<hbm>> -> memref<1x37x64xi32, #tpu.memory_space<hbm>>
      %dma_wait3A_75 = tpu.memref_squeeze %dma_wait3A_74 : memref<1x37x64xi32, #tpu.memory_space<hbm>> -> memref<37x64xi32, #tpu.memory_space<hbm>>
      %dma_wait3A_76 = arith.constant 0 : i32
      %dma_wait3A_77 = arith.constant 0 : i32
      %dma_wait3A_78 = tpu.memref_slice %arg4[%arg1, %dma_wait3A_76, %dma_wait3A_77] : memref<16x37x64xi32, #tpu.memory_space<hbm>> -> memref<1x37x64xi32, #tpu.memory_space<hbm>>
      %dma_wait3A_79 = tpu.memref_squeeze %dma_wait3A_78 : memref<1x37x64xi32, #tpu.memory_space<hbm>> -> memref<37x64xi32, #tpu.memory_space<hbm>>
      tpu.wait_dma2 semaphore(%run_scoped3A : memref<!tpu.dma_semaphore, #tpu.memory_space<semaphore_mem>>) src(%dma_wait3A_79 : memref<37x64xi32, #tpu.memory_space<hbm>>) dst(%arg7 : memref<37x64xi32, #tpu.memory_space<vmem>>)
      tpu.yield
    }) : () -> ()
    "tpu.region"() ({
      %run_scoped3A = tpu.sem_alloc : memref<!tpu.dma_semaphore, #tpu.memory_space<semaphore_mem>>
      %dma_start3A_64 = arith.constant 0 : i32
      %dma_start3A_65 = arith.constant 0 : i32
      %dma_start3A_66 = tpu.memref_slice %arg5[%arg1, %dma_start3A_64, %dma_start3A_65] : memref<16x37x64xi32, #tpu.memory_space<hbm>> -> memref<1x37x64xi32, #tpu.memory_space<hbm>>
      %dma_start3A_67 = tpu.memref_squeeze %dma_start3A_66 : memref<1x37x64xi32, #tpu.memory_space<hbm>> -> memref<37x64xi32, #tpu.memory_space<hbm>>
      %dma_start3A_68 = arith.constant 0 : i32
      %dma_start3A_69 = arith.constant 0 : i32
      %dma_start3A_70 = tpu.memref_slice %arg5[%arg1, %dma_start3A_68, %dma_start3A_69] : memref<16x37x64xi32, #tpu.memory_space<hbm>> -> memref<1x37x64xi32, #tpu.memory_space<hbm>>
      %dma_start3A_71 = tpu.memref_squeeze %dma_start3A_70 : memref<1x37x64xi32, #tpu.memory_space<hbm>> -> memref<37x64xi32, #tpu.memory_space<hbm>>
      tpu.enqueue_dma source(%dma_start3A_71 : memref<37x64xi32, #tpu.memory_space<hbm>>) target(%arg8 : memref<37x64xi32, #tpu.memory_space<vmem>>) target_semaphore(%run_scoped3A : memref<!tpu.dma_semaphore, #tpu.memory_space<semaphore_mem>>)
      %dma_wait3A_72 = arith.constant 0 : i32
      %dma_wait3A_73 = arith.constant 0 : i32
      %dma_wait3A_74 = tpu.memref_slice %arg5[%arg1, %dma_wait3A_72, %dma_wait3A_73] : memref<16x37x64xi32, #tpu.memory_space<hbm>> -> memref<1x37x64xi32, #tpu.memory_space<hbm>>
      %dma_wait3A_75 = tpu.memref_squeeze %dma_wait3A_74 : memref<1x37x64xi32, #tpu.memory_space<hbm>> -> memref<37x64xi32, #tpu.memory_space<hbm>>
      %dma_wait3A_76 = arith.constant 0 : i32
      %dma_wait3A_77 = arith.constant 0 : i32
      %dma_wait3A_78 = tpu.memref_slice %arg5[%arg1, %dma_wait3A_76, %dma_wait3A_77] : memref<16x37x64xi32, #tpu.memory_space<hbm>> -> memref<1x37x64xi32, #tpu.memory_space<hbm>>
      %dma_wait3A_79 = tpu.memref_squeeze %dma_wait3A_78 : memref<1x37x64xi32, #tpu.memory_space<hbm>> -> memref<37x64xi32, #tpu.memory_space<hbm>>
      tpu.wait_dma2 semaphore(%run_scoped3A : memref<!tpu.dma_semaphore, #tpu.memory_space<semaphore_mem>>) src(%dma_wait3A_79 : memref<37x64xi32, #tpu.memory_space<hbm>>) dst(%arg8 : memref<37x64xi32, #tpu.memory_space<vmem>>)
      tpu.yield
    }) : () -> ()
    %mul3A = arith.constant 10000 : i32
    %mul3A_0 = arith.muli %arg0, %mul3A : i32
    %broadcast_in_dim3A = arith.constant 0 : i32
    %broadcast_in_dim3A_1 = vector.broadcast %broadcast_in_dim3A : i32 to vector<16xi32>
    %add3A = vector.broadcast %mul3A_0 : i32 to vector<16xi32>
    %add3A_2 = arith.addi %add3A, %broadcast_in_dim3A_1 : vector<16xi32>
    %scan3A = arith.constant 0 : i32
    %scan3A_3 = arith.constant 0 : i32
    %scan3A_4 = arith.constant 37 : i32
    %scan3A_5 = arith.addi %scan3A_3, %scan3A_4 : i32
    %scan3A_6 = arith.constant 1 : i32
    scf.for %scan3A_64 = %scan3A_3 to %scan3A_5 step %scan3A_6  : i32 {
      %get3A = arith.index_cast %scan3A_64 : i32 to index
      %get3A_65 = arith.constant 0 : index
      %get3A_66 = tpu.vector_load %arg7[%get3A, %get3A_65] {strides = array<i32>} : memref<37x64xi32, #tpu.memory_space<vmem>>, vector<1x16xi32>,
      %get3A_67 = vector.shape_cast %get3A_66 : vector<1x16xi32> to vector<16xi32>
      %add3A_68 = arith.addi %get3A_67, %add3A_2 : vector<16xi32>
      %swap3A = arith.index_cast %scan3A_64 : i32 to index
      %swap3A_69 = arith.constant 0 : index
      %swap3A_70 = tpu.vector_load %arg7[%swap3A, %swap3A_69] {strides = array<i32>} : memref<37x64xi32, #tpu.memory_space<vmem>>, vector<1x16xi32>,
      %swap3A_71 = vector.shape_cast %swap3A_70 : vector<1x16xi32> to vector<16xi32>
      %swap3A_72 = vector.shape_cast %add3A_68 : vector<16xi32> to vector<1x16xi32>
      tpu.vector_store %arg7[%swap3A, %swap3A_69], %swap3A_72 {strides = array<i32>} : memref<37x64xi32, #tpu.memory_space<vmem>>, vector<1x16xi32>,
      %get3A_73 = arith.index_cast %scan3A_64 : i32 to index
      %get3A_74 = arith.constant 0 : index
      %get3A_75 = tpu.vector_load %arg8[%get3A_73, %get3A_74] {strides = array<i32>} : memref<37x64xi32, #tpu.memory_space<vmem>>, vector<1x16xi32>,
      %get3A_76 = vector.shape_cast %get3A_75 : vector<1x16xi32> to vector<16xi32>
      %add3A_77 = arith.addi %get3A_76, %add3A_2 : vector<16xi32>
      %swap3A_78 = arith.index_cast %scan3A_64 : i32 to index
      %swap3A_79 = arith.constant 0 : index
      %swap3A_80 = tpu.vector_load %arg8[%swap3A_78, %swap3A_79] {strides = array<i32>} : memref<37x64xi32, #tpu.memory_space<vmem>>, vector<1x16xi32>,
      %swap3A_81 = vector.shape_cast %swap3A_80 : vector<1x16xi32> to vector<16xi32>
      %swap3A_82 = vector.shape_cast %add3A_77 : vector<16xi32> to vector<1x16xi32>
      tpu.vector_store %arg8[%swap3A_78, %swap3A_79], %swap3A_82 {strides = array<i32>} : memref<37x64xi32, #tpu.memory_space<vmem>>, vector<1x16xi32>,
      %get3A_83 = arith.index_cast %scan3A_64 : i32 to index
      %get3A_84 = arith.constant 16 : index
      %get3A_85 = tpu.vector_load %arg7[%get3A_83, %get3A_84] {strides = array<i32>} : memref<37x64xi32, #tpu.memory_space<vmem>>, vector<1x16xi32>,
      %get3A_86 = vector.shape_cast %get3A_85 : vector<1x16xi32> to vector<16xi32>
      %add3A_87 = arith.addi %get3A_86, %add3A_2 : vector<16xi32>
      %swap3A_88 = arith.index_cast %scan3A_64 : i32 to index
      %swap3A_89 = arith.constant 16 : index
      %swap3A_90 = tpu.vector_load %arg7[%swap3A_88, %swap3A_89] {strides = array<i32>} : memref<37x64xi32, #tpu.memory_space<vmem>>, vector<1x16xi32>,
      %swap3A_91 = vector.shape_cast %swap3A_90 : vector<1x16xi32> to vector<16xi32>
      %swap3A_92 = vector.shape_cast %add3A_87 : vector<16xi32> to vector<1x16xi32>
      tpu.vector_store %arg7[%swap3A_88, %swap3A_89], %swap3A_92 {strides = array<i32>} : memref<37x64xi32, #tpu.memory_space<vmem>>, vector<1x16xi32>,
      %get3A_93 = arith.index_cast %scan3A_64 : i32 to index
      %get3A_94 = arith.constant 16 : index
      %get3A_95 = tpu.vector_load %arg8[%get3A_93, %get3A_94] {strides = array<i32>} : memref<37x64xi32, #tpu.memory_space<vmem>>, vector<1x16xi32>,
      %get3A_96 = vector.shape_cast %get3A_95 : vector<1x16xi32> to vector<16xi32>
      %add3A_97 = arith.addi %get3A_96, %add3A_2 : vector<16xi32>
      %swap3A_98 = arith.index_cast %scan3A_64 : i32 to index
      %swap3A_99 = arith.constant 16 : index
      %swap3A_100 = tpu.vector_load %arg8[%swap3A_98, %swap3A_99] {strides = array<i32>} : memref<37x64xi32, #tpu.memory_space<vmem>>, vector<1x16xi32>,
      %swap3A_101 = vector.shape_cast %swap3A_100 : vector<1x16xi32> to vector<16xi32>
      %swap3A_102 = vector.shape_cast %add3A_97 : vector<16xi32> to vector<1x16xi32>
      tpu.vector_store %arg8[%swap3A_98, %swap3A_99], %swap3A_102 {strides = array<i32>} : memref<37x64xi32, #tpu.memory_space<vmem>>, vector<1x16xi32>,
      %get3A_103 = arith.index_cast %scan3A_64 : i32 to index
      %get3A_104 = arith.constant 32 : index
      %get3A_105 = tpu.vector_load %arg7[%get3A_103, %get3A_104] {strides = array<i32>} : memref<37x64xi32, #tpu.memory_space<vmem>>, vector<1x16xi32>,
      %get3A_106 = vector.shape_cast %get3A_105 : vector<1x16xi32> to vector<16xi32>
      %add3A_107 = arith.addi %get3A_106, %add3A_2 : vector<16xi32>
      %swap3A_108 = arith.index_cast %scan3A_64 : i32 to index
      %swap3A_109 = arith.constant 32 : index
      %swap3A_110 = tpu.vector_load %arg7[%swap3A_108, %swap3A_109] {strides = array<i32>} : memref<37x64xi32, #tpu.memory_space<vmem>>, vector<1x16xi32>,
      %swap3A_111 = vector.shape_cast %swap3A_110 : vector<1x16xi32> to vector<16xi32>
      %swap3A_112 = vector.shape_cast %add3A_107 : vector<16xi32> to vector<1x16xi32>
      tpu.vector_store %arg7[%swap3A_108, %swap3A_109], %swap3A_112 {strides = array<i32>} : memref<37x64xi32, #tpu.memory_space<vmem>>, vector<1x16xi32>,
      %get3A_113 = arith.index_cast %scan3A_64 : i32 to index
      %get3A_114 = arith.constant 32 : index
      %get3A_115 = tpu.vector_load %arg8[%get3A_113, %get3A_114] {strides = array<i32>} : memref<37x64xi32, #tpu.memory_space<vmem>>, vector<1x16xi32>,
      %get3A_116 = vector.shape_cast %get3A_115 : vector<1x16xi32> to vector<16xi32>
      %add3A_117 = arith.addi %get3A_116, %add3A_2 : vector<16xi32>
      %swap3A_118 = arith.index_cast %scan3A_64 : i32 to index
      %swap3A_119 = arith.constant 32 : index
      %swap3A_120 = tpu.vector_load %arg8[%swap3A_118, %swap3A_119] {strides = array<i32>} : memref<37x64xi32, #tpu.memory_space<vmem>>, vector<1x16xi32>,
      %swap3A_121 = vector.shape_cast %swap3A_120 : vector<1x16xi32> to vector<16xi32>
      %swap3A_122 = vector.shape_cast %add3A_117 : vector<16xi32> to vector<1x16xi32>
      tpu.vector_store %arg8[%swap3A_118, %swap3A_119], %swap3A_122 {strides = array<i32>} : memref<37x64xi32, #tpu.memory_space<vmem>>, vector<1x16xi32>,
      %get3A_123 = arith.index_cast %scan3A_64 : i32 to index
      %get3A_124 = arith.constant 48 : index
      %get3A_125 = tpu.vector_load %arg7[%get3A_123, %get3A_124] {strides = array<i32>} : memref<37x64xi32, #tpu.memory_space<vmem>>, vector<1x16xi32>,
      %get3A_126 = vector.shape_cast %get3A_125 : vector<1x16xi32> to vector<16xi32>
      %add3A_127 = arith.addi %get3A_126, %add3A_2 : vector<16xi32>
      %swap3A_128 = arith.index_cast %scan3A_64 : i32 to index
      %swap3A_129 = arith.constant 48 : index
      %swap3A_130 = tpu.vector_load %arg7[%swap3A_128, %swap3A_129] {strides = array<i32>} : memref<37x64xi32, #tpu.memory_space<vmem>>, vector<1x16xi32>,
      %swap3A_131 = vector.shape_cast %swap3A_130 : vector<1x16xi32> to vector<16xi32>
      %swap3A_132 = vector.shape_cast %add3A_127 : vector<16xi32> to vector<1x16xi32>
      tpu.vector_store %arg7[%swap3A_128, %swap3A_129], %swap3A_132 {strides = array<i32>} : memref<37x64xi32, #tpu.memory_space<vmem>>, vector<1x16xi32>,
      %get3A_133 = arith.index_cast %scan3A_64 : i32 to index
      %get3A_134 = arith.constant 48 : index
      %get3A_135 = tpu.vector_load %arg8[%get3A_133, %get3A_134] {strides = array<i32>} : memref<37x64xi32, #tpu.memory_space<vmem>>, vector<1x16xi32>,
      %get3A_136 = vector.shape_cast %get3A_135 : vector<1x16xi32> to vector<16xi32>
      %add3A_137 = arith.addi %get3A_136, %add3A_2 : vector<16xi32>
      %swap3A_138 = arith.index_cast %scan3A_64 : i32 to index
      %swap3A_139 = arith.constant 48 : index
      %swap3A_140 = tpu.vector_load %arg8[%swap3A_138, %swap3A_139] {strides = array<i32>} : memref<37x64xi32, #tpu.memory_space<vmem>>, vector<1x16xi32>,
      %swap3A_141 = vector.shape_cast %swap3A_140 : vector<1x16xi32> to vector<16xi32>
      %swap3A_142 = vector.shape_cast %add3A_137 : vector<16xi32> to vector<1x16xi32>
      tpu.vector_store %arg8[%swap3A_138, %swap3A_139], %swap3A_142 {strides = array<i32>} : memref<37x64xi32, #tpu.memory_space<vmem>>, vector<1x16xi32>,
    }
    %scan3A_7 = arith.constant 37 : i32
    %dma_start3A = arith.constant 0 : i32
    %dma_start3A_8 = arith.constant 0 : i32
    %dma_start3A_9 = tpu.memref_slice %arg7[%dma_start3A, %dma_start3A_8] : memref<37x64xi32, #tpu.memory_space<vmem>> -> memref<1x64xi32, #tpu.memory_space<vmem>>
    %dma_start3A_10 = tpu.memref_squeeze %dma_start3A_9 : memref<1x64xi32, #tpu.memory_space<vmem>> -> memref<64xi32, #tpu.memory_space<vmem>>
    %dma_start3A_11 = arith.constant 0 : i32
    %dma_start3A_12 = arith.constant 0 : i32
    %dma_start3A_13 = tpu.memref_slice %arg2[%dma_start3A_11, %dma_start3A_12] : memref<20000x256xf32, #tpu.memory_space<hbm>> -> memref<20000x256xf32, #tpu.memory_space<hbm>>
    tpu.enqueue_indirect_dma source(%dma_start3A_13 : memref<20000x256xf32, #tpu.memory_space<hbm>>) target(%arg9 : memref<64x256xf32, #tpu.memory_space<vmem>>) offsets(%dma_start3A_10 : memref<64xi32, #tpu.memory_space<vmem>>) semaphore(%arg13 : memref<!tpu.dma_semaphore, #tpu.memory_space<semaphore_mem>>)
    %dma_start3A_14 = arith.constant 0 : i32
    %dma_start3A_15 = arith.constant 0 : i32
    %dma_start3A_16 = tpu.memref_slice %arg8[%dma_start3A_14, %dma_start3A_15] : memref<37x64xi32, #tpu.memory_space<vmem>> -> memref<1x64xi32, #tpu.memory_space<vmem>>
    %dma_start3A_17 = tpu.memref_squeeze %dma_start3A_16 : memref<1x64xi32, #tpu.memory_space<vmem>> -> memref<64xi32, #tpu.memory_space<vmem>>
    %dma_start3A_18 = arith.constant 0 : i32
    %dma_start3A_19 = arith.constant 0 : i32
    %dma_start3A_20 = tpu.memref_slice %arg3[%dma_start3A_18, %dma_start3A_19] : memref<20000x256xf32, #tpu.memory_space<hbm>> -> memref<20000x256xf32, #tpu.memory_space<hbm>>
    tpu.enqueue_indirect_dma source(%dma_start3A_20 : memref<20000x256xf32, #tpu.memory_space<hbm>>) target(%arg10 : memref<64x256xf32, #tpu.memory_space<vmem>>) offsets(%dma_start3A_17 : memref<64xi32, #tpu.memory_space<vmem>>) semaphore(%arg13 : memref<!tpu.dma_semaphore, #tpu.memory_space<semaphore_mem>>)
    %dma_start3A_21 = arith.constant 1 : i32
    %dma_start3A_22 = arith.constant 0 : i32
    %dma_start3A_23 = tpu.memref_slice %arg7[%dma_start3A_21, %dma_start3A_22] : memref<37x64xi32, #tpu.memory_space<vmem>> -> memref<1x64xi32, #tpu.memory_space<vmem>>
    %dma_start3A_24 = tpu.memref_squeeze %dma_start3A_23 : memref<1x64xi32, #tpu.memory_space<vmem>> -> memref<64xi32, #tpu.memory_space<vmem>>
    %dma_start3A_25 = arith.constant 0 : i32
    %dma_start3A_26 = arith.constant 0 : i32
    %dma_start3A_27 = tpu.memref_slice %arg2[%dma_start3A_25, %dma_start3A_26] : memref<20000x256xf32, #tpu.memory_space<hbm>> -> memref<20000x256xf32, #tpu.memory_space<hbm>>
    tpu.enqueue_indirect_dma source(%dma_start3A_27 : memref<20000x256xf32, #tpu.memory_space<hbm>>) target(%arg11 : memref<64x256xf32, #tpu.memory_space<vmem>>) offsets(%dma_start3A_24 : memref<64xi32, #tpu.memory_space<vmem>>) semaphore(%arg14 : memref<!tpu.dma_semaphore, #tpu.memory_space<semaphore_mem>>)
    %dma_start3A_28 = arith.constant 1 : i32
    %dma_start3A_29 = arith.constant 0 : i32
    %dma_start3A_30 = tpu.memref_slice %arg8[%dma_start3A_28, %dma_start3A_29] : memref<37x64xi32, #tpu.memory_space<vmem>> -> memref<1x64xi32, #tpu.memory_space<vmem>>
    %dma_start3A_31 = tpu.memref_squeeze %dma_start3A_30 : memref<1x64xi32, #tpu.memory_space<vmem>> -> memref<64xi32, #tpu.memory_space<vmem>>
    %dma_start3A_32 = arith.constant 0 : i32
    %dma_start3A_33 = arith.constant 0 : i32
    %dma_start3A_34 = tpu.memref_slice %arg3[%dma_start3A_32, %dma_start3A_33] : memref<20000x256xf32, #tpu.memory_space<hbm>> -> memref<20000x256xf32, #tpu.memory_space<hbm>>
    tpu.enqueue_indirect_dma source(%dma_start3A_34 : memref<20000x256xf32, #tpu.memory_space<hbm>>) target(%arg12 : memref<64x256xf32, #tpu.memory_space<vmem>>) offsets(%dma_start3A_31 : memref<64xi32, #tpu.memory_space<vmem>>) semaphore(%arg14 : memref<!tpu.dma_semaphore, #tpu.memory_space<semaphore_mem>>)
    %scan3A_35 = arith.constant 0 : i32
    %scan3A_36 = arith.constant 0 : i32
    %scan3A_37 = arith.constant 18 : i32
    %scan3A_38 = arith.addi %scan3A_36, %scan3A_37 : i32
    %scan3A_39 = arith.constant 1 : i32
    scf.for %scan3A_64 = %scan3A_36 to %scan3A_38 step %scan3A_39  : i32 {
      %mul3A_65 = arith.constant 2 : i32
      %mul3A_66 = arith.muli %mul3A_65, %scan3A_64 : i32
      %dma_wait3A_67 = arith.constant 0 : i32
      %dma_wait3A_68 = arith.constant 0 : i32
      %dma_wait3A_69 = tpu.memref_slice %arg7[%dma_wait3A_67, %dma_wait3A_68] : memref<37x64xi32, #tpu.memory_space<vmem>> -> memref<1x64xi32, #tpu.memory_space<vmem>>
      %dma_wait3A_70 = tpu.memref_squeeze %dma_wait3A_69 : memref<1x64xi32, #tpu.memory_space<vmem>> -> memref<64xi32, #tpu.memory_space<vmem>>
      %dma_wait3A_71 = arith.constant 0 : i32
      %dma_wait3A_72 = arith.constant 0 : i32
      %dma_wait3A_73 = tpu.memref_slice %arg2[%dma_wait3A_71, %dma_wait3A_72] : memref<20000x256xf32, #tpu.memory_space<hbm>> -> memref<20000x256xf32, #tpu.memory_space<hbm>>
      tpu.wait_indirect_dma semaphore(%arg13 : memref<!tpu.dma_semaphore, #tpu.memory_space<semaphore_mem>>) src(%dma_wait3A_73 : memref<20000x256xf32, #tpu.memory_space<hbm>>) dst(%arg9 : memref<64x256xf32, #tpu.memory_space<vmem>>)
      %dma_wait3A_74 = arith.constant 0 : i32
      %dma_wait3A_75 = arith.constant 0 : i32
      %dma_wait3A_76 = tpu.memref_slice %arg8[%dma_wait3A_74, %dma_wait3A_75] : memref<37x64xi32, #tpu.memory_space<vmem>> -> memref<1x64xi32, #tpu.memory_space<vmem>>
      %dma_wait3A_77 = tpu.memref_squeeze %dma_wait3A_76 : memref<1x64xi32, #tpu.memory_space<vmem>> -> memref<64xi32, #tpu.memory_space<vmem>>
      %dma_wait3A_78 = arith.constant 0 : i32
      %dma_wait3A_79 = arith.constant 0 : i32
      %dma_wait3A_80 = tpu.memref_slice %arg3[%dma_wait3A_78, %dma_wait3A_79] : memref<20000x256xf32, #tpu.memory_space<hbm>> -> memref<20000x256xf32, #tpu.memory_space<hbm>>
      tpu.wait_indirect_dma semaphore(%arg13 : memref<!tpu.dma_semaphore, #tpu.memory_space<semaphore_mem>>) src(%dma_wait3A_80 : memref<20000x256xf32, #tpu.memory_space<hbm>>) dst(%arg10 : memref<64x256xf32, #tpu.memory_space<vmem>>)
      %scan3A_81 = arith.constant 0 : i32
      %scan3A_82 = arith.constant 0 : i32
      %scan3A_83 = arith.constant 64 : i32
      %scan3A_84 = arith.addi %scan3A_82, %scan3A_83 : i32
      %scan3A_85 = arith.constant 1 : i32
      scf.for %scan3A_130 = %scan3A_82 to %scan3A_84 step %scan3A_85  : i32 {
        %scan3A_131 = arith.constant 0 : i32
        %scan3A_132 = arith.constant 16 : i32
        %scan3A_133 = arith.addi %scan3A_131, %scan3A_132 : i32
        %scan3A_134 = arith.constant 1 : i32
        scf.for %scan3A_136 = %scan3A_131 to %scan3A_133 step %scan3A_134  : i32 {
          %mul3A_137 = arith.constant 16 : i32
          %mul3A_138 = arith.muli %scan3A_136, %mul3A_137 : i32
          %get3A = arith.index_cast %scan3A_130 : i32 to index
          %get3A_139 = arith.index_cast %mul3A_138 : i32 to index
          %get3A_140 = tpu.vector_load %arg9[%get3A, %get3A_139] {strides = array<i32>} : memref<64x256xf32, #tpu.memory_space<vmem>>, vector<1x16xf32>,
          %get3A_141 = vector.shape_cast %get3A_140 : vector<1x16xf32> to vector<16xf32>
          %mul3A_142 = arith.constant 16 : i32
          %mul3A_143 = arith.muli %scan3A_136, %mul3A_142 : i32
          %get3A_144 = arith.index_cast %scan3A_130 : i32 to index
          %get3A_145 = arith.index_cast %mul3A_143 : i32 to index
          %get3A_146 = tpu.vector_load %arg10[%get3A_144, %get3A_145] {strides = array<i32>} : memref<64x256xf32, #tpu.memory_space<vmem>>, vector<1x16xf32>,
          %get3A_147 = vector.shape_cast %get3A_146 : vector<1x16xf32> to vector<16xf32>
          %sub3A = arith.subf %get3A_141, %get3A_147 : vector<16xf32>
          %max3A = arith.constant 0.000000e+00 : f32
          %max3A_148 = vector.broadcast %max3A : f32 to vector<16xf32>
          %max3A_149 = arith.maximumf %sub3A, %max3A_148 : vector<16xf32>
          %mul3A_150 = arith.constant 16 : i32
          %mul3A_151 = arith.muli %scan3A_136, %mul3A_150 : i32
          %swap3A = arith.index_cast %scan3A_130 : i32 to index
          %swap3A_152 = arith.index_cast %mul3A_151 : i32 to index
          %swap3A_153 = tpu.vector_load %arg9[%swap3A, %swap3A_152] {strides = array<i32>} : memref<64x256xf32, #tpu.memory_space<vmem>>, vector<1x16xf32>,
          %swap3A_154 = vector.shape_cast %swap3A_153 : vector<1x16xf32> to vector<16xf32>
          %swap3A_155 = vector.shape_cast %max3A_149 : vector<16xf32> to vector<1x16xf32>
          tpu.vector_store %arg9[%swap3A, %swap3A_152], %swap3A_155 {strides = array<i32>} : memref<64x256xf32, #tpu.memory_space<vmem>>, vector<1x16xf32>,
        }
        %scan3A_135 = arith.constant 16 : i32
      }
      %scan3A_86 = arith.constant 64 : i32
      %mul3A_87 = arith.constant 2368 : i32
      %mul3A_88 = arith.muli %arg1, %mul3A_87 : i32
      %mul3A_89 = arith.constant 64 : i32
      %mul3A_90 = arith.muli %mul3A_66, %mul3A_89 : i32
      %add3A_91 = arith.addi %mul3A_88, %mul3A_90 : i32
      "tpu.region"() ({
        %run_scoped3A = tpu.sem_alloc : memref<!tpu.dma_semaphore, #tpu.memory_space<semaphore_mem>>
        %dma_start3A_130 = arith.constant 0 : i32
        %dma_start3A_131 = tpu.memref_slice %arg6[%arg0, %add3A_91, %dma_start3A_130] : memref<2x37888x256xf32, #tpu.memory_space<hbm>> -> memref<1x64x256xf32, #tpu.memory_space<hbm>>
        %dma_start3A_132 = tpu.memref_squeeze %dma_start3A_131 : memref<1x64x256xf32, #tpu.memory_space<hbm>> -> memref<64x256xf32, #tpu.memory_space<hbm>>
        %dma_start3A_133 = arith.constant 0 : i32
        %dma_start3A_134 = tpu.memref_slice %arg6[%arg0, %add3A_91, %dma_start3A_133] : memref<2x37888x256xf32, #tpu.memory_space<hbm>> -> memref<1x64x256xf32, #tpu.memory_space<hbm>>
        %dma_start3A_135 = tpu.memref_squeeze %dma_start3A_134 : memref<1x64x256xf32, #tpu.memory_space<hbm>> -> memref<64x256xf32, #tpu.memory_space<hbm>>
        tpu.enqueue_dma source(%arg9 : memref<64x256xf32, #tpu.memory_space<vmem>>) target(%dma_start3A_135 : memref<64x256xf32, #tpu.memory_space<hbm>>) target_semaphore(%run_scoped3A : memref<!tpu.dma_semaphore, #tpu.memory_space<semaphore_mem>>)
        %dma_wait3A_136 = arith.constant 0 : i32
        %dma_wait3A_137 = tpu.memref_slice %arg6[%arg0, %add3A_91, %dma_wait3A_136] : memref<2x37888x256xf32, #tpu.memory_space<hbm>> -> memref<1x64x256xf32, #tpu.memory_space<hbm>>
        %dma_wait3A_138 = tpu.memref_squeeze %dma_wait3A_137 : memref<1x64x256xf32, #tpu.memory_space<hbm>> -> memref<64x256xf32, #tpu.memory_space<hbm>>
        %dma_wait3A_139 = arith.constant 0 : i32
        %dma_wait3A_140 = tpu.memref_slice %arg6[%arg0, %add3A_91, %dma_wait3A_139] : memref<2x37888x256xf32, #tpu.memory_space<hbm>> -> memref<1x64x256xf32, #tpu.memory_space<hbm>>
        %dma_wait3A_141 = tpu.memref_squeeze %dma_wait3A_140 : memref<1x64x256xf32, #tpu.memory_space<hbm>> -> memref<64x256xf32, #tpu.memory_space<hbm>>
        tpu.wait_dma2 semaphore(%run_scoped3A : memref<!tpu.dma_semaphore, #tpu.memory_space<semaphore_mem>>) src(%arg9 : memref<64x256xf32, #tpu.memory_space<vmem>>) dst(%dma_wait3A_141 : memref<64x256xf32, #tpu.memory_space<hbm>>)
        tpu.yield
      }) : () -> ()
      %add3A_92 = arith.constant 2 : i32
      %add3A_93 = arith.addi %mul3A_66, %add3A_92 : i32
      %lt3A = arith.constant 37 : i32
      %lt3A_94 = arith.cmpi slt, %add3A_93, %lt3A : i32
      %convert_element_type3A = arith.extui %lt3A_94 : i1 to i32
      %cond3A = arith.constant 0 : i32
      %cond3A_95 = arith.cmpi ne, %convert_element_type3A, %cond3A : i32
      scf.if %cond3A_95 {
        %add3A_130 = arith.constant 2 : i32
        %add3A_131 = arith.addi %mul3A_66, %add3A_130 : i32
        %dma_start3A_132 = arith.constant 0 : i32
        %dma_start3A_133 = tpu.memref_slice %arg7[%add3A_131, %dma_start3A_132] : memref<37x64xi32, #tpu.memory_space<vmem>> -> memref<1x64xi32, #tpu.memory_space<vmem>>
        %dma_start3A_134 = tpu.memref_squeeze %dma_start3A_133 : memref<1x64xi32, #tpu.memory_space<vmem>> -> memref<64xi32, #tpu.memory_space<vmem>>
        %dma_start3A_135 = arith.constant 0 : i32
        %dma_start3A_136 = arith.constant 0 : i32
        %dma_start3A_137 = tpu.memref_slice %arg2[%dma_start3A_135, %dma_start3A_136] : memref<20000x256xf32, #tpu.memory_space<hbm>> -> memref<20000x256xf32, #tpu.memory_space<hbm>>
        tpu.enqueue_indirect_dma source(%dma_start3A_137 : memref<20000x256xf32, #tpu.memory_space<hbm>>) target(%arg9 : memref<64x256xf32, #tpu.memory_space<vmem>>) offsets(%dma_start3A_134 : memref<64xi32, #tpu.memory_space<vmem>>) semaphore(%arg13 : memref<!tpu.dma_semaphore, #tpu.memory_space<semaphore_mem>>)
        %dma_start3A_138 = arith.constant 0 : i32
        %dma_start3A_139 = tpu.memref_slice %arg8[%add3A_131, %dma_start3A_138] : memref<37x64xi32, #tpu.memory_space<vmem>> -> memref<1x64xi32, #tpu.memory_space<vmem>>
        %dma_start3A_140 = tpu.memref_squeeze %dma_start3A_139 : memref<1x64xi32, #tpu.memory_space<vmem>> -> memref<64xi32, #tpu.memory_space<vmem>>
        %dma_start3A_141 = arith.constant 0 : i32
        %dma_start3A_142 = arith.constant 0 : i32
        %dma_start3A_143 = tpu.memref_slice %arg3[%dma_start3A_141, %dma_start3A_142] : memref<20000x256xf32, #tpu.memory_space<hbm>> -> memref<20000x256xf32, #tpu.memory_space<hbm>>
        tpu.enqueue_indirect_dma source(%dma_start3A_143 : memref<20000x256xf32, #tpu.memory_space<hbm>>) target(%arg10 : memref<64x256xf32, #tpu.memory_space<vmem>>) offsets(%dma_start3A_140 : memref<64xi32, #tpu.memory_space<vmem>>) semaphore(%arg13 : memref<!tpu.dma_semaphore, #tpu.memory_space<semaphore_mem>>)
      } else {
      }
      %dma_wait3A_96 = arith.constant 0 : i32
      %dma_wait3A_97 = arith.constant 0 : i32
      %dma_wait3A_98 = tpu.memref_slice %arg7[%dma_wait3A_96, %dma_wait3A_97] : memref<37x64xi32, #tpu.memory_space<vmem>> -> memref<1x64xi32, #tpu.memory_space<vmem>>
      %dma_wait3A_99 = tpu.memref_squeeze %dma_wait3A_98 : memref<1x64xi32, #tpu.memory_space<vmem>> -> memref<64xi32, #tpu.memory_space<vmem>>
      %dma_wait3A_100 = arith.constant 0 : i32
      %dma_wait3A_101 = arith.constant 0 : i32
      %dma_wait3A_102 = tpu.memref_slice %arg2[%dma_wait3A_100, %dma_wait3A_101] : memref<20000x256xf32, #tpu.memory_space<hbm>> -> memref<20000x256xf32, #tpu.memory_space<hbm>>
      tpu.wait_indirect_dma semaphore(%arg14 : memref<!tpu.dma_semaphore, #tpu.memory_space<semaphore_mem>>) src(%dma_wait3A_102 : memref<20000x256xf32, #tpu.memory_space<hbm>>) dst(%arg11 : memref<64x256xf32, #tpu.memory_space<vmem>>)
      %dma_wait3A_103 = arith.constant 0 : i32
      %dma_wait3A_104 = arith.constant 0 : i32
      %dma_wait3A_105 = tpu.memref_slice %arg8[%dma_wait3A_103, %dma_wait3A_104] : memref<37x64xi32, #tpu.memory_space<vmem>> -> memref<1x64xi32, #tpu.memory_space<vmem>>
      %dma_wait3A_106 = tpu.memref_squeeze %dma_wait3A_105 : memref<1x64xi32, #tpu.memory_space<vmem>> -> memref<64xi32, #tpu.memory_space<vmem>>
      %dma_wait3A_107 = arith.constant 0 : i32
      %dma_wait3A_108 = arith.constant 0 : i32
      %dma_wait3A_109 = tpu.memref_slice %arg3[%dma_wait3A_107, %dma_wait3A_108] : memref<20000x256xf32, #tpu.memory_space<hbm>> -> memref<20000x256xf32, #tpu.memory_space<hbm>>
      tpu.wait_indirect_dma semaphore(%arg14 : memref<!tpu.dma_semaphore, #tpu.memory_space<semaphore_mem>>) src(%dma_wait3A_109 : memref<20000x256xf32, #tpu.memory_space<hbm>>) dst(%arg12 : memref<64x256xf32, #tpu.memory_space<vmem>>)
      %add3A_110 = arith.constant 1 : i32
      %add3A_111 = arith.addi %mul3A_66, %add3A_110 : i32
      %scan3A_112 = arith.constant 0 : i32
      %scan3A_113 = arith.constant 0 : i32
      %scan3A_114 = arith.constant 64 : i32
      %scan3A_115 = arith.addi %scan3A_113, %scan3A_114 : i32
      %scan3A_116 = arith.constant 1 : i32
      scf.for %scan3A_130 = %scan3A_113 to %scan3A_115 step %scan3A_116  : i32 {
        %scan3A_131 = arith.constant 0 : i32
        %scan3A_132 = arith.constant 16 : i32
        %scan3A_133 = arith.addi %scan3A_131, %scan3A_132 : i32
        %scan3A_134 = arith.constant 1 : i32
        scf.for %scan3A_136 = %scan3A_131 to %scan3A_133 step %scan3A_134  : i32 {
          %mul3A_137 = arith.constant 16 : i32
          %mul3A_138 = arith.muli %scan3A_136, %mul3A_137 : i32
          %get3A = arith.index_cast %scan3A_130 : i32 to index
          %get3A_139 = arith.index_cast %mul3A_138 : i32 to index
          %get3A_140 = tpu.vector_load %arg11[%get3A, %get3A_139] {strides = array<i32>} : memref<64x256xf32, #tpu.memory_space<vmem>>, vector<1x16xf32>,
          %get3A_141 = vector.shape_cast %get3A_140 : vector<1x16xf32> to vector<16xf32>
          %mul3A_142 = arith.constant 16 : i32
          %mul3A_143 = arith.muli %scan3A_136, %mul3A_142 : i32
          %get3A_144 = arith.index_cast %scan3A_130 : i32 to index
          %get3A_145 = arith.index_cast %mul3A_143 : i32 to index
          %get3A_146 = tpu.vector_load %arg12[%get3A_144, %get3A_145] {strides = array<i32>} : memref<64x256xf32, #tpu.memory_space<vmem>>, vector<1x16xf32>,
          %get3A_147 = vector.shape_cast %get3A_146 : vector<1x16xf32> to vector<16xf32>
          %sub3A = arith.subf %get3A_141, %get3A_147 : vector<16xf32>
          %max3A = arith.constant 0.000000e+00 : f32
          %max3A_148 = vector.broadcast %max3A : f32 to vector<16xf32>
          %max3A_149 = arith.maximumf %sub3A, %max3A_148 : vector<16xf32>
          %mul3A_150 = arith.constant 16 : i32
          %mul3A_151 = arith.muli %scan3A_136, %mul3A_150 : i32
          %swap3A = arith.index_cast %scan3A_130 : i32 to index
          %swap3A_152 = arith.index_cast %mul3A_151 : i32 to index
          %swap3A_153 = tpu.vector_load %arg11[%swap3A, %swap3A_152] {strides = array<i32>} : memref<64x256xf32, #tpu.memory_space<vmem>>, vector<1x16xf32>,
          %swap3A_154 = vector.shape_cast %swap3A_153 : vector<1x16xf32> to vector<16xf32>
          %swap3A_155 = vector.shape_cast %max3A_149 : vector<16xf32> to vector<1x16xf32>
          tpu.vector_store %arg11[%swap3A, %swap3A_152], %swap3A_155 {strides = array<i32>} : memref<64x256xf32, #tpu.memory_space<vmem>>, vector<1x16xf32>,
        }
        %scan3A_135 = arith.constant 16 : i32
      }
      %scan3A_117 = arith.constant 64 : i32
      %mul3A_118 = arith.constant 2368 : i32
      %mul3A_119 = arith.muli %arg1, %mul3A_118 : i32
      %mul3A_120 = arith.constant 64 : i32
      %mul3A_121 = arith.muli %add3A_111, %mul3A_120 : i32
      %add3A_122 = arith.addi %mul3A_119, %mul3A_121 : i32
      "tpu.region"() ({
        %run_scoped3A = tpu.sem_alloc : memref<!tpu.dma_semaphore, #tpu.memory_space<semaphore_mem>>
        %dma_start3A_130 = arith.constant 0 : i32
        %dma_start3A_131 = tpu.memref_slice %arg6[%arg0, %add3A_122, %dma_start3A_130] : memref<2x37888x256xf32, #tpu.memory_space<hbm>> -> memref<1x64x256xf32, #tpu.memory_space<hbm>>
        %dma_start3A_132 = tpu.memref_squeeze %dma_start3A_131 : memref<1x64x256xf32, #tpu.memory_space<hbm>> -> memref<64x256xf32, #tpu.memory_space<hbm>>
        %dma_start3A_133 = arith.constant 0 : i32
        %dma_start3A_134 = tpu.memref_slice %arg6[%arg0, %add3A_122, %dma_start3A_133] : memref<2x37888x256xf32, #tpu.memory_space<hbm>> -> memref<1x64x256xf32, #tpu.memory_space<hbm>>
        %dma_start3A_135 = tpu.memref_squeeze %dma_start3A_134 : memref<1x64x256xf32, #tpu.memory_space<hbm>> -> memref<64x256xf32, #tpu.memory_space<hbm>>
        tpu.enqueue_dma source(%arg11 : memref<64x256xf32, #tpu.memory_space<vmem>>) target(%dma_start3A_135 : memref<64x256xf32, #tpu.memory_space<hbm>>) target_semaphore(%run_scoped3A : memref<!tpu.dma_semaphore, #tpu.memory_space<semaphore_mem>>)
        %dma_wait3A_136 = arith.constant 0 : i32
        %dma_wait3A_137 = tpu.memref_slice %arg6[%arg0, %add3A_122, %dma_wait3A_136] : memref<2x37888x256xf32, #tpu.memory_space<hbm>> -> memref<1x64x256xf32, #tpu.memory_space<hbm>>
        %dma_wait3A_138 = tpu.memref_squeeze %dma_wait3A_137 : memref<1x64x256xf32, #tpu.memory_space<hbm>> -> memref<64x256xf32, #tpu.memory_space<hbm>>
        %dma_wait3A_139 = arith.constant 0 : i32
        %dma_wait3A_140 = tpu.memref_slice %arg6[%arg0, %add3A_122, %dma_wait3A_139] : memref<2x37888x256xf32, #tpu.memory_space<hbm>> -> memref<1x64x256xf32, #tpu.memory_space<hbm>>
        %dma_wait3A_141 = tpu.memref_squeeze %dma_wait3A_140 : memref<1x64x256xf32, #tpu.memory_space<hbm>> -> memref<64x256xf32, #tpu.memory_space<hbm>>
        tpu.wait_dma2 semaphore(%run_scoped3A : memref<!tpu.dma_semaphore, #tpu.memory_space<semaphore_mem>>) src(%arg11 : memref<64x256xf32, #tpu.memory_space<vmem>>) dst(%dma_wait3A_141 : memref<64x256xf32, #tpu.memory_space<hbm>>)
        tpu.yield
      }) : () -> ()
      %add3A_123 = arith.constant 3 : i32
      %add3A_124 = arith.addi %mul3A_66, %add3A_123 : i32
      %lt3A_125 = arith.constant 37 : i32
      %lt3A_126 = arith.cmpi slt, %add3A_124, %lt3A_125 : i32
      %convert_element_type3A_127 = arith.extui %lt3A_126 : i1 to i32
      %cond3A_128 = arith.constant 0 : i32
      %cond3A_129 = arith.cmpi ne, %convert_element_type3A_127, %cond3A_128 : i32
      scf.if %cond3A_129 {
        %add3A_130 = arith.constant 3 : i32
        %add3A_131 = arith.addi %mul3A_66, %add3A_130 : i32
        %dma_start3A_132 = arith.constant 0 : i32
        %dma_start3A_133 = tpu.memref_slice %arg7[%add3A_131, %dma_start3A_132] : memref<37x64xi32, #tpu.memory_space<vmem>> -> memref<1x64xi32, #tpu.memory_space<vmem>>
        %dma_start3A_134 = tpu.memref_squeeze %dma_start3A_133 : memref<1x64xi32, #tpu.memory_space<vmem>> -> memref<64xi32, #tpu.memory_space<vmem>>
        %dma_start3A_135 = arith.constant 0 : i32
        %dma_start3A_136 = arith.constant 0 : i32
        %dma_start3A_137 = tpu.memref_slice %arg2[%dma_start3A_135, %dma_start3A_136] : memref<20000x256xf32, #tpu.memory_space<hbm>> -> memref<20000x256xf32, #tpu.memory_space<hbm>>
        tpu.enqueue_indirect_dma source(%dma_start3A_137 : memref<20000x256xf32, #tpu.memory_space<hbm>>) target(%arg11 : memref<64x256xf32, #tpu.memory_space<vmem>>) offsets(%dma_start3A_134 : memref<64xi32, #tpu.memory_space<vmem>>) semaphore(%arg14 : memref<!tpu.dma_semaphore, #tpu.memory_space<semaphore_mem>>)
        %dma_start3A_138 = arith.constant 0 : i32
        %dma_start3A_139 = tpu.memref_slice %arg8[%add3A_131, %dma_start3A_138] : memref<37x64xi32, #tpu.memory_space<vmem>> -> memref<1x64xi32, #tpu.memory_space<vmem>>
        %dma_start3A_140 = tpu.memref_squeeze %dma_start3A_139 : memref<1x64xi32, #tpu.memory_space<vmem>> -> memref<64xi32, #tpu.memory_space<vmem>>
        %dma_start3A_141 = arith.constant 0 : i32
        %dma_start3A_142 = arith.constant 0 : i32
        %dma_start3A_143 = tpu.memref_slice %arg3[%dma_start3A_141, %dma_start3A_142] : memref<20000x256xf32, #tpu.memory_space<hbm>> -> memref<20000x256xf32, #tpu.memory_space<hbm>>
        tpu.enqueue_indirect_dma source(%dma_start3A_143 : memref<20000x256xf32, #tpu.memory_space<hbm>>) target(%arg12 : memref<64x256xf32, #tpu.memory_space<vmem>>) offsets(%dma_start3A_140 : memref<64xi32, #tpu.memory_space<vmem>>) semaphore(%arg14 : memref<!tpu.dma_semaphore, #tpu.memory_space<semaphore_mem>>)
      } else {
      }
    }
    %scan3A_40 = arith.constant 18 : i32
    %dma_wait3A = arith.constant 0 : i32
    %dma_wait3A_41 = arith.constant 0 : i32
    %dma_wait3A_42 = tpu.memref_slice %arg7[%dma_wait3A, %dma_wait3A_41] : memref<37x64xi32, #tpu.memory_space<vmem>> -> memref<1x64xi32, #tpu.memory_space<vmem>>
    %dma_wait3A_43 = tpu.memref_squeeze %dma_wait3A_42 : memref<1x64xi32, #tpu.memory_space<vmem>> -> memref<64xi32, #tpu.memory_space<vmem>>
    %dma_wait3A_44 = arith.constant 0 : i32
    %dma_wait3A_45 = arith.constant 0 : i32
    %dma_wait3A_46 = tpu.memref_slice %arg2[%dma_wait3A_44, %dma_wait3A_45] : memref<20000x256xf32, #tpu.memory_space<hbm>> -> memref<20000x256xf32, #tpu.memory_space<hbm>>
    tpu.wait_indirect_dma semaphore(%arg13 : memref<!tpu.dma_semaphore, #tpu.memory_space<semaphore_mem>>) src(%dma_wait3A_46 : memref<20000x256xf32, #tpu.memory_space<hbm>>) dst(%arg9 : memref<64x256xf32, #tpu.memory_space<vmem>>)
    %dma_wait3A_47 = arith.constant 0 : i32
    %dma_wait3A_48 = arith.constant 0 : i32
    %dma_wait3A_49 = tpu.memref_slice %arg8[%dma_wait3A_47, %dma_wait3A_48] : memref<37x64xi32, #tpu.memory_space<vmem>> -> memref<1x64xi32, #tpu.memory_space<vmem>>
    %dma_wait3A_50 = tpu.memref_squeeze %dma_wait3A_49 : memref<1x64xi32, #tpu.memory_space<vmem>> -> memref<64xi32, #tpu.memory_space<vmem>>
    %dma_wait3A_51 = arith.constant 0 : i32
    %dma_wait3A_52 = arith.constant 0 : i32
    %dma_wait3A_53 = tpu.memref_slice %arg3[%dma_wait3A_51, %dma_wait3A_52] : memref<20000x256xf32, #tpu.memory_space<hbm>> -> memref<20000x256xf32, #tpu.memory_space<hbm>>
    tpu.wait_indirect_dma semaphore(%arg13 : memref<!tpu.dma_semaphore, #tpu.memory_space<semaphore_mem>>) src(%dma_wait3A_53 : memref<20000x256xf32, #tpu.memory_space<hbm>>) dst(%arg10 : memref<64x256xf32, #tpu.memory_space<vmem>>)
    %scan3A_54 = arith.constant 0 : i32
    %scan3A_55 = arith.constant 0 : i32
    %scan3A_56 = arith.constant 64 : i32
    %scan3A_57 = arith.addi %scan3A_55, %scan3A_56 : i32
    %scan3A_58 = arith.constant 1 : i32
    scf.for %scan3A_64 = %scan3A_55 to %scan3A_57 step %scan3A_58  : i32 {
      %scan3A_65 = arith.constant 0 : i32
      %scan3A_66 = arith.constant 16 : i32
      %scan3A_67 = arith.addi %scan3A_65, %scan3A_66 : i32
      %scan3A_68 = arith.constant 1 : i32
      scf.for %scan3A_70 = %scan3A_65 to %scan3A_67 step %scan3A_68  : i32 {
        %mul3A_71 = arith.constant 16 : i32
        %mul3A_72 = arith.muli %scan3A_70, %mul3A_71 : i32
        %get3A = arith.index_cast %scan3A_64 : i32 to index
        %get3A_73 = arith.index_cast %mul3A_72 : i32 to index
        %get3A_74 = tpu.vector_load %arg9[%get3A, %get3A_73] {strides = array<i32>} : memref<64x256xf32, #tpu.memory_space<vmem>>, vector<1x16xf32>,
        %get3A_75 = vector.shape_cast %get3A_74 : vector<1x16xf32> to vector<16xf32>
        %mul3A_76 = arith.constant 16 : i32
        %mul3A_77 = arith.muli %scan3A_70, %mul3A_76 : i32
        %get3A_78 = arith.index_cast %scan3A_64 : i32 to index
        %get3A_79 = arith.index_cast %mul3A_77 : i32 to index
        %get3A_80 = tpu.vector_load %arg10[%get3A_78, %get3A_79] {strides = array<i32>} : memref<64x256xf32, #tpu.memory_space<vmem>>, vector<1x16xf32>,
        %get3A_81 = vector.shape_cast %get3A_80 : vector<1x16xf32> to vector<16xf32>
        %sub3A = arith.subf %get3A_75, %get3A_81 : vector<16xf32>
        %max3A = arith.constant 0.000000e+00 : f32
        %max3A_82 = vector.broadcast %max3A : f32 to vector<16xf32>
        %max3A_83 = arith.maximumf %sub3A, %max3A_82 : vector<16xf32>
        %mul3A_84 = arith.constant 16 : i32
        %mul3A_85 = arith.muli %scan3A_70, %mul3A_84 : i32
        %swap3A = arith.index_cast %scan3A_64 : i32 to index
        %swap3A_86 = arith.index_cast %mul3A_85 : i32 to index
        %swap3A_87 = tpu.vector_load %arg9[%swap3A, %swap3A_86] {strides = array<i32>} : memref<64x256xf32, #tpu.memory_space<vmem>>, vector<1x16xf32>,
        %swap3A_88 = vector.shape_cast %swap3A_87 : vector<1x16xf32> to vector<16xf32>
        %swap3A_89 = vector.shape_cast %max3A_83 : vector<16xf32> to vector<1x16xf32>
        tpu.vector_store %arg9[%swap3A, %swap3A_86], %swap3A_89 {strides = array<i32>} : memref<64x256xf32, #tpu.memory_space<vmem>>, vector<1x16xf32>,
      }
      %scan3A_69 = arith.constant 16 : i32
    }
    %scan3A_59 = arith.constant 64 : i32
    %mul3A_60 = arith.constant 2368 : i32
    %mul3A_61 = arith.muli %arg1, %mul3A_60 : i32
    %add3A_62 = arith.constant 2304 : i32
    %add3A_63 = arith.addi %mul3A_61, %add3A_62 : i32
    "tpu.region"() ({
      %run_scoped3A = tpu.sem_alloc : memref<!tpu.dma_semaphore, #tpu.memory_space<semaphore_mem>>
      %dma_start3A_64 = arith.constant 0 : i32
      %dma_start3A_65 = tpu.memref_slice %arg6[%arg0, %add3A_63, %dma_start3A_64] : memref<2x37888x256xf32, #tpu.memory_space<hbm>> -> memref<1x64x256xf32, #tpu.memory_space<hbm>>
      %dma_start3A_66 = tpu.memref_squeeze %dma_start3A_65 : memref<1x64x256xf32, #tpu.memory_space<hbm>> -> memref<64x256xf32, #tpu.memory_space<hbm>>
      %dma_start3A_67 = arith.constant 0 : i32
      %dma_start3A_68 = tpu.memref_slice %arg6[%arg0, %add3A_63, %dma_start3A_67] : memref<2x37888x256xf32, #tpu.memory_space<hbm>> -> memref<1x64x256xf32, #tpu.memory_space<hbm>>
      %dma_start3A_69 = tpu.memref_squeeze %dma_start3A_68 : memref<1x64x256xf32, #tpu.memory_space<hbm>> -> memref<64x256xf32, #tpu.memory_space<hbm>>
      tpu.enqueue_dma source(%arg9 : memref<64x256xf32, #tpu.memory_space<vmem>>) target(%dma_start3A_69 : memref<64x256xf32, #tpu.memory_space<hbm>>) target_semaphore(%run_scoped3A : memref<!tpu.dma_semaphore, #tpu.memory_space<semaphore_mem>>)
      %dma_wait3A_70 = arith.constant 0 : i32
      %dma_wait3A_71 = tpu.memref_slice %arg6[%arg0, %add3A_63, %dma_wait3A_70] : memref<2x37888x256xf32, #tpu.memory_space<hbm>> -> memref<1x64x256xf32, #tpu.memory_space<hbm>>
      %dma_wait3A_72 = tpu.memref_squeeze %dma_wait3A_71 : memref<1x64x256xf32, #tpu.memory_space<hbm>> -> memref<64x256xf32, #tpu.memory_space<hbm>>
      %dma_wait3A_73 = arith.constant 0 : i32
      %dma_wait3A_74 = tpu.memref_slice %arg6[%arg0, %add3A_63, %dma_wait3A_73] : memref<2x37888x256xf32, #tpu.memory_space<hbm>> -> memref<1x64x256xf32, #tpu.memory_space<hbm>>
      %dma_wait3A_75 = tpu.memref_squeeze %dma_wait3A_74 : memref<1x64x256xf32, #tpu.memory_space<hbm>> -> memref<64x256xf32, #tpu.memory_space<hbm>>
      tpu.wait_dma2 semaphore(%run_scoped3A : memref<!tpu.dma_semaphore, #tpu.memory_space<semaphore_mem>>) src(%arg9 : memref<64x256xf32, #tpu.memory_space<vmem>>) dst(%dma_wait3A_75 : memref<64x256xf32, #tpu.memory_space<hbm>>)
      tpu.yield
    }) : () -> ()
    return
  }
}

#map = affine_map<(d0, d1) -> (0, 0)>
#map1 = affine_map<(d0, d1) -> (0)>
#map2 = affine_map<(d0, d1) -> (0, 0, 0)>
module attributes {stable_mosaic.version = 14 : i64} {
  func.func @_seg_sum_kernel(%arg0: i32, %arg1: i32, %arg2: memref<75776x256xf32, #tpu.memory_space<hbm>>, %arg3: memref<37952xi32, #tpu.memory_space<hbm>>, %arg4: memref<38016xi32, #tpu.memory_space<hbm>>, %arg5: memref<32xi32, #tpu.memory_space<hbm>>, %arg6: memref<2x2560x256xf32, #tpu.memory_space<hbm>>, %arg7: memref<37952xi32, #tpu.memory_space<vmem>>, %arg8: memref<32xi32, #tpu.memory_space<vmem>>, %arg9: memref<64xi32, #tpu.memory_space<vmem>>, %arg10: memref<64xi32, #tpu.memory_space<vmem>>, %arg11: memref<80xi32, #tpu.memory_space<vmem>>, %arg12: memref<80xi32, #tpu.memory_space<vmem>>, %arg13: memref<64x256xf32, #tpu.memory_space<vmem>>, %arg14: memref<64x256xf32, #tpu.memory_space<vmem>>, %arg15: memref<160x256xf32, #tpu.memory_space<vmem>>, %arg16: memref<!tpu.dma_semaphore, #tpu.memory_space<semaphore_mem>>, %arg17: memref<!tpu.dma_semaphore, #tpu.memory_space<semaphore_mem>>) attributes {dimension_semantics = [#tpu.dimension_semantics<core_parallel>, #tpu.dimension_semantics<subcore_parallel>], iteration_bounds = array<i64: 2, 16>, scalar_prefetch = 0 : i64, scratch_operands = 11 : i64, tpu.core_type = #tpu.core_type<sc_vector_subcore>, window_params = [{transform_indices = #map}, {transform_indices = #map1}, {transform_indices = #map1}, {transform_indices = #map1}, {transform_indices = #map2}]} {
    %mul3A = arith.constant 160 : i32
    %mul3A_0 = arith.muli %arg1, %mul3A : i32
    "tpu.region"() ({
      %run_scoped3A = tpu.sem_alloc : memref<!tpu.dma_semaphore, #tpu.memory_space<semaphore_mem>>
      tpu.enqueue_dma source(%arg5 : memref<32xi32, #tpu.memory_space<hbm>>) target(%arg8 : memref<32xi32, #tpu.memory_space<vmem>>) target_semaphore(%run_scoped3A : memref<!tpu.dma_semaphore, #tpu.memory_space<semaphore_mem>>)
      tpu.wait_dma2 semaphore(%run_scoped3A : memref<!tpu.dma_semaphore, #tpu.memory_space<semaphore_mem>>) src(%arg5 : memref<32xi32, #tpu.memory_space<hbm>>) dst(%arg8 : memref<32xi32, #tpu.memory_space<vmem>>)
      tpu.yield
    }) : () -> ()
    "tpu.region"() ({
      %run_scoped3A = tpu.sem_alloc : memref<!tpu.dma_semaphore, #tpu.memory_space<semaphore_mem>>
      tpu.enqueue_dma source(%arg3 : memref<37952xi32, #tpu.memory_space<hbm>>) target(%arg7 : memref<37952xi32, #tpu.memory_space<vmem>>) target_semaphore(%run_scoped3A : memref<!tpu.dma_semaphore, #tpu.memory_space<semaphore_mem>>)
      tpu.wait_dma2 semaphore(%run_scoped3A : memref<!tpu.dma_semaphore, #tpu.memory_space<semaphore_mem>>) src(%arg3 : memref<37952xi32, #tpu.memory_space<hbm>>) dst(%arg7 : memref<37952xi32, #tpu.memory_space<vmem>>)
      tpu.yield
    }) : () -> ()
    %get3A = arith.index_cast %arg1 : i32 to index
    %get3A_1 = tpu.vector_load %arg8[%get3A] {strides = array<i32>} : memref<32xi32, #tpu.memory_space<vmem>>, vector<16xi32>,
    %get3A_2 = vector.shape_cast %get3A_1 : vector<16xi32> to vector<16xi32>
    %slice3A = vector.extract_strided_slice %get3A_2 {offsets = [0], sizes = [1], strides = [1]} : vector<16xi32> to vector<1xi32>
    %squeeze3A = vector.extract %slice3A[0] : i32 from vector<1xi32>
    %add3A = arith.constant 1 : i32
    %add3A_3 = arith.addi %arg1, %add3A : i32
    %get3A_4 = arith.index_cast %add3A_3 : i32 to index
    %get3A_5 = tpu.vector_load %arg8[%get3A_4] {strides = array<i32>} : memref<32xi32, #tpu.memory_space<vmem>>, vector<16xi32>,
    %get3A_6 = vector.shape_cast %get3A_5 : vector<16xi32> to vector<16xi32>
    %slice3A_7 = vector.extract_strided_slice %get3A_6 {offsets = [0], sizes = [1], strides = [1]} : vector<16xi32> to vector<1xi32>
    %squeeze3A_8 = vector.extract %slice3A_7[0] : i32 from vector<1xi32>
    %jit3A = arith.constant 64 : i32
    %div3A = arith.divsi %squeeze3A, %jit3A : i32
    %sign3A = arith.constant 0 : i32
    %sign3A_9 = arith.cmpi sgt, %squeeze3A, %sign3A : i32
    %sign3A_10 = arith.extui %sign3A_9 : i1 to i32
    %sign3A_11 = arith.constant 0 : i32
    %sign3A_12 = arith.cmpi slt, %squeeze3A, %sign3A_11 : i32
    %sign3A_13 = arith.extui %sign3A_12 : i1 to i32
    %sign3A_14 = arith.subi %sign3A_10, %sign3A_13 : i32
    %sign3A_15 = arith.constant 0 : i32
    %sign3A_16 = arith.cmpi sgt, %jit3A, %sign3A_15 : i32
    %sign3A_17 = arith.extui %sign3A_16 : i1 to i32
    %sign3A_18 = arith.constant 0 : i32
    %sign3A_19 = arith.cmpi slt, %jit3A, %sign3A_18 : i32
    %sign3A_20 = arith.extui %sign3A_19 : i1 to i32
    %sign3A_21 = arith.subi %sign3A_17, %sign3A_20 : i32
    %ne3A = arith.cmpi ne, %sign3A_14, %sign3A_21 : i32
    %rem3A = arith.remsi %squeeze3A, %jit3A : i32
    %ne3A_22 = arith.constant 0 : i32
    %ne3A_23 = arith.cmpi ne, %rem3A, %ne3A_22 : i32
    %and3A = arith.andi %ne3A, %ne3A_23 : i1
    %sub3A = arith.constant 1 : i32
    %sub3A_24 = arith.subi %div3A, %sub3A : i32
    %select_n3A = arith.select %and3A, %sub3A_24, %div3A : i32
    %mul3A_25 = arith.constant 64 : i32
    %mul3A_26 = arith.muli %select_n3A, %mul3A_25 : i32
    %sub3A_27 = arith.subi %squeeze3A_8, %mul3A_26 : i32
    %add3A_28 = arith.constant 64 : i32
    %add3A_29 = arith.addi %sub3A_27, %add3A_28 : i32
    %sub3A_30 = arith.constant 1 : i32
    %sub3A_31 = arith.subi %add3A_29, %sub3A_30 : i32
    %jit3A_32 = arith.constant 64 : i32
    %div3A_33 = arith.divsi %sub3A_31, %jit3A_32 : i32
    %sign3A_34 = arith.constant 0 : i32
    %sign3A_35 = arith.cmpi sgt, %sub3A_31, %sign3A_34 : i32
    %sign3A_36 = arith.extui %sign3A_35 : i1 to i32
    %sign3A_37 = arith.constant 0 : i32
    %sign3A_38 = arith.cmpi slt, %sub3A_31, %sign3A_37 : i32
    %sign3A_39 = arith.extui %sign3A_38 : i1 to i32
    %sign3A_40 = arith.subi %sign3A_36, %sign3A_39 : i32
    %sign3A_41 = arith.constant 0 : i32
    %sign3A_42 = arith.cmpi sgt, %jit3A_32, %sign3A_41 : i32
    %sign3A_43 = arith.extui %sign3A_42 : i1 to i32
    %sign3A_44 = arith.constant 0 : i32
    %sign3A_45 = arith.cmpi slt, %jit3A_32, %sign3A_44 : i32
    %sign3A_46 = arith.extui %sign3A_45 : i1 to i32
    %sign3A_47 = arith.subi %sign3A_43, %sign3A_46 : i32
    %ne3A_48 = arith.cmpi ne, %sign3A_40, %sign3A_47 : i32
    %rem3A_49 = arith.remsi %sub3A_31, %jit3A_32 : i32
    %ne3A_50 = arith.constant 0 : i32
    %ne3A_51 = arith.cmpi ne, %rem3A_49, %ne3A_50 : i32
    %and3A_52 = arith.andi %ne3A_48, %ne3A_51 : i1
    %sub3A_53 = arith.constant 1 : i32
    %sub3A_54 = arith.subi %div3A_33, %sub3A_53 : i32
    %select_n3A_55 = arith.select %and3A_52, %sub3A_54, %div3A_33 : i32
    %broadcast_in_dim3A = arith.constant 0.000000e+00 : f32
    %broadcast_in_dim3A_56 = vector.broadcast %broadcast_in_dim3A : f32 to vector<16xf32>
    %scan3A = arith.constant 0 : i32
    %scan3A_57 = arith.constant 0 : i32
    %scan3A_58 = arith.constant 160 : i32
    %scan3A_59 = arith.addi %scan3A_57, %scan3A_58 : i32
    %scan3A_60 = arith.constant 1 : i32
    scf.for %scan3A_105 = %scan3A_57 to %scan3A_59 step %scan3A_60  : i32 {
      %scan3A_106 = arith.constant 0 : i32
      %scan3A_107 = arith.constant 16 : i32
      %scan3A_108 = arith.addi %scan3A_106, %scan3A_107 : i32
      %scan3A_109 = arith.constant 1 : i32
      scf.for %scan3A_111 = %scan3A_106 to %scan3A_108 step %scan3A_109  : i32 {
        %mul3A_112 = arith.constant 16 : i32
        %mul3A_113 = arith.muli %scan3A_111, %mul3A_112 : i32
        %swap3A = arith.index_cast %scan3A_105 : i32 to index
        %swap3A_114 = arith.index_cast %mul3A_113 : i32 to index
        %swap3A_115 = tpu.vector_load %arg15[%swap3A, %swap3A_114] {strides = array<i32>} : memref<160x256xf32, #tpu.memory_space<vmem>>, vector<1x16xf32>,
        %swap3A_116 = vector.shape_cast %swap3A_115 : vector<1x16xf32> to vector<16xf32>
        %swap3A_117 = vector.shape_cast %broadcast_in_dim3A_56 : vector<16xf32> to vector<1x16xf32>
        tpu.vector_store %arg15[%swap3A, %swap3A_114], %swap3A_117 {strides = array<i32>} : memref<160x256xf32, #tpu.memory_space<vmem>>, vector<1x16xf32>,
      }
      %scan3A_110 = arith.constant 16 : i32
    }
    %scan3A_61 = arith.constant 160 : i32
    %mul3A_62 = arith.constant 37888 : i32
    %mul3A_63 = arith.muli %arg0, %mul3A_62 : i32
    %broadcast_in_dim3A_64 = arith.constant 0 : i32
    %broadcast_in_dim3A_65 = vector.broadcast %broadcast_in_dim3A_64 : i32 to vector<16xi32>
    %add3A_66 = vector.broadcast %mul3A_63 : i32 to vector<16xi32>
    %add3A_67 = arith.addi %add3A_66, %broadcast_in_dim3A_65 : vector<16xi32>
    %gt3A = arith.constant 0 : i32
    %gt3A_68 = arith.cmpi sgt, %select_n3A_55, %gt3A : i32
    %convert_element_type3A = arith.extui %gt3A_68 : i1 to i32
    %cond3A = arith.constant 0 : i32
    %cond3A_69 = arith.cmpi ne, %convert_element_type3A, %cond3A : i32
    scf.if %cond3A_69 {
      %add3A_105 = arith.constant 0 : i32
      %add3A_106 = arith.addi %mul3A_26, %add3A_105 : i32
      %add3A_107 = arith.constant 0 : i32
      %add3A_108 = arith.addi %add3A_106, %add3A_107 : i32
      %get3A_109 = arith.index_cast %add3A_108 : i32 to index
      %get3A_110 = tpu.vector_load %arg7[%get3A_109] {strides = array<i32>} : memref<37952xi32, #tpu.memory_space<vmem>>, vector<16xi32>,
      %get3A_111 = vector.shape_cast %get3A_110 : vector<16xi32> to vector<16xi32>
      %add3A_112 = arith.addi %get3A_111, %add3A_67 : vector<16xi32>
      %swap3A = arith.constant 0 : index
      %swap3A_113 = tpu.vector_load %arg9[%swap3A] {strides = array<i32>} : memref<64xi32, #tpu.memory_space<vmem>>, vector<16xi32>,
      %swap3A_114 = vector.shape_cast %swap3A_113 : vector<16xi32> to vector<16xi32>
      %swap3A_115 = vector.shape_cast %add3A_112 : vector<16xi32> to vector<16xi32>
      tpu.vector_store %arg9[%swap3A], %swap3A_115 {strides = array<i32>} : memref<64xi32, #tpu.memory_space<vmem>>, vector<16xi32>,
      %add3A_116 = arith.constant 16 : i32
      %add3A_117 = arith.addi %add3A_106, %add3A_116 : i32
      %get3A_118 = arith.index_cast %add3A_117 : i32 to index
      %get3A_119 = tpu.vector_load %arg7[%get3A_118] {strides = array<i32>} : memref<37952xi32, #tpu.memory_space<vmem>>, vector<16xi32>,
      %get3A_120 = vector.shape_cast %get3A_119 : vector<16xi32> to vector<16xi32>
      %add3A_121 = arith.addi %get3A_120, %add3A_67 : vector<16xi32>
      %swap3A_122 = arith.constant 16 : index
      %swap3A_123 = tpu.vector_load %arg9[%swap3A_122] {strides = array<i32>} : memref<64xi32, #tpu.memory_space<vmem>>, vector<16xi32>,
      %swap3A_124 = vector.shape_cast %swap3A_123 : vector<16xi32> to vector<16xi32>
      %swap3A_125 = vector.shape_cast %add3A_121 : vector<16xi32> to vector<16xi32>
      tpu.vector_store %arg9[%swap3A_122], %swap3A_125 {strides = array<i32>} : memref<64xi32, #tpu.memory_space<vmem>>, vector<16xi32>,
      %add3A_126 = arith.constant 32 : i32
      %add3A_127 = arith.addi %add3A_106, %add3A_126 : i32
      %get3A_128 = arith.index_cast %add3A_127 : i32 to index
      %get3A_129 = tpu.vector_load %arg7[%get3A_128] {strides = array<i32>} : memref<37952xi32, #tpu.memory_space<vmem>>, vector<16xi32>,
      %get3A_130 = vector.shape_cast %get3A_129 : vector<16xi32> to vector<16xi32>
      %add3A_131 = arith.addi %get3A_130, %add3A_67 : vector<16xi32>
      %swap3A_132 = arith.constant 32 : index
      %swap3A_133 = tpu.vector_load %arg9[%swap3A_132] {strides = array<i32>} : memref<64xi32, #tpu.memory_space<vmem>>, vector<16xi32>,
      %swap3A_134 = vector.shape_cast %swap3A_133 : vector<16xi32> to vector<16xi32>
      %swap3A_135 = vector.shape_cast %add3A_131 : vector<16xi32> to vector<16xi32>
      tpu.vector_store %arg9[%swap3A_132], %swap3A_135 {strides = array<i32>} : memref<64xi32, #tpu.memory_space<vmem>>, vector<16xi32>,
      %add3A_136 = arith.constant 48 : i32
      %add3A_137 = arith.addi %add3A_106, %add3A_136 : i32
      %get3A_138 = arith.index_cast %add3A_137 : i32 to index
      %get3A_139 = tpu.vector_load %arg7[%get3A_138] {strides = array<i32>} : memref<37952xi32, #tpu.memory_space<vmem>>, vector<16xi32>,
      %get3A_140 = vector.shape_cast %get3A_139 : vector<16xi32> to vector<16xi32>
      %add3A_141 = arith.addi %get3A_140, %add3A_67 : vector<16xi32>
      %swap3A_142 = arith.constant 48 : index
      %swap3A_143 = tpu.vector_load %arg9[%swap3A_142] {strides = array<i32>} : memref<64xi32, #tpu.memory_space<vmem>>, vector<16xi32>,
      %swap3A_144 = vector.shape_cast %swap3A_143 : vector<16xi32> to vector<16xi32>
      %swap3A_145 = vector.shape_cast %add3A_141 : vector<16xi32> to vector<16xi32>
      tpu.vector_store %arg9[%swap3A_142], %swap3A_145 {strides = array<i32>} : memref<64xi32, #tpu.memory_space<vmem>>, vector<16xi32>,
      %dma_start3A = arith.constant 0 : i32
      %dma_start3A_146 = arith.constant 0 : i32
      %dma_start3A_147 = tpu.memref_slice %arg2[%dma_start3A, %dma_start3A_146] : memref<75776x256xf32, #tpu.memory_space<hbm>> -> memref<75776x256xf32, #tpu.memory_space<hbm>>
      tpu.enqueue_indirect_dma source(%dma_start3A_147 : memref<75776x256xf32, #tpu.memory_space<hbm>>) target(%arg13 : memref<64x256xf32, #tpu.memory_space<vmem>>) offsets(%arg9 : memref<64xi32, #tpu.memory_space<vmem>>) semaphore(%arg16 : memref<!tpu.dma_semaphore, #tpu.memory_space<semaphore_mem>>)
      %dma_start3A_148 = tpu.memref_slice %arg4[%add3A_106] : memref<38016xi32, #tpu.memory_space<hbm>> -> memref<80xi32, #tpu.memory_space<hbm>>
      %dma_start3A_149 = tpu.memref_slice %arg4[%add3A_106] : memref<38016xi32, #tpu.memory_space<hbm>> -> memref<80xi32, #tpu.memory_space<hbm>>
      tpu.enqueue_dma source(%dma_start3A_149 : memref<80xi32, #tpu.memory_space<hbm>>) target(%arg11 : memref<80xi32, #tpu.memory_space<vmem>>) target_semaphore(%arg16 : memref<!tpu.dma_semaphore, #tpu.memory_space<semaphore_mem>>)
    } else {
    }
    %add3A_70 = arith.constant 1 : i32
    %add3A_71 = arith.addi %select_n3A_55, %add3A_70 : i32
    %jit3A_72 = arith.constant 2 : i32
    %div3A_73 = arith.divsi %add3A_71, %jit3A_72 : i32
    %sign3A_74 = arith.constant 0 : i32
    %sign3A_75 = arith.cmpi sgt, %add3A_71, %sign3A_74 : i32
    %sign3A_76 = arith.extui %sign3A_75 : i1 to i32
    %sign3A_77 = arith.constant 0 : i32
    %sign3A_78 = arith.cmpi slt, %add3A_71, %sign3A_77 : i32
    %sign3A_79 = arith.extui %sign3A_78 : i1 to i32
    %sign3A_80 = arith.subi %sign3A_76, %sign3A_79 : i32
    %sign3A_81 = arith.constant 0 : i32
    %sign3A_82 = arith.cmpi sgt, %jit3A_72, %sign3A_81 : i32
    %sign3A_83 = arith.extui %sign3A_82 : i1 to i32
    %sign3A_84 = arith.constant 0 : i32
    %sign3A_85 = arith.cmpi slt, %jit3A_72, %sign3A_84 : i32
    %sign3A_86 = arith.extui %sign3A_85 : i1 to i32
    %sign3A_87 = arith.subi %sign3A_83, %sign3A_86 : i32
    %ne3A_88 = arith.cmpi ne, %sign3A_80, %sign3A_87 : i32
    %rem3A_89 = arith.remsi %add3A_71, %jit3A_72 : i32
    %ne3A_90 = arith.constant 0 : i32
    %ne3A_91 = arith.cmpi ne, %rem3A_89, %ne3A_90 : i32
    %and3A_92 = arith.andi %ne3A_88, %ne3A_91 : i1
    %sub3A_93 = arith.constant 1 : i32
    %sub3A_94 = arith.subi %div3A_73, %sub3A_93 : i32
    %select_n3A_95 = arith.select %and3A_92, %sub3A_94, %div3A_73 : i32
    %while3A = arith.constant 0 : i32
    %while3A_96 = arith.constant 0 : i32
    %while3A_97 = arith.subi %select_n3A_95, %while3A_96 : i32
    %while3A_98 = arith.addi %while3A_96, %while3A_97 : i32
    %while3A_99 = arith.constant 1 : i32
    %while3A_100 = arith.divsi %while3A_97, %while3A_99 : i32
    %while3A_101 = arith.muli %while3A_100, %while3A_99 : i32
    %while3A_102 = arith.addi %while3A_96, %while3A_101 : i32
    %while3A_103 = arith.constant 1 : i32
    scf.for %while3A_105 = %while3A_96 to %while3A_102 step %while3A_103  : i32 {
      %mul3A_106 = arith.constant 2 : i32
      %mul3A_107 = arith.muli %mul3A_106, %while3A_105 : i32
      %add3A_108 = arith.constant 1 : i32
      %add3A_109 = arith.addi %mul3A_107, %add3A_108 : i32
      %dma_wait3A = arith.constant 0 : i32
      %dma_wait3A_110 = arith.constant 0 : i32
      %dma_wait3A_111 = tpu.memref_slice %arg2[%dma_wait3A, %dma_wait3A_110] : memref<75776x256xf32, #tpu.memory_space<hbm>> -> memref<75776x256xf32, #tpu.memory_space<hbm>>
      tpu.wait_indirect_dma semaphore(%arg16 : memref<!tpu.dma_semaphore, #tpu.memory_space<semaphore_mem>>) src(%dma_wait3A_111 : memref<75776x256xf32, #tpu.memory_space<hbm>>) dst(%arg13 : memref<64x256xf32, #tpu.memory_space<vmem>>)
      %dma_wait3A_112 = arith.constant 0 : i32
      %dma_wait3A_113 = tpu.memref_slice %arg4[%dma_wait3A_112] : memref<38016xi32, #tpu.memory_space<hbm>> -> memref<80xi32, #tpu.memory_space<hbm>>
      %dma_wait3A_114 = arith.constant 0 : i32
      %dma_wait3A_115 = tpu.memref_slice %arg4[%dma_wait3A_114] : memref<38016xi32, #tpu.memory_space<hbm>> -> memref<80xi32, #tpu.memory_space<hbm>>
      tpu.wait_dma2 semaphore(%arg16 : memref<!tpu.dma_semaphore, #tpu.memory_space<semaphore_mem>>) src(%dma_wait3A_115 : memref<80xi32, #tpu.memory_space<hbm>>) dst(%arg11 : memref<80xi32, #tpu.memory_space<vmem>>)
      %lt3A = arith.cmpi slt, %add3A_109, %select_n3A_55 : i32
      %convert_element_type3A_116 = arith.extui %lt3A : i1 to i32
      %cond3A_117 = arith.constant 0 : i32
      %cond3A_118 = arith.cmpi ne, %convert_element_type3A_116, %cond3A_117 : i32
      scf.if %cond3A_118 {
        %mul3A_145 = arith.constant 64 : i32
        %mul3A_146 = arith.muli %add3A_109, %mul3A_145 : i32
        %add3A_147 = arith.addi %mul3A_26, %mul3A_146 : i32
        %add3A_148 = arith.constant 0 : i32
        %add3A_149 = arith.addi %add3A_147, %add3A_148 : i32
        %get3A_150 = arith.index_cast %add3A_149 : i32 to index
        %get3A_151 = tpu.vector_load %arg7[%get3A_150] {strides = array<i32>} : memref<37952xi32, #tpu.memory_space<vmem>>, vector<16xi32>,
        %get3A_152 = vector.shape_cast %get3A_151 : vector<16xi32> to vector<16xi32>
        %add3A_153 = arith.addi %get3A_152, %add3A_67 : vector<16xi32>
        %swap3A = arith.constant 0 : index
        %swap3A_154 = tpu.vector_load %arg10[%swap3A] {strides = array<i32>} : memref<64xi32, #tpu.memory_space<vmem>>, vector<16xi32>,
        %swap3A_155 = vector.shape_cast %swap3A_154 : vector<16xi32> to vector<16xi32>
        %swap3A_156 = vector.shape_cast %add3A_153 : vector<16xi32> to vector<16xi32>
        tpu.vector_store %arg10[%swap3A], %swap3A_156 {strides = array<i32>} : memref<64xi32, #tpu.memory_space<vmem>>, vector<16xi32>,
        %add3A_157 = arith.constant 16 : i32
        %add3A_158 = arith.addi %add3A_147, %add3A_157 : i32
        %get3A_159 = arith.index_cast %add3A_158 : i32 to index
        %get3A_160 = tpu.vector_load %arg7[%get3A_159] {strides = array<i32>} : memref<37952xi32, #tpu.memory_space<vmem>>, vector<16xi32>,
        %get3A_161 = vector.shape_cast %get3A_160 : vector<16xi32> to vector<16xi32>
        %add3A_162 = arith.addi %get3A_161, %add3A_67 : vector<16xi32>
        %swap3A_163 = arith.constant 16 : index
        %swap3A_164 = tpu.vector_load %arg10[%swap3A_163] {strides = array<i32>} : memref<64xi32, #tpu.memory_space<vmem>>, vector<16xi32>,
        %swap3A_165 = vector.shape_cast %swap3A_164 : vector<16xi32> to vector<16xi32>
        %swap3A_166 = vector.shape_cast %add3A_162 : vector<16xi32> to vector<16xi32>
        tpu.vector_store %arg10[%swap3A_163], %swap3A_166 {strides = array<i32>} : memref<64xi32, #tpu.memory_space<vmem>>, vector<16xi32>,
        %add3A_167 = arith.constant 32 : i32
        %add3A_168 = arith.addi %add3A_147, %add3A_167 : i32
        %get3A_169 = arith.index_cast %add3A_168 : i32 to index
        %get3A_170 = tpu.vector_load %arg7[%get3A_169] {strides = array<i32>} : memref<37952xi32, #tpu.memory_space<vmem>>, vector<16xi32>,
        %get3A_171 = vector.shape_cast %get3A_170 : vector<16xi32> to vector<16xi32>
        %add3A_172 = arith.addi %get3A_171, %add3A_67 : vector<16xi32>
        %swap3A_173 = arith.constant 32 : index
        %swap3A_174 = tpu.vector_load %arg10[%swap3A_173] {strides = array<i32>} : memref<64xi32, #tpu.memory_space<vmem>>, vector<16xi32>,
        %swap3A_175 = vector.shape_cast %swap3A_174 : vector<16xi32> to vector<16xi32>
        %swap3A_176 = vector.shape_cast %add3A_172 : vector<16xi32> to vector<16xi32>
        tpu.vector_store %arg10[%swap3A_173], %swap3A_176 {strides = array<i32>} : memref<64xi32, #tpu.memory_space<vmem>>, vector<16xi32>,
        %add3A_177 = arith.constant 48 : i32
        %add3A_178 = arith.addi %add3A_147, %add3A_177 : i32
        %get3A_179 = arith.index_cast %add3A_178 : i32 to index
        %get3A_180 = tpu.vector_load %arg7[%get3A_179] {strides = array<i32>} : memref<37952xi32, #tpu.memory_space<vmem>>, vector<16xi32>,
        %get3A_181 = vector.shape_cast %get3A_180 : vector<16xi32> to vector<16xi32>
        %add3A_182 = arith.addi %get3A_181, %add3A_67 : vector<16xi32>
        %swap3A_183 = arith.constant 48 : index
        %swap3A_184 = tpu.vector_load %arg10[%swap3A_183] {strides = array<i32>} : memref<64xi32, #tpu.memory_space<vmem>>, vector<16xi32>,
        %swap3A_185 = vector.shape_cast %swap3A_184 : vector<16xi32> to vector<16xi32>
        %swap3A_186 = vector.shape_cast %add3A_182 : vector<16xi32> to vector<16xi32>
        tpu.vector_store %arg10[%swap3A_183], %swap3A_186 {strides = array<i32>} : memref<64xi32, #tpu.memory_space<vmem>>, vector<16xi32>,
        %dma_start3A = arith.constant 0 : i32
        %dma_start3A_187 = arith.constant 0 : i32
        %dma_start3A_188 = tpu.memref_slice %arg2[%dma_start3A, %dma_start3A_187] : memref<75776x256xf32, #tpu.memory_space<hbm>> -> memref<75776x256xf32, #tpu.memory_space<hbm>>
        tpu.enqueue_indirect_dma source(%dma_start3A_188 : memref<75776x256xf32, #tpu.memory_space<hbm>>) target(%arg14 : memref<64x256xf32, #tpu.memory_space<vmem>>) offsets(%arg10 : memref<64xi32, #tpu.memory_space<vmem>>) semaphore(%arg17 : memref<!tpu.dma_semaphore, #tpu.memory_space<semaphore_mem>>)
        %dma_start3A_189 = tpu.memref_slice %arg4[%add3A_147] : memref<38016xi32, #tpu.memory_space<hbm>> -> memref<80xi32, #tpu.memory_space<hbm>>
        %dma_start3A_190 = tpu.memref_slice %arg4[%add3A_147] : memref<38016xi32, #tpu.memory_space<hbm>> -> memref<80xi32, #tpu.memory_space<hbm>>
        tpu.enqueue_dma source(%dma_start3A_190 : memref<80xi32, #tpu.memory_space<hbm>>) target(%arg12 : memref<80xi32, #tpu.memory_space<vmem>>) target_semaphore(%arg17 : memref<!tpu.dma_semaphore, #tpu.memory_space<semaphore_mem>>)
      } else {
      }
      %mul3A_119 = arith.constant 64 : i32
      %mul3A_120 = arith.muli %mul3A_107, %mul3A_119 : i32
      %add3A_121 = arith.addi %mul3A_26, %mul3A_120 : i32
      %sub3A_122 = arith.subi %squeeze3A, %add3A_121 : i32
      %max3A = arith.constant 0 : i32
      %max3A_123 = arith.maxsi %max3A, %sub3A_122 : i32
      %sub3A_124 = arith.subi %squeeze3A_8, %add3A_121 : i32
      %min3A = arith.constant 64 : i32
      %min3A_125 = arith.minsi %min3A, %sub3A_124 : i32
      %while3A_126 = arith.constant 0 : i32
      %while3A_127 = arith.subi %min3A_125, %max3A_123 : i32
      %while3A_128 = arith.addi %max3A_123, %while3A_127 : i32
      %while3A_129 = arith.constant 1 : i32
      %while3A_130 = arith.divsi %while3A_127, %while3A_129 : i32
      %while3A_131 = arith.muli %while3A_130, %while3A_129 : i32
      %while3A_132 = arith.addi %max3A_123, %while3A_131 : i32
      %while3A_133 = arith.constant 1 : i32
      scf.for %while3A_145 = %max3A_123 to %while3A_132 step %while3A_133  : i32 {
        %get3A_146 = arith.index_cast %while3A_145 : i32 to index
        %get3A_147 = tpu.vector_load %arg11[%get3A_146] {strides = array<i32>} : memref<80xi32, #tpu.memory_space<vmem>>, vector<16xi32>,
        %get3A_148 = vector.shape_cast %get3A_147 : vector<16xi32> to vector<16xi32>
        %slice3A_149 = vector.extract_strided_slice %get3A_148 {offsets = [0], sizes = [1], strides = [1]} : vector<16xi32> to vector<1xi32>
        %squeeze3A_150 = vector.extract %slice3A_149[0] : i32 from vector<1xi32>
        %scan3A_151 = arith.constant 0 : i32
        %scan3A_152 = arith.constant 16 : i32
        %scan3A_153 = arith.addi %scan3A_151, %scan3A_152 : i32
        %scan3A_154 = arith.constant 1 : i32
        scf.for %scan3A_156 = %scan3A_151 to %scan3A_153 step %scan3A_154  : i32 {
          %mul3A_157 = arith.constant 16 : i32
          %mul3A_158 = arith.muli %scan3A_156, %mul3A_157 : i32
          %get3A_159 = arith.index_cast %squeeze3A_150 : i32 to index
          %get3A_160 = arith.index_cast %mul3A_158 : i32 to index
          %get3A_161 = tpu.vector_load %arg15[%get3A_159, %get3A_160] {strides = array<i32>} : memref<160x256xf32, #tpu.memory_space<vmem>>, vector<1x16xf32>,
          %get3A_162 = vector.shape_cast %get3A_161 : vector<1x16xf32> to vector<16xf32>
          %mul3A_163 = arith.constant 16 : i32
          %mul3A_164 = arith.muli %scan3A_156, %mul3A_163 : i32
          %get3A_165 = arith.index_cast %while3A_145 : i32 to index
          %get3A_166 = arith.index_cast %mul3A_164 : i32 to index
          %get3A_167 = tpu.vector_load %arg13[%get3A_165, %get3A_166] {strides = array<i32>} : memref<64x256xf32, #tpu.memory_space<vmem>>, vector<1x16xf32>,
          %get3A_168 = vector.shape_cast %get3A_167 : vector<1x16xf32> to vector<16xf32>
          %add3A_169 = arith.addf %get3A_162, %get3A_168 : vector<16xf32>
          %mul3A_170 = arith.constant 16 : i32
          %mul3A_171 = arith.muli %scan3A_156, %mul3A_170 : i32
          %swap3A = arith.index_cast %squeeze3A_150 : i32 to index
          %swap3A_172 = arith.index_cast %mul3A_171 : i32 to index
          %swap3A_173 = tpu.vector_load %arg15[%swap3A, %swap3A_172] {strides = array<i32>} : memref<160x256xf32, #tpu.memory_space<vmem>>, vector<1x16xf32>,
          %swap3A_174 = vector.shape_cast %swap3A_173 : vector<1x16xf32> to vector<16xf32>
          %swap3A_175 = vector.shape_cast %add3A_169 : vector<16xf32> to vector<1x16xf32>
          tpu.vector_store %arg15[%swap3A, %swap3A_172], %swap3A_175 {strides = array<i32>} : memref<160x256xf32, #tpu.memory_space<vmem>>, vector<1x16xf32>,
        }
        %scan3A_155 = arith.constant 16 : i32
      }
      %while3A_134 = arith.constant 1 : i32
      scf.for %while3A_145 = %while3A_132 to %while3A_128 step %while3A_134  : i32 {
        %get3A_146 = arith.index_cast %while3A_145 : i32 to index
        %get3A_147 = tpu.vector_load %arg11[%get3A_146] {strides = array<i32>} : memref<80xi32, #tpu.memory_space<vmem>>, vector<16xi32>,
        %get3A_148 = vector.shape_cast %get3A_147 : vector<16xi32> to vector<16xi32>
        %slice3A_149 = vector.extract_strided_slice %get3A_148 {offsets = [0], sizes = [1], strides = [1]} : vector<16xi32> to vector<1xi32>
        %squeeze3A_150 = vector.extract %slice3A_149[0] : i32 from vector<1xi32>
        %scan3A_151 = arith.constant 0 : i32
        %scan3A_152 = arith.constant 16 : i32
        %scan3A_153 = arith.addi %scan3A_151, %scan3A_152 : i32
        %scan3A_154 = arith.constant 1 : i32
        scf.for %scan3A_156 = %scan3A_151 to %scan3A_153 step %scan3A_154  : i32 {
          %mul3A_157 = arith.constant 16 : i32
          %mul3A_158 = arith.muli %scan3A_156, %mul3A_157 : i32
          %get3A_159 = arith.index_cast %squeeze3A_150 : i32 to index
          %get3A_160 = arith.index_cast %mul3A_158 : i32 to index
          %get3A_161 = tpu.vector_load %arg15[%get3A_159, %get3A_160] {strides = array<i32>} : memref<160x256xf32, #tpu.memory_space<vmem>>, vector<1x16xf32>,
          %get3A_162 = vector.shape_cast %get3A_161 : vector<1x16xf32> to vector<16xf32>
          %mul3A_163 = arith.constant 16 : i32
          %mul3A_164 = arith.muli %scan3A_156, %mul3A_163 : i32
          %get3A_165 = arith.index_cast %while3A_145 : i32 to index
          %get3A_166 = arith.index_cast %mul3A_164 : i32 to index
          %get3A_167 = tpu.vector_load %arg13[%get3A_165, %get3A_166] {strides = array<i32>} : memref<64x256xf32, #tpu.memory_space<vmem>>, vector<1x16xf32>,
          %get3A_168 = vector.shape_cast %get3A_167 : vector<1x16xf32> to vector<16xf32>
          %add3A_169 = arith.addf %get3A_162, %get3A_168 : vector<16xf32>
          %mul3A_170 = arith.constant 16 : i32
          %mul3A_171 = arith.muli %scan3A_156, %mul3A_170 : i32
          %swap3A = arith.index_cast %squeeze3A_150 : i32 to index
          %swap3A_172 = arith.index_cast %mul3A_171 : i32 to index
          %swap3A_173 = tpu.vector_load %arg15[%swap3A, %swap3A_172] {strides = array<i32>} : memref<160x256xf32, #tpu.memory_space<vmem>>, vector<1x16xf32>,
          %swap3A_174 = vector.shape_cast %swap3A_173 : vector<1x16xf32> to vector<16xf32>
          %swap3A_175 = vector.shape_cast %add3A_169 : vector<16xf32> to vector<1x16xf32>
          tpu.vector_store %arg15[%swap3A, %swap3A_172], %swap3A_175 {strides = array<i32>} : memref<160x256xf32, #tpu.memory_space<vmem>>, vector<1x16xf32>,
        }
        %scan3A_155 = arith.constant 16 : i32
      }
      %add3A_135 = arith.constant 2 : i32
      %add3A_136 = arith.addi %mul3A_107, %add3A_135 : i32
      %lt3A_137 = arith.cmpi slt, %add3A_136, %select_n3A_55 : i32
      %convert_element_type3A_138 = arith.extui %lt3A_137 : i1 to i32
      %cond3A_139 = arith.constant 0 : i32
      %cond3A_140 = arith.cmpi ne, %convert_element_type3A_138, %cond3A_139 : i32
      scf.if %cond3A_140 {
        %add3A_145 = arith.constant 2 : i32
        %add3A_146 = arith.addi %mul3A_107, %add3A_145 : i32
        %mul3A_147 = arith.constant 64 : i32
        %mul3A_148 = arith.muli %add3A_146, %mul3A_147 : i32
        %add3A_149 = arith.addi %mul3A_26, %mul3A_148 : i32
        %add3A_150 = arith.constant 0 : i32
        %add3A_151 = arith.addi %add3A_149, %add3A_150 : i32
        %get3A_152 = arith.index_cast %add3A_151 : i32 to index
        %get3A_153 = tpu.vector_load %arg7[%get3A_152] {strides = array<i32>} : memref<37952xi32, #tpu.memory_space<vmem>>, vector<16xi32>,
        %get3A_154 = vector.shape_cast %get3A_153 : vector<16xi32> to vector<16xi32>
        %add3A_155 = arith.addi %get3A_154, %add3A_67 : vector<16xi32>
        %swap3A = arith.constant 0 : index
        %swap3A_156 = tpu.vector_load %arg9[%swap3A] {strides = array<i32>} : memref<64xi32, #tpu.memory_space<vmem>>, vector<16xi32>,
        %swap3A_157 = vector.shape_cast %swap3A_156 : vector<16xi32> to vector<16xi32>
        %swap3A_158 = vector.shape_cast %add3A_155 : vector<16xi32> to vector<16xi32>
        tpu.vector_store %arg9[%swap3A], %swap3A_158 {strides = array<i32>} : memref<64xi32, #tpu.memory_space<vmem>>, vector<16xi32>,
        %add3A_159 = arith.constant 16 : i32
        %add3A_160 = arith.addi %add3A_149, %add3A_159 : i32
        %get3A_161 = arith.index_cast %add3A_160 : i32 to index
        %get3A_162 = tpu.vector_load %arg7[%get3A_161] {strides = array<i32>} : memref<37952xi32, #tpu.memory_space<vmem>>, vector<16xi32>,
        %get3A_163 = vector.shape_cast %get3A_162 : vector<16xi32> to vector<16xi32>
        %add3A_164 = arith.addi %get3A_163, %add3A_67 : vector<16xi32>
        %swap3A_165 = arith.constant 16 : index
        %swap3A_166 = tpu.vector_load %arg9[%swap3A_165] {strides = array<i32>} : memref<64xi32, #tpu.memory_space<vmem>>, vector<16xi32>,
        %swap3A_167 = vector.shape_cast %swap3A_166 : vector<16xi32> to vector<16xi32>
        %swap3A_168 = vector.shape_cast %add3A_164 : vector<16xi32> to vector<16xi32>
        tpu.vector_store %arg9[%swap3A_165], %swap3A_168 {strides = array<i32>} : memref<64xi32, #tpu.memory_space<vmem>>, vector<16xi32>,
        %add3A_169 = arith.constant 32 : i32
        %add3A_170 = arith.addi %add3A_149, %add3A_169 : i32
        %get3A_171 = arith.index_cast %add3A_170 : i32 to index
        %get3A_172 = tpu.vector_load %arg7[%get3A_171] {strides = array<i32>} : memref<37952xi32, #tpu.memory_space<vmem>>, vector<16xi32>,
        %get3A_173 = vector.shape_cast %get3A_172 : vector<16xi32> to vector<16xi32>
        %add3A_174 = arith.addi %get3A_173, %add3A_67 : vector<16xi32>
        %swap3A_175 = arith.constant 32 : index
        %swap3A_176 = tpu.vector_load %arg9[%swap3A_175] {strides = array<i32>} : memref<64xi32, #tpu.memory_space<vmem>>, vector<16xi32>,
        %swap3A_177 = vector.shape_cast %swap3A_176 : vector<16xi32> to vector<16xi32>
        %swap3A_178 = vector.shape_cast %add3A_174 : vector<16xi32> to vector<16xi32>
        tpu.vector_store %arg9[%swap3A_175], %swap3A_178 {strides = array<i32>} : memref<64xi32, #tpu.memory_space<vmem>>, vector<16xi32>,
        %add3A_179 = arith.constant 48 : i32
        %add3A_180 = arith.addi %add3A_149, %add3A_179 : i32
        %get3A_181 = arith.index_cast %add3A_180 : i32 to index
        %get3A_182 = tpu.vector_load %arg7[%get3A_181] {strides = array<i32>} : memref<37952xi32, #tpu.memory_space<vmem>>, vector<16xi32>,
        %get3A_183 = vector.shape_cast %get3A_182 : vector<16xi32> to vector<16xi32>
        %add3A_184 = arith.addi %get3A_183, %add3A_67 : vector<16xi32>
        %swap3A_185 = arith.constant 48 : index
        %swap3A_186 = tpu.vector_load %arg9[%swap3A_185] {strides = array<i32>} : memref<64xi32, #tpu.memory_space<vmem>>, vector<16xi32>,
        %swap3A_187 = vector.shape_cast %swap3A_186 : vector<16xi32> to vector<16xi32>
        %swap3A_188 = vector.shape_cast %add3A_184 : vector<16xi32> to vector<16xi32>
        tpu.vector_store %arg9[%swap3A_185], %swap3A_188 {strides = array<i32>} : memref<64xi32, #tpu.memory_space<vmem>>, vector<16xi32>,
        %dma_start3A = arith.constant 0 : i32
        %dma_start3A_189 = arith.constant 0 : i32
        %dma_start3A_190 = tpu.memref_slice %arg2[%dma_start3A, %dma_start3A_189] : memref<75776x256xf32, #tpu.memory_space<hbm>> -> memref<75776x256xf32, #tpu.memory_space<hbm>>
        tpu.enqueue_indirect_dma source(%dma_start3A_190 : memref<75776x256xf32, #tpu.memory_space<hbm>>) target(%arg13 : memref<64x256xf32, #tpu.memory_space<vmem>>) offsets(%arg9 : memref<64xi32, #tpu.memory_space<vmem>>) semaphore(%arg16 : memref<!tpu.dma_semaphore, #tpu.memory_space<semaphore_mem>>)
        %dma_start3A_191 = tpu.memref_slice %arg4[%add3A_149] : memref<38016xi32, #tpu.memory_space<hbm>> -> memref<80xi32, #tpu.memory_space<hbm>>
        %dma_start3A_192 = tpu.memref_slice %arg4[%add3A_149] : memref<38016xi32, #tpu.memory_space<hbm>> -> memref<80xi32, #tpu.memory_space<hbm>>
        tpu.enqueue_dma source(%dma_start3A_192 : memref<80xi32, #tpu.memory_space<hbm>>) target(%arg11 : memref<80xi32, #tpu.memory_space<vmem>>) target_semaphore(%arg16 : memref<!tpu.dma_semaphore, #tpu.memory_space<semaphore_mem>>)
      } else {
      }
      %lt3A_141 = arith.cmpi slt, %add3A_109, %select_n3A_55 : i32
      %convert_element_type3A_142 = arith.extui %lt3A_141 : i1 to i32
      %cond3A_143 = arith.constant 0 : i32
      %cond3A_144 = arith.cmpi ne, %convert_element_type3A_142, %cond3A_143 : i32
      scf.if %cond3A_144 {
        %dma_wait3A_145 = arith.constant 0 : i32
        %dma_wait3A_146 = arith.constant 0 : i32
        %dma_wait3A_147 = tpu.memref_slice %arg2[%dma_wait3A_145, %dma_wait3A_146] : memref<75776x256xf32, #tpu.memory_space<hbm>> -> memref<75776x256xf32, #tpu.memory_space<hbm>>
        tpu.wait_indirect_dma semaphore(%arg17 : memref<!tpu.dma_semaphore, #tpu.memory_space<semaphore_mem>>) src(%dma_wait3A_147 : memref<75776x256xf32, #tpu.memory_space<hbm>>) dst(%arg14 : memref<64x256xf32, #tpu.memory_space<vmem>>)
        %dma_wait3A_148 = arith.constant 0 : i32
        %dma_wait3A_149 = tpu.memref_slice %arg4[%dma_wait3A_148] : memref<38016xi32, #tpu.memory_space<hbm>> -> memref<80xi32, #tpu.memory_space<hbm>>
        %dma_wait3A_150 = arith.constant 0 : i32
        %dma_wait3A_151 = tpu.memref_slice %arg4[%dma_wait3A_150] : memref<38016xi32, #tpu.memory_space<hbm>> -> memref<80xi32, #tpu.memory_space<hbm>>
        tpu.wait_dma2 semaphore(%arg17 : memref<!tpu.dma_semaphore, #tpu.memory_space<semaphore_mem>>) src(%dma_wait3A_151 : memref<80xi32, #tpu.memory_space<hbm>>) dst(%arg12 : memref<80xi32, #tpu.memory_space<vmem>>)
        %mul3A_152 = arith.constant 64 : i32
        %mul3A_153 = arith.muli %add3A_109, %mul3A_152 : i32
        %add3A_154 = arith.addi %mul3A_26, %mul3A_153 : i32
        %sub3A_155 = arith.subi %squeeze3A, %add3A_154 : i32
        %max3A_156 = arith.constant 0 : i32
        %max3A_157 = arith.maxsi %max3A_156, %sub3A_155 : i32
        %sub3A_158 = arith.subi %squeeze3A_8, %add3A_154 : i32
        %min3A_159 = arith.constant 64 : i32
        %min3A_160 = arith.minsi %min3A_159, %sub3A_158 : i32
        %while3A_161 = arith.constant 0 : i32
        %while3A_162 = arith.subi %min3A_160, %max3A_157 : i32
        %while3A_163 = arith.addi %max3A_157, %while3A_162 : i32
        %while3A_164 = arith.constant 1 : i32
        %while3A_165 = arith.divsi %while3A_162, %while3A_164 : i32
        %while3A_166 = arith.muli %while3A_165, %while3A_164 : i32
        %while3A_167 = arith.addi %max3A_157, %while3A_166 : i32
        %while3A_168 = arith.constant 1 : i32
        scf.for %while3A_170 = %max3A_157 to %while3A_167 step %while3A_168  : i32 {
          %get3A_171 = arith.index_cast %while3A_170 : i32 to index
          %get3A_172 = tpu.vector_load %arg12[%get3A_171] {strides = array<i32>} : memref<80xi32, #tpu.memory_space<vmem>>, vector<16xi32>,
          %get3A_173 = vector.shape_cast %get3A_172 : vector<16xi32> to vector<16xi32>
          %slice3A_174 = vector.extract_strided_slice %get3A_173 {offsets = [0], sizes = [1], strides = [1]} : vector<16xi32> to vector<1xi32>
          %squeeze3A_175 = vector.extract %slice3A_174[0] : i32 from vector<1xi32>
          %scan3A_176 = arith.constant 0 : i32
          %scan3A_177 = arith.constant 16 : i32
          %scan3A_178 = arith.addi %scan3A_176, %scan3A_177 : i32
          %scan3A_179 = arith.constant 1 : i32
          scf.for %scan3A_181 = %scan3A_176 to %scan3A_178 step %scan3A_179  : i32 {
            %mul3A_182 = arith.constant 16 : i32
            %mul3A_183 = arith.muli %scan3A_181, %mul3A_182 : i32
            %get3A_184 = arith.index_cast %squeeze3A_175 : i32 to index
            %get3A_185 = arith.index_cast %mul3A_183 : i32 to index
            %get3A_186 = tpu.vector_load %arg15[%get3A_184, %get3A_185] {strides = array<i32>} : memref<160x256xf32, #tpu.memory_space<vmem>>, vector<1x16xf32>,
            %get3A_187 = vector.shape_cast %get3A_186 : vector<1x16xf32> to vector<16xf32>
            %mul3A_188 = arith.constant 16 : i32
            %mul3A_189 = arith.muli %scan3A_181, %mul3A_188 : i32
            %get3A_190 = arith.index_cast %while3A_170 : i32 to index
            %get3A_191 = arith.index_cast %mul3A_189 : i32 to index
            %get3A_192 = tpu.vector_load %arg14[%get3A_190, %get3A_191] {strides = array<i32>} : memref<64x256xf32, #tpu.memory_space<vmem>>, vector<1x16xf32>,
            %get3A_193 = vector.shape_cast %get3A_192 : vector<1x16xf32> to vector<16xf32>
            %add3A_194 = arith.addf %get3A_187, %get3A_193 : vector<16xf32>
            %mul3A_195 = arith.constant 16 : i32
            %mul3A_196 = arith.muli %scan3A_181, %mul3A_195 : i32
            %swap3A = arith.index_cast %squeeze3A_175 : i32 to index
            %swap3A_197 = arith.index_cast %mul3A_196 : i32 to index
            %swap3A_198 = tpu.vector_load %arg15[%swap3A, %swap3A_197] {strides = array<i32>} : memref<160x256xf32, #tpu.memory_space<vmem>>, vector<1x16xf32>,
            %swap3A_199 = vector.shape_cast %swap3A_198 : vector<1x16xf32> to vector<16xf32>
            %swap3A_200 = vector.shape_cast %add3A_194 : vector<16xf32> to vector<1x16xf32>
            tpu.vector_store %arg15[%swap3A, %swap3A_197], %swap3A_200 {strides = array<i32>} : memref<160x256xf32, #tpu.memory_space<vmem>>, vector<1x16xf32>,
          }
          %scan3A_180 = arith.constant 16 : i32
        }
        %while3A_169 = arith.constant 1 : i32
        scf.for %while3A_170 = %while3A_167 to %while3A_163 step %while3A_169  : i32 {
          %get3A_171 = arith.index_cast %while3A_170 : i32 to index
          %get3A_172 = tpu.vector_load %arg12[%get3A_171] {strides = array<i32>} : memref<80xi32, #tpu.memory_space<vmem>>, vector<16xi32>,
          %get3A_173 = vector.shape_cast %get3A_172 : vector<16xi32> to vector<16xi32>
          %slice3A_174 = vector.extract_strided_slice %get3A_173 {offsets = [0], sizes = [1], strides = [1]} : vector<16xi32> to vector<1xi32>
          %squeeze3A_175 = vector.extract %slice3A_174[0] : i32 from vector<1xi32>
          %scan3A_176 = arith.constant 0 : i32
          %scan3A_177 = arith.constant 16 : i32
          %scan3A_178 = arith.addi %scan3A_176, %scan3A_177 : i32
          %scan3A_179 = arith.constant 1 : i32
          scf.for %scan3A_181 = %scan3A_176 to %scan3A_178 step %scan3A_179  : i32 {
            %mul3A_182 = arith.constant 16 : i32
            %mul3A_183 = arith.muli %scan3A_181, %mul3A_182 : i32
            %get3A_184 = arith.index_cast %squeeze3A_175 : i32 to index
            %get3A_185 = arith.index_cast %mul3A_183 : i32 to index
            %get3A_186 = tpu.vector_load %arg15[%get3A_184, %get3A_185] {strides = array<i32>} : memref<160x256xf32, #tpu.memory_space<vmem>>, vector<1x16xf32>,
            %get3A_187 = vector.shape_cast %get3A_186 : vector<1x16xf32> to vector<16xf32>
            %mul3A_188 = arith.constant 16 : i32
            %mul3A_189 = arith.muli %scan3A_181, %mul3A_188 : i32
            %get3A_190 = arith.index_cast %while3A_170 : i32 to index
            %get3A_191 = arith.index_cast %mul3A_189 : i32 to index
            %get3A_192 = tpu.vector_load %arg14[%get3A_190, %get3A_191] {strides = array<i32>} : memref<64x256xf32, #tpu.memory_space<vmem>>, vector<1x16xf32>,
            %get3A_193 = vector.shape_cast %get3A_192 : vector<1x16xf32> to vector<16xf32>
            %add3A_194 = arith.addf %get3A_187, %get3A_193 : vector<16xf32>
            %mul3A_195 = arith.constant 16 : i32
            %mul3A_196 = arith.muli %scan3A_181, %mul3A_195 : i32
            %swap3A = arith.index_cast %squeeze3A_175 : i32 to index
            %swap3A_197 = arith.index_cast %mul3A_196 : i32 to index
            %swap3A_198 = tpu.vector_load %arg15[%swap3A, %swap3A_197] {strides = array<i32>} : memref<160x256xf32, #tpu.memory_space<vmem>>, vector<1x16xf32>,
            %swap3A_199 = vector.shape_cast %swap3A_198 : vector<1x16xf32> to vector<16xf32>
            %swap3A_200 = vector.shape_cast %add3A_194 : vector<16xf32> to vector<1x16xf32>
            tpu.vector_store %arg15[%swap3A, %swap3A_197], %swap3A_200 {strides = array<i32>} : memref<160x256xf32, #tpu.memory_space<vmem>>, vector<1x16xf32>,
          }
          %scan3A_180 = arith.constant 16 : i32
        }
      } else {
      }
    }
    %while3A_104 = arith.constant 1 : i32
    scf.for %while3A_105 = %while3A_102 to %while3A_98 step %while3A_104  : i32 {
      %mul3A_106 = arith.constant 2 : i32
      %mul3A_107 = arith.muli %mul3A_106, %while3A_105 : i32
      %add3A_108 = arith.constant 1 : i32
      %add3A_109 = arith.addi %mul3A_107, %add3A_108 : i32
      %dma_wait3A = arith.constant 0 : i32
      %dma_wait3A_110 = arith.constant 0 : i32
      %dma_wait3A_111 = tpu.memref_slice %arg2[%dma_wait3A, %dma_wait3A_110] : memref<75776x256xf32, #tpu.memory_space<hbm>> -> memref<75776x256xf32, #tpu.memory_space<hbm>>
      tpu.wait_indirect_dma semaphore(%arg16 : memref<!tpu.dma_semaphore, #tpu.memory_space<semaphore_mem>>) src(%dma_wait3A_111 : memref<75776x256xf32, #tpu.memory_space<hbm>>) dst(%arg13 : memref<64x256xf32, #tpu.memory_space<vmem>>)
      %dma_wait3A_112 = arith.constant 0 : i32
      %dma_wait3A_113 = tpu.memref_slice %arg4[%dma_wait3A_112] : memref<38016xi32, #tpu.memory_space<hbm>> -> memref<80xi32, #tpu.memory_space<hbm>>
      %dma_wait3A_114 = arith.constant 0 : i32
      %dma_wait3A_115 = tpu.memref_slice %arg4[%dma_wait3A_114] : memref<38016xi32, #tpu.memory_space<hbm>> -> memref<80xi32, #tpu.memory_space<hbm>>
      tpu.wait_dma2 semaphore(%arg16 : memref<!tpu.dma_semaphore, #tpu.memory_space<semaphore_mem>>) src(%dma_wait3A_115 : memref<80xi32, #tpu.memory_space<hbm>>) dst(%arg11 : memref<80xi32, #tpu.memory_space<vmem>>)
      %lt3A = arith.cmpi slt, %add3A_109, %select_n3A_55 : i32
      %convert_element_type3A_116 = arith.extui %lt3A : i1 to i32
      %cond3A_117 = arith.constant 0 : i32
      %cond3A_118 = arith.cmpi ne, %convert_element_type3A_116, %cond3A_117 : i32
      scf.if %cond3A_118 {
        %mul3A_145 = arith.constant 64 : i32
        %mul3A_146 = arith.muli %add3A_109, %mul3A_145 : i32
        %add3A_147 = arith.addi %mul3A_26, %mul3A_146 : i32
        %add3A_148 = arith.constant 0 : i32
        %add3A_149 = arith.addi %add3A_147, %add3A_148 : i32
        %get3A_150 = arith.index_cast %add3A_149 : i32 to index
        %get3A_151 = tpu.vector_load %arg7[%get3A_150] {strides = array<i32>} : memref<37952xi32, #tpu.memory_space<vmem>>, vector<16xi32>,
        %get3A_152 = vector.shape_cast %get3A_151 : vector<16xi32> to vector<16xi32>
        %add3A_153 = arith.addi %get3A_152, %add3A_67 : vector<16xi32>
        %swap3A = arith.constant 0 : index
        %swap3A_154 = tpu.vector_load %arg10[%swap3A] {strides = array<i32>} : memref<64xi32, #tpu.memory_space<vmem>>, vector<16xi32>,
        %swap3A_155 = vector.shape_cast %swap3A_154 : vector<16xi32> to vector<16xi32>
        %swap3A_156 = vector.shape_cast %add3A_153 : vector<16xi32> to vector<16xi32>
        tpu.vector_store %arg10[%swap3A], %swap3A_156 {strides = array<i32>} : memref<64xi32, #tpu.memory_space<vmem>>, vector<16xi32>,
        %add3A_157 = arith.constant 16 : i32
        %add3A_158 = arith.addi %add3A_147, %add3A_157 : i32
        %get3A_159 = arith.index_cast %add3A_158 : i32 to index
        %get3A_160 = tpu.vector_load %arg7[%get3A_159] {strides = array<i32>} : memref<37952xi32, #tpu.memory_space<vmem>>, vector<16xi32>,
        %get3A_161 = vector.shape_cast %get3A_160 : vector<16xi32> to vector<16xi32>
        %add3A_162 = arith.addi %get3A_161, %add3A_67 : vector<16xi32>
        %swap3A_163 = arith.constant 16 : index
        %swap3A_164 = tpu.vector_load %arg10[%swap3A_163] {strides = array<i32>} : memref<64xi32, #tpu.memory_space<vmem>>, vector<16xi32>,
        %swap3A_165 = vector.shape_cast %swap3A_164 : vector<16xi32> to vector<16xi32>
        %swap3A_166 = vector.shape_cast %add3A_162 : vector<16xi32> to vector<16xi32>
        tpu.vector_store %arg10[%swap3A_163], %swap3A_166 {strides = array<i32>} : memref<64xi32, #tpu.memory_space<vmem>>, vector<16xi32>,
        %add3A_167 = arith.constant 32 : i32
        %add3A_168 = arith.addi %add3A_147, %add3A_167 : i32
        %get3A_169 = arith.index_cast %add3A_168 : i32 to index
        %get3A_170 = tpu.vector_load %arg7[%get3A_169] {strides = array<i32>} : memref<37952xi32, #tpu.memory_space<vmem>>, vector<16xi32>,
        %get3A_171 = vector.shape_cast %get3A_170 : vector<16xi32> to vector<16xi32>
        %add3A_172 = arith.addi %get3A_171, %add3A_67 : vector<16xi32>
        %swap3A_173 = arith.constant 32 : index
        %swap3A_174 = tpu.vector_load %arg10[%swap3A_173] {strides = array<i32>} : memref<64xi32, #tpu.memory_space<vmem>>, vector<16xi32>,
        %swap3A_175 = vector.shape_cast %swap3A_174 : vector<16xi32> to vector<16xi32>
        %swap3A_176 = vector.shape_cast %add3A_172 : vector<16xi32> to vector<16xi32>
        tpu.vector_store %arg10[%swap3A_173], %swap3A_176 {strides = array<i32>} : memref<64xi32, #tpu.memory_space<vmem>>, vector<16xi32>,
        %add3A_177 = arith.constant 48 : i32
        %add3A_178 = arith.addi %add3A_147, %add3A_177 : i32
        %get3A_179 = arith.index_cast %add3A_178 : i32 to index
        %get3A_180 = tpu.vector_load %arg7[%get3A_179] {strides = array<i32>} : memref<37952xi32, #tpu.memory_space<vmem>>, vector<16xi32>,
        %get3A_181 = vector.shape_cast %get3A_180 : vector<16xi32> to vector<16xi32>
        %add3A_182 = arith.addi %get3A_181, %add3A_67 : vector<16xi32>
        %swap3A_183 = arith.constant 48 : index
        %swap3A_184 = tpu.vector_load %arg10[%swap3A_183] {strides = array<i32>} : memref<64xi32, #tpu.memory_space<vmem>>, vector<16xi32>,
        %swap3A_185 = vector.shape_cast %swap3A_184 : vector<16xi32> to vector<16xi32>
        %swap3A_186 = vector.shape_cast %add3A_182 : vector<16xi32> to vector<16xi32>
        tpu.vector_store %arg10[%swap3A_183], %swap3A_186 {strides = array<i32>} : memref<64xi32, #tpu.memory_space<vmem>>, vector<16xi32>,
        %dma_start3A = arith.constant 0 : i32
        %dma_start3A_187 = arith.constant 0 : i32
        %dma_start3A_188 = tpu.memref_slice %arg2[%dma_start3A, %dma_start3A_187] : memref<75776x256xf32, #tpu.memory_space<hbm>> -> memref<75776x256xf32, #tpu.memory_space<hbm>>
        tpu.enqueue_indirect_dma source(%dma_start3A_188 : memref<75776x256xf32, #tpu.memory_space<hbm>>) target(%arg14 : memref<64x256xf32, #tpu.memory_space<vmem>>) offsets(%arg10 : memref<64xi32, #tpu.memory_space<vmem>>) semaphore(%arg17 : memref<!tpu.dma_semaphore, #tpu.memory_space<semaphore_mem>>)
        %dma_start3A_189 = tpu.memref_slice %arg4[%add3A_147] : memref<38016xi32, #tpu.memory_space<hbm>> -> memref<80xi32, #tpu.memory_space<hbm>>
        %dma_start3A_190 = tpu.memref_slice %arg4[%add3A_147] : memref<38016xi32, #tpu.memory_space<hbm>> -> memref<80xi32, #tpu.memory_space<hbm>>
        tpu.enqueue_dma source(%dma_start3A_190 : memref<80xi32, #tpu.memory_space<hbm>>) target(%arg12 : memref<80xi32, #tpu.memory_space<vmem>>) target_semaphore(%arg17 : memref<!tpu.dma_semaphore, #tpu.memory_space<semaphore_mem>>)
      } else {
      }
      %mul3A_119 = arith.constant 64 : i32
      %mul3A_120 = arith.muli %mul3A_107, %mul3A_119 : i32
      %add3A_121 = arith.addi %mul3A_26, %mul3A_120 : i32
      %sub3A_122 = arith.subi %squeeze3A, %add3A_121 : i32
      %max3A = arith.constant 0 : i32
      %max3A_123 = arith.maxsi %max3A, %sub3A_122 : i32
      %sub3A_124 = arith.subi %squeeze3A_8, %add3A_121 : i32
      %min3A = arith.constant 64 : i32
      %min3A_125 = arith.minsi %min3A, %sub3A_124 : i32
      %while3A_126 = arith.constant 0 : i32
      %while3A_127 = arith.subi %min3A_125, %max3A_123 : i32
      %while3A_128 = arith.addi %max3A_123, %while3A_127 : i32
      %while3A_129 = arith.constant 1 : i32
      %while3A_130 = arith.divsi %while3A_127, %while3A_129 : i32
      %while3A_131 = arith.muli %while3A_130, %while3A_129 : i32
      %while3A_132 = arith.addi %max3A_123, %while3A_131 : i32
      %while3A_133 = arith.constant 1 : i32
      scf.for %while3A_145 = %max3A_123 to %while3A_132 step %while3A_133  : i32 {
        %get3A_146 = arith.index_cast %while3A_145 : i32 to index
        %get3A_147 = tpu.vector_load %arg11[%get3A_146] {strides = array<i32>} : memref<80xi32, #tpu.memory_space<vmem>>, vector<16xi32>,
        %get3A_148 = vector.shape_cast %get3A_147 : vector<16xi32> to vector<16xi32>
        %slice3A_149 = vector.extract_strided_slice %get3A_148 {offsets = [0], sizes = [1], strides = [1]} : vector<16xi32> to vector<1xi32>
        %squeeze3A_150 = vector.extract %slice3A_149[0] : i32 from vector<1xi32>
        %scan3A_151 = arith.constant 0 : i32
        %scan3A_152 = arith.constant 16 : i32
        %scan3A_153 = arith.addi %scan3A_151, %scan3A_152 : i32
        %scan3A_154 = arith.constant 1 : i32
        scf.for %scan3A_156 = %scan3A_151 to %scan3A_153 step %scan3A_154  : i32 {
          %mul3A_157 = arith.constant 16 : i32
          %mul3A_158 = arith.muli %scan3A_156, %mul3A_157 : i32
          %get3A_159 = arith.index_cast %squeeze3A_150 : i32 to index
          %get3A_160 = arith.index_cast %mul3A_158 : i32 to index
          %get3A_161 = tpu.vector_load %arg15[%get3A_159, %get3A_160] {strides = array<i32>} : memref<160x256xf32, #tpu.memory_space<vmem>>, vector<1x16xf32>,
          %get3A_162 = vector.shape_cast %get3A_161 : vector<1x16xf32> to vector<16xf32>
          %mul3A_163 = arith.constant 16 : i32
          %mul3A_164 = arith.muli %scan3A_156, %mul3A_163 : i32
          %get3A_165 = arith.index_cast %while3A_145 : i32 to index
          %get3A_166 = arith.index_cast %mul3A_164 : i32 to index
          %get3A_167 = tpu.vector_load %arg13[%get3A_165, %get3A_166] {strides = array<i32>} : memref<64x256xf32, #tpu.memory_space<vmem>>, vector<1x16xf32>,
          %get3A_168 = vector.shape_cast %get3A_167 : vector<1x16xf32> to vector<16xf32>
          %add3A_169 = arith.addf %get3A_162, %get3A_168 : vector<16xf32>
          %mul3A_170 = arith.constant 16 : i32
          %mul3A_171 = arith.muli %scan3A_156, %mul3A_170 : i32
          %swap3A = arith.index_cast %squeeze3A_150 : i32 to index
          %swap3A_172 = arith.index_cast %mul3A_171 : i32 to index
          %swap3A_173 = tpu.vector_load %arg15[%swap3A, %swap3A_172] {strides = array<i32>} : memref<160x256xf32, #tpu.memory_space<vmem>>, vector<1x16xf32>,
          %swap3A_174 = vector.shape_cast %swap3A_173 : vector<1x16xf32> to vector<16xf32>
          %swap3A_175 = vector.shape_cast %add3A_169 : vector<16xf32> to vector<1x16xf32>
          tpu.vector_store %arg15[%swap3A, %swap3A_172], %swap3A_175 {strides = array<i32>} : memref<160x256xf32, #tpu.memory_space<vmem>>, vector<1x16xf32>,
        }
        %scan3A_155 = arith.constant 16 : i32
      }
      %while3A_134 = arith.constant 1 : i32
      scf.for %while3A_145 = %while3A_132 to %while3A_128 step %while3A_134  : i32 {
        %get3A_146 = arith.index_cast %while3A_145 : i32 to index
        %get3A_147 = tpu.vector_load %arg11[%get3A_146] {strides = array<i32>} : memref<80xi32, #tpu.memory_space<vmem>>, vector<16xi32>,
        %get3A_148 = vector.shape_cast %get3A_147 : vector<16xi32> to vector<16xi32>
        %slice3A_149 = vector.extract_strided_slice %get3A_148 {offsets = [0], sizes = [1], strides = [1]} : vector<16xi32> to vector<1xi32>
        %squeeze3A_150 = vector.extract %slice3A_149[0] : i32 from vector<1xi32>
        %scan3A_151 = arith.constant 0 : i32
        %scan3A_152 = arith.constant 16 : i32
        %scan3A_153 = arith.addi %scan3A_151, %scan3A_152 : i32
        %scan3A_154 = arith.constant 1 : i32
        scf.for %scan3A_156 = %scan3A_151 to %scan3A_153 step %scan3A_154  : i32 {
          %mul3A_157 = arith.constant 16 : i32
          %mul3A_158 = arith.muli %scan3A_156, %mul3A_157 : i32
          %get3A_159 = arith.index_cast %squeeze3A_150 : i32 to index
          %get3A_160 = arith.index_cast %mul3A_158 : i32 to index
          %get3A_161 = tpu.vector_load %arg15[%get3A_159, %get3A_160] {strides = array<i32>} : memref<160x256xf32, #tpu.memory_space<vmem>>, vector<1x16xf32>,
          %get3A_162 = vector.shape_cast %get3A_161 : vector<1x16xf32> to vector<16xf32>
          %mul3A_163 = arith.constant 16 : i32
          %mul3A_164 = arith.muli %scan3A_156, %mul3A_163 : i32
          %get3A_165 = arith.index_cast %while3A_145 : i32 to index
          %get3A_166 = arith.index_cast %mul3A_164 : i32 to index
          %get3A_167 = tpu.vector_load %arg13[%get3A_165, %get3A_166] {strides = array<i32>} : memref<64x256xf32, #tpu.memory_space<vmem>>, vector<1x16xf32>,
          %get3A_168 = vector.shape_cast %get3A_167 : vector<1x16xf32> to vector<16xf32>
          %add3A_169 = arith.addf %get3A_162, %get3A_168 : vector<16xf32>
          %mul3A_170 = arith.constant 16 : i32
          %mul3A_171 = arith.muli %scan3A_156, %mul3A_170 : i32
          %swap3A = arith.index_cast %squeeze3A_150 : i32 to index
          %swap3A_172 = arith.index_cast %mul3A_171 : i32 to index
          %swap3A_173 = tpu.vector_load %arg15[%swap3A, %swap3A_172] {strides = array<i32>} : memref<160x256xf32, #tpu.memory_space<vmem>>, vector<1x16xf32>,
          %swap3A_174 = vector.shape_cast %swap3A_173 : vector<1x16xf32> to vector<16xf32>
          %swap3A_175 = vector.shape_cast %add3A_169 : vector<16xf32> to vector<1x16xf32>
          tpu.vector_store %arg15[%swap3A, %swap3A_172], %swap3A_175 {strides = array<i32>} : memref<160x256xf32, #tpu.memory_space<vmem>>, vector<1x16xf32>,
        }
        %scan3A_155 = arith.constant 16 : i32
      }
      %add3A_135 = arith.constant 2 : i32
      %add3A_136 = arith.addi %mul3A_107, %add3A_135 : i32
      %lt3A_137 = arith.cmpi slt, %add3A_136, %select_n3A_55 : i32
      %convert_element_type3A_138 = arith.extui %lt3A_137 : i1 to i32
      %cond3A_139 = arith.constant 0 : i32
      %cond3A_140 = arith.cmpi ne, %convert_element_type3A_138, %cond3A_139 : i32
      scf.if %cond3A_140 {
        %add3A_145 = arith.constant 2 : i32
        %add3A_146 = arith.addi %mul3A_107, %add3A_145 : i32
        %mul3A_147 = arith.constant 64 : i32
        %mul3A_148 = arith.muli %add3A_146, %mul3A_147 : i32
        %add3A_149 = arith.addi %mul3A_26, %mul3A_148 : i32
        %add3A_150 = arith.constant 0 : i32
        %add3A_151 = arith.addi %add3A_149, %add3A_150 : i32
        %get3A_152 = arith.index_cast %add3A_151 : i32 to index
        %get3A_153 = tpu.vector_load %arg7[%get3A_152] {strides = array<i32>} : memref<37952xi32, #tpu.memory_space<vmem>>, vector<16xi32>,
        %get3A_154 = vector.shape_cast %get3A_153 : vector<16xi32> to vector<16xi32>
        %add3A_155 = arith.addi %get3A_154, %add3A_67 : vector<16xi32>
        %swap3A = arith.constant 0 : index
        %swap3A_156 = tpu.vector_load %arg9[%swap3A] {strides = array<i32>} : memref<64xi32, #tpu.memory_space<vmem>>, vector<16xi32>,
        %swap3A_157 = vector.shape_cast %swap3A_156 : vector<16xi32> to vector<16xi32>
        %swap3A_158 = vector.shape_cast %add3A_155 : vector<16xi32> to vector<16xi32>
        tpu.vector_store %arg9[%swap3A], %swap3A_158 {strides = array<i32>} : memref<64xi32, #tpu.memory_space<vmem>>, vector<16xi32>,
        %add3A_159 = arith.constant 16 : i32
        %add3A_160 = arith.addi %add3A_149, %add3A_159 : i32
        %get3A_161 = arith.index_cast %add3A_160 : i32 to index
        %get3A_162 = tpu.vector_load %arg7[%get3A_161] {strides = array<i32>} : memref<37952xi32, #tpu.memory_space<vmem>>, vector<16xi32>,
        %get3A_163 = vector.shape_cast %get3A_162 : vector<16xi32> to vector<16xi32>
        %add3A_164 = arith.addi %get3A_163, %add3A_67 : vector<16xi32>
        %swap3A_165 = arith.constant 16 : index
        %swap3A_166 = tpu.vector_load %arg9[%swap3A_165] {strides = array<i32>} : memref<64xi32, #tpu.memory_space<vmem>>, vector<16xi32>,
        %swap3A_167 = vector.shape_cast %swap3A_166 : vector<16xi32> to vector<16xi32>
        %swap3A_168 = vector.shape_cast %add3A_164 : vector<16xi32> to vector<16xi32>
        tpu.vector_store %arg9[%swap3A_165], %swap3A_168 {strides = array<i32>} : memref<64xi32, #tpu.memory_space<vmem>>, vector<16xi32>,
        %add3A_169 = arith.constant 32 : i32
        %add3A_170 = arith.addi %add3A_149, %add3A_169 : i32
        %get3A_171 = arith.index_cast %add3A_170 : i32 to index
        %get3A_172 = tpu.vector_load %arg7[%get3A_171] {strides = array<i32>} : memref<37952xi32, #tpu.memory_space<vmem>>, vector<16xi32>,
        %get3A_173 = vector.shape_cast %get3A_172 : vector<16xi32> to vector<16xi32>
        %add3A_174 = arith.addi %get3A_173, %add3A_67 : vector<16xi32>
        %swap3A_175 = arith.constant 32 : index
        %swap3A_176 = tpu.vector_load %arg9[%swap3A_175] {strides = array<i32>} : memref<64xi32, #tpu.memory_space<vmem>>, vector<16xi32>,
        %swap3A_177 = vector.shape_cast %swap3A_176 : vector<16xi32> to vector<16xi32>
        %swap3A_178 = vector.shape_cast %add3A_174 : vector<16xi32> to vector<16xi32>
        tpu.vector_store %arg9[%swap3A_175], %swap3A_178 {strides = array<i32>} : memref<64xi32, #tpu.memory_space<vmem>>, vector<16xi32>,
        %add3A_179 = arith.constant 48 : i32
        %add3A_180 = arith.addi %add3A_149, %add3A_179 : i32
        %get3A_181 = arith.index_cast %add3A_180 : i32 to index
        %get3A_182 = tpu.vector_load %arg7[%get3A_181] {strides = array<i32>} : memref<37952xi32, #tpu.memory_space<vmem>>, vector<16xi32>,
        %get3A_183 = vector.shape_cast %get3A_182 : vector<16xi32> to vector<16xi32>
        %add3A_184 = arith.addi %get3A_183, %add3A_67 : vector<16xi32>
        %swap3A_185 = arith.constant 48 : index
        %swap3A_186 = tpu.vector_load %arg9[%swap3A_185] {strides = array<i32>} : memref<64xi32, #tpu.memory_space<vmem>>, vector<16xi32>,
        %swap3A_187 = vector.shape_cast %swap3A_186 : vector<16xi32> to vector<16xi32>
        %swap3A_188 = vector.shape_cast %add3A_184 : vector<16xi32> to vector<16xi32>
        tpu.vector_store %arg9[%swap3A_185], %swap3A_188 {strides = array<i32>} : memref<64xi32, #tpu.memory_space<vmem>>, vector<16xi32>,
        %dma_start3A = arith.constant 0 : i32
        %dma_start3A_189 = arith.constant 0 : i32
        %dma_start3A_190 = tpu.memref_slice %arg2[%dma_start3A, %dma_start3A_189] : memref<75776x256xf32, #tpu.memory_space<hbm>> -> memref<75776x256xf32, #tpu.memory_space<hbm>>
        tpu.enqueue_indirect_dma source(%dma_start3A_190 : memref<75776x256xf32, #tpu.memory_space<hbm>>) target(%arg13 : memref<64x256xf32, #tpu.memory_space<vmem>>) offsets(%arg9 : memref<64xi32, #tpu.memory_space<vmem>>) semaphore(%arg16 : memref<!tpu.dma_semaphore, #tpu.memory_space<semaphore_mem>>)
        %dma_start3A_191 = tpu.memref_slice %arg4[%add3A_149] : memref<38016xi32, #tpu.memory_space<hbm>> -> memref<80xi32, #tpu.memory_space<hbm>>
        %dma_start3A_192 = tpu.memref_slice %arg4[%add3A_149] : memref<38016xi32, #tpu.memory_space<hbm>> -> memref<80xi32, #tpu.memory_space<hbm>>
        tpu.enqueue_dma source(%dma_start3A_192 : memref<80xi32, #tpu.memory_space<hbm>>) target(%arg11 : memref<80xi32, #tpu.memory_space<vmem>>) target_semaphore(%arg16 : memref<!tpu.dma_semaphore, #tpu.memory_space<semaphore_mem>>)
      } else {
      }
      %lt3A_141 = arith.cmpi slt, %add3A_109, %select_n3A_55 : i32
      %convert_element_type3A_142 = arith.extui %lt3A_141 : i1 to i32
      %cond3A_143 = arith.constant 0 : i32
      %cond3A_144 = arith.cmpi ne, %convert_element_type3A_142, %cond3A_143 : i32
      scf.if %cond3A_144 {
        %dma_wait3A_145 = arith.constant 0 : i32
        %dma_wait3A_146 = arith.constant 0 : i32
        %dma_wait3A_147 = tpu.memref_slice %arg2[%dma_wait3A_145, %dma_wait3A_146] : memref<75776x256xf32, #tpu.memory_space<hbm>> -> memref<75776x256xf32, #tpu.memory_space<hbm>>
        tpu.wait_indirect_dma semaphore(%arg17 : memref<!tpu.dma_semaphore, #tpu.memory_space<semaphore_mem>>) src(%dma_wait3A_147 : memref<75776x256xf32, #tpu.memory_space<hbm>>) dst(%arg14 : memref<64x256xf32, #tpu.memory_space<vmem>>)
        %dma_wait3A_148 = arith.constant 0 : i32
        %dma_wait3A_149 = tpu.memref_slice %arg4[%dma_wait3A_148] : memref<38016xi32, #tpu.memory_space<hbm>> -> memref<80xi32, #tpu.memory_space<hbm>>
        %dma_wait3A_150 = arith.constant 0 : i32
        %dma_wait3A_151 = tpu.memref_slice %arg4[%dma_wait3A_150] : memref<38016xi32, #tpu.memory_space<hbm>> -> memref<80xi32, #tpu.memory_space<hbm>>
        tpu.wait_dma2 semaphore(%arg17 : memref<!tpu.dma_semaphore, #tpu.memory_space<semaphore_mem>>) src(%dma_wait3A_151 : memref<80xi32, #tpu.memory_space<hbm>>) dst(%arg12 : memref<80xi32, #tpu.memory_space<vmem>>)
        %mul3A_152 = arith.constant 64 : i32
        %mul3A_153 = arith.muli %add3A_109, %mul3A_152 : i32
        %add3A_154 = arith.addi %mul3A_26, %mul3A_153 : i32
        %sub3A_155 = arith.subi %squeeze3A, %add3A_154 : i32
        %max3A_156 = arith.constant 0 : i32
        %max3A_157 = arith.maxsi %max3A_156, %sub3A_155 : i32
        %sub3A_158 = arith.subi %squeeze3A_8, %add3A_154 : i32
        %min3A_159 = arith.constant 64 : i32
        %min3A_160 = arith.minsi %min3A_159, %sub3A_158 : i32
        %while3A_161 = arith.constant 0 : i32
        %while3A_162 = arith.subi %min3A_160, %max3A_157 : i32
        %while3A_163 = arith.addi %max3A_157, %while3A_162 : i32
        %while3A_164 = arith.constant 1 : i32
        %while3A_165 = arith.divsi %while3A_162, %while3A_164 : i32
        %while3A_166 = arith.muli %while3A_165, %while3A_164 : i32
        %while3A_167 = arith.addi %max3A_157, %while3A_166 : i32
        %while3A_168 = arith.constant 1 : i32
        scf.for %while3A_170 = %max3A_157 to %while3A_167 step %while3A_168  : i32 {
          %get3A_171 = arith.index_cast %while3A_170 : i32 to index
          %get3A_172 = tpu.vector_load %arg12[%get3A_171] {strides = array<i32>} : memref<80xi32, #tpu.memory_space<vmem>>, vector<16xi32>,
          %get3A_173 = vector.shape_cast %get3A_172 : vector<16xi32> to vector<16xi32>
          %slice3A_174 = vector.extract_strided_slice %get3A_173 {offsets = [0], sizes = [1], strides = [1]} : vector<16xi32> to vector<1xi32>
          %squeeze3A_175 = vector.extract %slice3A_174[0] : i32 from vector<1xi32>
          %scan3A_176 = arith.constant 0 : i32
          %scan3A_177 = arith.constant 16 : i32
          %scan3A_178 = arith.addi %scan3A_176, %scan3A_177 : i32
          %scan3A_179 = arith.constant 1 : i32
          scf.for %scan3A_181 = %scan3A_176 to %scan3A_178 step %scan3A_179  : i32 {
            %mul3A_182 = arith.constant 16 : i32
            %mul3A_183 = arith.muli %scan3A_181, %mul3A_182 : i32
            %get3A_184 = arith.index_cast %squeeze3A_175 : i32 to index
            %get3A_185 = arith.index_cast %mul3A_183 : i32 to index
            %get3A_186 = tpu.vector_load %arg15[%get3A_184, %get3A_185] {strides = array<i32>} : memref<160x256xf32, #tpu.memory_space<vmem>>, vector<1x16xf32>,
            %get3A_187 = vector.shape_cast %get3A_186 : vector<1x16xf32> to vector<16xf32>
            %mul3A_188 = arith.constant 16 : i32
            %mul3A_189 = arith.muli %scan3A_181, %mul3A_188 : i32
            %get3A_190 = arith.index_cast %while3A_170 : i32 to index
            %get3A_191 = arith.index_cast %mul3A_189 : i32 to index
            %get3A_192 = tpu.vector_load %arg14[%get3A_190, %get3A_191] {strides = array<i32>} : memref<64x256xf32, #tpu.memory_space<vmem>>, vector<1x16xf32>,
            %get3A_193 = vector.shape_cast %get3A_192 : vector<1x16xf32> to vector<16xf32>
            %add3A_194 = arith.addf %get3A_187, %get3A_193 : vector<16xf32>
            %mul3A_195 = arith.constant 16 : i32
            %mul3A_196 = arith.muli %scan3A_181, %mul3A_195 : i32
            %swap3A = arith.index_cast %squeeze3A_175 : i32 to index
            %swap3A_197 = arith.index_cast %mul3A_196 : i32 to index
            %swap3A_198 = tpu.vector_load %arg15[%swap3A, %swap3A_197] {strides = array<i32>} : memref<160x256xf32, #tpu.memory_space<vmem>>, vector<1x16xf32>,
            %swap3A_199 = vector.shape_cast %swap3A_198 : vector<1x16xf32> to vector<16xf32>
            %swap3A_200 = vector.shape_cast %add3A_194 : vector<16xf32> to vector<1x16xf32>
            tpu.vector_store %arg15[%swap3A, %swap3A_197], %swap3A_200 {strides = array<i32>} : memref<160x256xf32, #tpu.memory_space<vmem>>, vector<1x16xf32>,
          }
          %scan3A_180 = arith.constant 16 : i32
        }
        %while3A_169 = arith.constant 1 : i32
        scf.for %while3A_170 = %while3A_167 to %while3A_163 step %while3A_169  : i32 {
          %get3A_171 = arith.index_cast %while3A_170 : i32 to index
          %get3A_172 = tpu.vector_load %arg12[%get3A_171] {strides = array<i32>} : memref<80xi32, #tpu.memory_space<vmem>>, vector<16xi32>,
          %get3A_173 = vector.shape_cast %get3A_172 : vector<16xi32> to vector<16xi32>
          %slice3A_174 = vector.extract_strided_slice %get3A_173 {offsets = [0], sizes = [1], strides = [1]} : vector<16xi32> to vector<1xi32>
          %squeeze3A_175 = vector.extract %slice3A_174[0] : i32 from vector<1xi32>
          %scan3A_176 = arith.constant 0 : i32
          %scan3A_177 = arith.constant 16 : i32
          %scan3A_178 = arith.addi %scan3A_176, %scan3A_177 : i32
          %scan3A_179 = arith.constant 1 : i32
          scf.for %scan3A_181 = %scan3A_176 to %scan3A_178 step %scan3A_179  : i32 {
            %mul3A_182 = arith.constant 16 : i32
            %mul3A_183 = arith.muli %scan3A_181, %mul3A_182 : i32
            %get3A_184 = arith.index_cast %squeeze3A_175 : i32 to index
            %get3A_185 = arith.index_cast %mul3A_183 : i32 to index
            %get3A_186 = tpu.vector_load %arg15[%get3A_184, %get3A_185] {strides = array<i32>} : memref<160x256xf32, #tpu.memory_space<vmem>>, vector<1x16xf32>,
            %get3A_187 = vector.shape_cast %get3A_186 : vector<1x16xf32> to vector<16xf32>
            %mul3A_188 = arith.constant 16 : i32
            %mul3A_189 = arith.muli %scan3A_181, %mul3A_188 : i32
            %get3A_190 = arith.index_cast %while3A_170 : i32 to index
            %get3A_191 = arith.index_cast %mul3A_189 : i32 to index
            %get3A_192 = tpu.vector_load %arg14[%get3A_190, %get3A_191] {strides = array<i32>} : memref<64x256xf32, #tpu.memory_space<vmem>>, vector<1x16xf32>,
            %get3A_193 = vector.shape_cast %get3A_192 : vector<1x16xf32> to vector<16xf32>
            %add3A_194 = arith.addf %get3A_187, %get3A_193 : vector<16xf32>
            %mul3A_195 = arith.constant 16 : i32
            %mul3A_196 = arith.muli %scan3A_181, %mul3A_195 : i32
            %swap3A = arith.index_cast %squeeze3A_175 : i32 to index
            %swap3A_197 = arith.index_cast %mul3A_196 : i32 to index
            %swap3A_198 = tpu.vector_load %arg15[%swap3A, %swap3A_197] {strides = array<i32>} : memref<160x256xf32, #tpu.memory_space<vmem>>, vector<1x16xf32>,
            %swap3A_199 = vector.shape_cast %swap3A_198 : vector<1x16xf32> to vector<16xf32>
            %swap3A_200 = vector.shape_cast %add3A_194 : vector<16xf32> to vector<1x16xf32>
            tpu.vector_store %arg15[%swap3A, %swap3A_197], %swap3A_200 {strides = array<i32>} : memref<160x256xf32, #tpu.memory_space<vmem>>, vector<1x16xf32>,
          }
          %scan3A_180 = arith.constant 16 : i32
        }
      } else {
      }
    }
    "tpu.region"() ({
      %run_scoped3A = tpu.sem_alloc : memref<!tpu.dma_semaphore, #tpu.memory_space<semaphore_mem>>
      %dma_start3A = arith.constant 0 : i32
      %dma_start3A_105 = tpu.memref_slice %arg6[%arg0, %mul3A_0, %dma_start3A] : memref<2x2560x256xf32, #tpu.memory_space<hbm>> -> memref<1x160x256xf32, #tpu.memory_space<hbm>>
      %dma_start3A_106 = tpu.memref_squeeze %dma_start3A_105 : memref<1x160x256xf32, #tpu.memory_space<hbm>> -> memref<160x256xf32, #tpu.memory_space<hbm>>
      %dma_start3A_107 = arith.constant 0 : i32
      %dma_start3A_108 = tpu.memref_slice %arg6[%arg0, %mul3A_0, %dma_start3A_107] : memref<2x2560x256xf32, #tpu.memory_space<hbm>> -> memref<1x160x256xf32, #tpu.memory_space<hbm>>
      %dma_start3A_109 = tpu.memref_squeeze %dma_start3A_108 : memref<1x160x256xf32, #tpu.memory_space<hbm>> -> memref<160x256xf32, #tpu.memory_space<hbm>>
      tpu.enqueue_dma source(%arg15 : memref<160x256xf32, #tpu.memory_space<vmem>>) target(%dma_start3A_109 : memref<160x256xf32, #tpu.memory_space<hbm>>) target_semaphore(%run_scoped3A : memref<!tpu.dma_semaphore, #tpu.memory_space<semaphore_mem>>)
      %dma_wait3A = arith.constant 0 : i32
      %dma_wait3A_110 = tpu.memref_slice %arg6[%arg0, %mul3A_0, %dma_wait3A] : memref<2x2560x256xf32, #tpu.memory_space<hbm>> -> memref<1x160x256xf32, #tpu.memory_space<hbm>>
      %dma_wait3A_111 = tpu.memref_squeeze %dma_wait3A_110 : memref<1x160x256xf32, #tpu.memory_space<hbm>> -> memref<160x256xf32, #tpu.memory_space<hbm>>
      %dma_wait3A_112 = arith.constant 0 : i32
      %dma_wait3A_113 = tpu.memref_slice %arg6[%arg0, %mul3A_0, %dma_wait3A_112] : memref<2x2560x256xf32, #tpu.memory_space<hbm>> -> memref<1x160x256xf32, #tpu.memory_space<hbm>>
      %dma_wait3A_114 = tpu.memref_squeeze %dma_wait3A_113 : memref<1x160x256xf32, #tpu.memory_space<hbm>> -> memref<160x256xf32, #tpu.memory_space<hbm>>
      tpu.wait_dma2 semaphore(%run_scoped3A : memref<!tpu.dma_semaphore, #tpu.memory_space<semaphore_mem>>) src(%arg15 : memref<160x256xf32, #tpu.memory_space<vmem>>) dst(%dma_wait3A_114 : memref<160x256xf32, #tpu.memory_space<hbm>>)
      tpu.yield
    }) : () -> ()
    return
  }
}

module attributes {stable_mosaic.version = 14 : i64} {
  func.func @_knn_kernel(%arg0: i32, %arg1: memref<768x3xf32, #tpu.memory_space<vmem>>, %arg2: memref<3x2500xf32, #tpu.memory_space<vmem>>, %arg3: memref<768x5xi32, #tpu.memory_space<vmem>>) attributes {dimension_semantics = [#tpu.dimension_semantics<arbitrary>], iteration_bounds = array<i64: 10>, scalar_prefetch = 0 : i64, scratch_operands = 0 : i64, tpu.core_type = #tpu.core_type<tc>, window_params = [{transform_indices = @transform_0, window_bounds = array<i64: 768, 3>}, {pipeline_mode = #tpu.pipeline_mode<synchronous>, transform_indices = @transform_1, window_bounds = array<i64: 3, 2500>}, {transform_indices = @transform_2, window_bounds = array<i64: 768, 5>}]} {
    %get3A = arith.constant 0 : index
    %get3A_0 = arith.constant 0 : index
    %get3A_1 = vector.load %arg1[%get3A, %get3A_0] : memref<768x3xf32, #tpu.memory_space<vmem>>, vector<768x1xf32>
    %get3A_2 = arith.constant 0 : index
    %get3A_3 = arith.constant 1 : index
    %get3A_4 = vector.load %arg1[%get3A_2, %get3A_3] : memref<768x3xf32, #tpu.memory_space<vmem>>, vector<768x1xf32>
    %get3A_5 = arith.constant 0 : index
    %get3A_6 = arith.constant 2 : index
    %get3A_7 = vector.load %arg1[%get3A_5, %get3A_6] : memref<768x3xf32, #tpu.memory_space<vmem>>, vector<768x1xf32>
    %get3A_8 = arith.constant 0 : index
    %get3A_9 = arith.constant 0 : index
    %get3A_10 = vector.load %arg2[%get3A_8, %get3A_9] : memref<3x2500xf32, #tpu.memory_space<vmem>>, vector<1x2500xf32>
    %get3A_11 = arith.constant 1 : index
    %get3A_12 = arith.constant 0 : index
    %get3A_13 = vector.load %arg2[%get3A_11, %get3A_12] : memref<3x2500xf32, #tpu.memory_space<vmem>>, vector<1x2500xf32>
    %get3A_14 = arith.constant 2 : index
    %get3A_15 = arith.constant 0 : index
    %get3A_16 = vector.load %arg2[%get3A_14, %get3A_15] : memref<3x2500xf32, #tpu.memory_space<vmem>>, vector<1x2500xf32>
    %sub3A = vector.broadcast %get3A_1 : vector<768x1xf32> to vector<768x2500xf32>
    %sub3A_17 = vector.broadcast %get3A_10 : vector<1x2500xf32> to vector<768x2500xf32>
    %sub3A_18 = arith.subf %sub3A, %sub3A_17 : vector<768x2500xf32>
    %integer_pow3A = arith.mulf %sub3A_18, %sub3A_18 : vector<768x2500xf32>
    %sub3A_19 = vector.broadcast %get3A_4 : vector<768x1xf32> to vector<768x2500xf32>
    %sub3A_20 = vector.broadcast %get3A_13 : vector<1x2500xf32> to vector<768x2500xf32>
    %sub3A_21 = arith.subf %sub3A_19, %sub3A_20 : vector<768x2500xf32>
    %integer_pow3A_22 = arith.mulf %sub3A_21, %sub3A_21 : vector<768x2500xf32>
    %add3A = arith.addf %integer_pow3A, %integer_pow3A_22 : vector<768x2500xf32>
    %sub3A_23 = vector.broadcast %get3A_7 : vector<768x1xf32> to vector<768x2500xf32>
    %sub3A_24 = vector.broadcast %get3A_16 : vector<1x2500xf32> to vector<768x2500xf32>
    %sub3A_25 = arith.subf %sub3A_23, %sub3A_24 : vector<768x2500xf32>
    %integer_pow3A_26 = arith.mulf %sub3A_25, %sub3A_25 : vector<768x2500xf32>
    %add3A_27 = arith.addf %add3A, %integer_pow3A_26 : vector<768x2500xf32>
    %iota3A = tpu.iota {dimensions = array<i32: 1>} : vector<768x2500xi32>
    %reduce_min3A = arith.constant dense<0x7F800000> : vector<768xf32>
    %reduce_min3A_28 = vector.multi_reduction <minimumf>, %add3A_27, %reduce_min3A [1] : vector<768x2500xf32> to vector<768xf32>
    %broadcast_in_dim3A = vector.shape_cast %reduce_min3A_28 : vector<768xf32> to vector<768x1xf32>
    %eq3A = vector.broadcast %broadcast_in_dim3A : vector<768x1xf32> to vector<768x2500xf32>
    %eq3A_29 = arith.cmpf oeq, %add3A_27, %eq3A : vector<768x2500xf32>
    %jit3A = arith.constant 2500 : i32
    %broadcast_in_dim3A_30 = vector.broadcast %jit3A : i32 to vector<768x2500xi32>
    %select_n3A = arith.select %eq3A_29, %iota3A, %broadcast_in_dim3A_30 : vector<768x2500xi1>, vector<768x2500xi32>
    %reduce_min3A_31 = arith.constant dense<2147483647> : vector<768xi32>
    %reduce_min3A_32 = vector.multi_reduction <minsi>, %select_n3A, %reduce_min3A_31 [1] : vector<768x2500xi32> to vector<768xi32>
    %broadcast_in_dim3A_33 = vector.shape_cast %reduce_min3A_32 : vector<768xi32> to vector<768x1xi32>
    %swap3A = arith.constant 0 : index
    %swap3A_34 = arith.constant 0 : index
    %swap3A_35 = vector.load %arg3[%swap3A, %swap3A_34] : memref<768x5xi32, #tpu.memory_space<vmem>>, vector<768x1xi32>
    tpu.vector_store %arg3[%swap3A, %swap3A_34], %broadcast_in_dim3A_33 {strides = array<i32>} : memref<768x5xi32, #tpu.memory_space<vmem>>, vector<768x1xi32>,
    %eq3A_36 = vector.broadcast %broadcast_in_dim3A_33 : vector<768x1xi32> to vector<768x2500xi32>
    %eq3A_37 = arith.cmpi eq, %iota3A, %eq3A_36 : vector<768x2500xi32>
    %jit3A_38 = arith.constant 0x7F800000 : f32
    %broadcast_in_dim3A_39 = vector.broadcast %jit3A_38 : f32 to vector<768x2500xf32>
    %select_n3A_40 = arith.select %eq3A_37, %broadcast_in_dim3A_39, %add3A_27 : vector<768x2500xi1>, vector<768x2500xf32>
    %reduce_min3A_41 = arith.constant dense<0x7F800000> : vector<768xf32>
    %reduce_min3A_42 = vector.multi_reduction <minimumf>, %select_n3A_40, %reduce_min3A_41 [1] : vector<768x2500xf32> to vector<768xf32>
    %broadcast_in_dim3A_43 = vector.shape_cast %reduce_min3A_42 : vector<768xf32> to vector<768x1xf32>
    %eq3A_44 = vector.broadcast %broadcast_in_dim3A_43 : vector<768x1xf32> to vector<768x2500xf32>
    %eq3A_45 = arith.cmpf oeq, %select_n3A_40, %eq3A_44 : vector<768x2500xf32>
    %jit3A_46 = arith.constant 2500 : i32
    %broadcast_in_dim3A_47 = vector.broadcast %jit3A_46 : i32 to vector<768x2500xi32>
    %select_n3A_48 = arith.select %eq3A_45, %iota3A, %broadcast_in_dim3A_47 : vector<768x2500xi1>, vector<768x2500xi32>
    %reduce_min3A_49 = arith.constant dense<2147483647> : vector<768xi32>
    %reduce_min3A_50 = vector.multi_reduction <minsi>, %select_n3A_48, %reduce_min3A_49 [1] : vector<768x2500xi32> to vector<768xi32>
    %broadcast_in_dim3A_51 = vector.shape_cast %reduce_min3A_50 : vector<768xi32> to vector<768x1xi32>
    %swap3A_52 = arith.constant 0 : index
    %swap3A_53 = arith.constant 1 : index
    %swap3A_54 = vector.load %arg3[%swap3A_52, %swap3A_53] : memref<768x5xi32, #tpu.memory_space<vmem>>, vector<768x1xi32>
    tpu.vector_store %arg3[%swap3A_52, %swap3A_53], %broadcast_in_dim3A_51 {strides = array<i32>} : memref<768x5xi32, #tpu.memory_space<vmem>>, vector<768x1xi32>,
    %eq3A_55 = vector.broadcast %broadcast_in_dim3A_51 : vector<768x1xi32> to vector<768x2500xi32>
    %eq3A_56 = arith.cmpi eq, %iota3A, %eq3A_55 : vector<768x2500xi32>
    %jit3A_57 = arith.constant 0x7F800000 : f32
    %broadcast_in_dim3A_58 = vector.broadcast %jit3A_57 : f32 to vector<768x2500xf32>
    %select_n3A_59 = arith.select %eq3A_56, %broadcast_in_dim3A_58, %select_n3A_40 : vector<768x2500xi1>, vector<768x2500xf32>
    %reduce_min3A_60 = arith.constant dense<0x7F800000> : vector<768xf32>
    %reduce_min3A_61 = vector.multi_reduction <minimumf>, %select_n3A_59, %reduce_min3A_60 [1] : vector<768x2500xf32> to vector<768xf32>
    %broadcast_in_dim3A_62 = vector.shape_cast %reduce_min3A_61 : vector<768xf32> to vector<768x1xf32>
    %eq3A_63 = vector.broadcast %broadcast_in_dim3A_62 : vector<768x1xf32> to vector<768x2500xf32>
    %eq3A_64 = arith.cmpf oeq, %select_n3A_59, %eq3A_63 : vector<768x2500xf32>
    %jit3A_65 = arith.constant 2500 : i32
    %broadcast_in_dim3A_66 = vector.broadcast %jit3A_65 : i32 to vector<768x2500xi32>
    %select_n3A_67 = arith.select %eq3A_64, %iota3A, %broadcast_in_dim3A_66 : vector<768x2500xi1>, vector<768x2500xi32>
    %reduce_min3A_68 = arith.constant dense<2147483647> : vector<768xi32>
    %reduce_min3A_69 = vector.multi_reduction <minsi>, %select_n3A_67, %reduce_min3A_68 [1] : vector<768x2500xi32> to vector<768xi32>
    %broadcast_in_dim3A_70 = vector.shape_cast %reduce_min3A_69 : vector<768xi32> to vector<768x1xi32>
    %swap3A_71 = arith.constant 0 : index
    %swap3A_72 = arith.constant 2 : index
    %swap3A_73 = vector.load %arg3[%swap3A_71, %swap3A_72] : memref<768x5xi32, #tpu.memory_space<vmem>>, vector<768x1xi32>
    tpu.vector_store %arg3[%swap3A_71, %swap3A_72], %broadcast_in_dim3A_70 {strides = array<i32>} : memref<768x5xi32, #tpu.memory_space<vmem>>, vector<768x1xi32>,
    %eq3A_74 = vector.broadcast %broadcast_in_dim3A_70 : vector<768x1xi32> to vector<768x2500xi32>
    %eq3A_75 = arith.cmpi eq, %iota3A, %eq3A_74 : vector<768x2500xi32>
    %jit3A_76 = arith.constant 0x7F800000 : f32
    %broadcast_in_dim3A_77 = vector.broadcast %jit3A_76 : f32 to vector<768x2500xf32>
    %select_n3A_78 = arith.select %eq3A_75, %broadcast_in_dim3A_77, %select_n3A_59 : vector<768x2500xi1>, vector<768x2500xf32>
    %reduce_min3A_79 = arith.constant dense<0x7F800000> : vector<768xf32>
    %reduce_min3A_80 = vector.multi_reduction <minimumf>, %select_n3A_78, %reduce_min3A_79 [1] : vector<768x2500xf32> to vector<768xf32>
    %broadcast_in_dim3A_81 = vector.shape_cast %reduce_min3A_80 : vector<768xf32> to vector<768x1xf32>
    %eq3A_82 = vector.broadcast %broadcast_in_dim3A_81 : vector<768x1xf32> to vector<768x2500xf32>
    %eq3A_83 = arith.cmpf oeq, %select_n3A_78, %eq3A_82 : vector<768x2500xf32>
    %jit3A_84 = arith.constant 2500 : i32
    %broadcast_in_dim3A_85 = vector.broadcast %jit3A_84 : i32 to vector<768x2500xi32>
    %select_n3A_86 = arith.select %eq3A_83, %iota3A, %broadcast_in_dim3A_85 : vector<768x2500xi1>, vector<768x2500xi32>
    %reduce_min3A_87 = arith.constant dense<2147483647> : vector<768xi32>
    %reduce_min3A_88 = vector.multi_reduction <minsi>, %select_n3A_86, %reduce_min3A_87 [1] : vector<768x2500xi32> to vector<768xi32>
    %broadcast_in_dim3A_89 = vector.shape_cast %reduce_min3A_88 : vector<768xi32> to vector<768x1xi32>
    %swap3A_90 = arith.constant 0 : index
    %swap3A_91 = arith.constant 3 : index
    %swap3A_92 = vector.load %arg3[%swap3A_90, %swap3A_91] : memref<768x5xi32, #tpu.memory_space<vmem>>, vector<768x1xi32>
    tpu.vector_store %arg3[%swap3A_90, %swap3A_91], %broadcast_in_dim3A_89 {strides = array<i32>} : memref<768x5xi32, #tpu.memory_space<vmem>>, vector<768x1xi32>,
    %eq3A_93 = vector.broadcast %broadcast_in_dim3A_89 : vector<768x1xi32> to vector<768x2500xi32>
    %eq3A_94 = arith.cmpi eq, %iota3A, %eq3A_93 : vector<768x2500xi32>
    %jit3A_95 = arith.constant 0x7F800000 : f32
    %broadcast_in_dim3A_96 = vector.broadcast %jit3A_95 : f32 to vector<768x2500xf32>
    %select_n3A_97 = arith.select %eq3A_94, %broadcast_in_dim3A_96, %select_n3A_78 : vector<768x2500xi1>, vector<768x2500xf32>
    %reduce_min3A_98 = arith.constant dense<0x7F800000> : vector<768xf32>
    %reduce_min3A_99 = vector.multi_reduction <minimumf>, %select_n3A_97, %reduce_min3A_98 [1] : vector<768x2500xf32> to vector<768xf32>
    %broadcast_in_dim3A_100 = vector.shape_cast %reduce_min3A_99 : vector<768xf32> to vector<768x1xf32>
    %eq3A_101 = vector.broadcast %broadcast_in_dim3A_100 : vector<768x1xf32> to vector<768x2500xf32>
    %eq3A_102 = arith.cmpf oeq, %select_n3A_97, %eq3A_101 : vector<768x2500xf32>
    %jit3A_103 = arith.constant 2500 : i32
    %broadcast_in_dim3A_104 = vector.broadcast %jit3A_103 : i32 to vector<768x2500xi32>
    %select_n3A_105 = arith.select %eq3A_102, %iota3A, %broadcast_in_dim3A_104 : vector<768x2500xi1>, vector<768x2500xi32>
    %reduce_min3A_106 = arith.constant dense<2147483647> : vector<768xi32>
    %reduce_min3A_107 = vector.multi_reduction <minsi>, %select_n3A_105, %reduce_min3A_106 [1] : vector<768x2500xi32> to vector<768xi32>
    %broadcast_in_dim3A_108 = vector.shape_cast %reduce_min3A_107 : vector<768xi32> to vector<768x1xi32>
    %swap3A_109 = arith.constant 0 : index
    %swap3A_110 = arith.constant 4 : index
    %swap3A_111 = vector.load %arg3[%swap3A_109, %swap3A_110] : memref<768x5xi32, #tpu.memory_space<vmem>>, vector<768x1xi32>
    tpu.vector_store %arg3[%swap3A_109, %swap3A_110], %broadcast_in_dim3A_108 {strides = array<i32>} : memref<768x5xi32, #tpu.memory_space<vmem>>, vector<768x1xi32>,
    return
  }
  func.func @transform_0(%arg0: i32) -> (i32, i32) {
    %c0_i32 = arith.constant 0 : i32
    %c0_i32_0 = arith.constant 0 : i32
    return %arg0, %c0_i32 : i32, i32
  }
  func.func @transform_1(%arg0: i32) -> (i32, i32) {
    %c0_i32 = arith.constant 0 : i32
    %c0_i32_0 = arith.constant 0 : i32
    %c0_i32_1 = arith.constant 0 : i32
    return %c0_i32, %c0_i32_0 : i32, i32
  }
  func.func @transform_2(%arg0: i32) -> (i32, i32) {
    %c0_i32 = arith.constant 0 : i32
    %c0_i32_0 = arith.constant 0 : i32
    return %arg0, %c0_i32 : i32, i32
  }
}

module attributes {stable_mosaic.version = 14 : i64} {
  func.func @_feats_kernel(%arg0: i32, %arg1: memref<1000x512xf32, #tpu.memory_space<vmem>>, %arg2: memref<1000x3xf32, #tpu.memory_space<vmem>>, %arg3: memref<515x512xf32, #tpu.memory_space<vmem>>, %arg4: memref<1x512xf32, #tpu.memory_space<vmem>>, %arg5: memref<1000x512xf32, #tpu.memory_space<vmem>>) attributes {dimension_semantics = [#tpu.dimension_semantics<arbitrary>], iteration_bounds = array<i64: 10>, scalar_prefetch = 0 : i64, scratch_operands = 0 : i64, tpu.core_type = #tpu.core_type<tc>, window_params = [{transform_indices = @transform_0, window_bounds = array<i64: 1000, 512>}, {transform_indices = @transform_1, window_bounds = array<i64: 1000, 3>}, {pipeline_mode = #tpu.pipeline_mode<synchronous>, transform_indices = @transform_2, window_bounds = array<i64: 515, 512>}, {pipeline_mode = #tpu.pipeline_mode<synchronous>, transform_indices = @transform_3, window_bounds = array<i64: 1, 512>}, {transform_indices = @transform_4, window_bounds = array<i64: 1000, 512>}]} {
    %get3A = arith.constant 0 : index
    %get3A_0 = arith.constant 0 : index
    %get3A_1 = vector.load %arg1[%get3A, %get3A_0] : memref<1000x512xf32, #tpu.memory_space<vmem>>, vector<1000x512xf32>
    %get3A_2 = arith.constant 0 : index
    %get3A_3 = arith.constant 0 : index
    %get3A_4 = vector.load %arg3[%get3A_2, %get3A_3] : memref<515x512xf32, #tpu.memory_space<vmem>>, vector<512x512xf32>
    %dot_general3A = arith.constant dense<0.000000e+00> : vector<1000x512xf32>
    %dot_general3A_5 = tpu.matmul %get3A_1, %get3A_4, %dot_general3A {dimension_numbers = #tpu.dot_dimension_numbers<[1], [0], [0], [1], [0, 0, 1, 1], [], []>, transpose_lhs_hint = false} : vector<1000x512xf32>, vector<512x512xf32>, vector<1000x512xf32> -> vector<1000x512xf32>
    %get3A_6 = arith.constant 0 : index
    %get3A_7 = arith.constant 0 : index
    %get3A_8 = vector.load %arg2[%get3A_6, %get3A_7] : memref<1000x3xf32, #tpu.memory_space<vmem>>, vector<1000x3xf32>
    %get3A_9 = arith.constant 512 : index
    %get3A_10 = arith.constant 0 : index
    %get3A_11 = vector.load %arg3[%get3A_9, %get3A_10] : memref<515x512xf32, #tpu.memory_space<vmem>>, vector<3x512xf32>
    %dot_general3A_12 = arith.constant dense<0.000000e+00> : vector<1000x512xf32>
    %dot_general3A_13 = tpu.matmul %get3A_8, %get3A_11, %dot_general3A_12 {dimension_numbers = #tpu.dot_dimension_numbers<[1], [0], [0], [1], [0, 0, 1, 1], [], []>, transpose_lhs_hint = false} : vector<1000x3xf32>, vector<3x512xf32>, vector<1000x512xf32> -> vector<1000x512xf32>
    %add3A = arith.addf %dot_general3A_5, %dot_general3A_13 : vector<1000x512xf32>
    %get3A_14 = arith.constant 0 : index
    %get3A_15 = arith.constant 0 : index
    %get3A_16 = vector.load %arg4[%get3A_14, %get3A_15] : memref<1x512xf32, #tpu.memory_space<vmem>>, vector<1x512xf32>
    %add3A_17 = vector.broadcast %get3A_16 : vector<1x512xf32> to vector<1000x512xf32>
    %add3A_18 = arith.addf %add3A, %add3A_17 : vector<1000x512xf32>
    %swap3A = arith.constant 0 : index
    %swap3A_19 = arith.constant 0 : index
    %swap3A_20 = vector.load %arg5[%swap3A, %swap3A_19] : memref<1000x512xf32, #tpu.memory_space<vmem>>, vector<1000x512xf32>
    tpu.vector_store %arg5[%swap3A, %swap3A_19], %add3A_18 {strides = array<i32>} : memref<1000x512xf32, #tpu.memory_space<vmem>>, vector<1000x512xf32>,
    return
  }
  func.func @transform_0(%arg0: i32) -> (i32, i32) {
    %c0_i32 = arith.constant 0 : i32
    %c0_i32_0 = arith.constant 0 : i32
    return %arg0, %c0_i32 : i32, i32
  }
  func.func @transform_1(%arg0: i32) -> (i32, i32) {
    %c0_i32 = arith.constant 0 : i32
    %c0_i32_0 = arith.constant 0 : i32
    return %arg0, %c0_i32 : i32, i32
  }
  func.func @transform_2(%arg0: i32) -> (i32, i32) {
    %c0_i32 = arith.constant 0 : i32
    %c0_i32_0 = arith.constant 0 : i32
    %c0_i32_1 = arith.constant 0 : i32
    return %c0_i32, %c0_i32_0 : i32, i32
  }
  func.func @transform_3(%arg0: i32) -> (i32, i32) {
    %c0_i32 = arith.constant 0 : i32
    %c0_i32_0 = arith.constant 0 : i32
    %c0_i32_1 = arith.constant 0 : i32
    return %c0_i32, %c0_i32_0 : i32, i32
  }
  func.func @transform_4(%arg0: i32) -> (i32, i32) {
    %c0_i32 = arith.constant 0 : i32
    %c0_i32_0 = arith.constant 0 : i32
    return %arg0, %c0_i32 : i32, i32
  }
}

module attributes {stable_mosaic.version = 14 : i64} {
  func.func @_matmul_two_kernel(%arg0: i32, %arg1: i32, %arg2: memref<1000x512xf32, #tpu.memory_space<vmem>>, %arg3: memref<512x256xf32, #tpu.memory_space<vmem>>, %arg4: memref<1x256xf32, #tpu.memory_space<vmem>>, %arg5: memref<1x1000x256xf32, #tpu.memory_space<vmem>>, %arg6: memref<1x1000x256xf32, #tpu.memory_space<vmem>>) attributes {dimension_semantics = [#tpu.dimension_semantics<arbitrary>, #tpu.dimension_semantics<arbitrary>], iteration_bounds = array<i64: 2, 10>, scalar_prefetch = 0 : i64, scratch_operands = 0 : i64, tpu.core_type = #tpu.core_type<tc>, window_params = [{transform_indices = @transform_0, window_bounds = array<i64: 1000, 512>}, {transform_indices = @transform_1, window_bounds = array<i64: 512, 256>}, {transform_indices = @transform_2, window_bounds = array<i64: 1, 256>}, {transform_indices = @transform_3, window_bounds = array<i64: 1, 1000, 256>}, {transform_indices = @transform_4, window_bounds = array<i64: 1, 1000, 256>}]} {
    %get3A = arith.constant 0 : index
    %get3A_0 = arith.constant 0 : index
    %get3A_1 = vector.load %arg2[%get3A, %get3A_0] : memref<1000x512xf32, #tpu.memory_space<vmem>>, vector<1000x512xf32>
    %get3A_2 = arith.constant 0 : index
    %get3A_3 = arith.constant 0 : index
    %get3A_4 = vector.load %arg3[%get3A_2, %get3A_3] : memref<512x256xf32, #tpu.memory_space<vmem>>, vector<512x256xf32>
    %dot_general3A = arith.constant dense<0.000000e+00> : vector<1000x256xf32>
    %dot_general3A_5 = tpu.matmul %get3A_1, %get3A_4, %dot_general3A {dimension_numbers = #tpu.dot_dimension_numbers<[1], [0], [0], [1], [0, 0, 1, 1], [], []>, transpose_lhs_hint = false} : vector<1000x512xf32>, vector<512x256xf32>, vector<1000x256xf32> -> vector<1000x256xf32>
    %swap3A = arith.constant 0 : index
    %swap3A_6 = arith.constant 0 : index
    %swap3A_7 = arith.constant 0 : index
    %swap3A_8 = vector.load %arg5[%swap3A, %swap3A_6, %swap3A_7] : memref<1x1000x256xf32, #tpu.memory_space<vmem>>, vector<1x1000x256xf32>
    %swap3A_9 = vector.shape_cast %swap3A_8 : vector<1x1000x256xf32> to vector<1000x256xf32>
    %swap3A_10 = vector.shape_cast %dot_general3A_5 : vector<1000x256xf32> to vector<1x1000x256xf32>
    tpu.vector_store %arg5[%swap3A, %swap3A_6, %swap3A_7], %swap3A_10 {strides = array<i32>} : memref<1x1000x256xf32, #tpu.memory_space<vmem>>, vector<1x1000x256xf32>,
    %get3A_11 = arith.constant 0 : index
    %get3A_12 = arith.constant 0 : index
    %get3A_13 = vector.load %arg4[%get3A_11, %get3A_12] : memref<1x256xf32, #tpu.memory_space<vmem>>, vector<1x256xf32>
    %add3A = vector.broadcast %get3A_13 : vector<1x256xf32> to vector<1000x256xf32>
    %add3A_14 = arith.addf %dot_general3A_5, %add3A : vector<1000x256xf32>
    %swap3A_15 = arith.constant 0 : index
    %swap3A_16 = arith.constant 0 : index
    %swap3A_17 = arith.constant 0 : index
    %swap3A_18 = vector.load %arg6[%swap3A_15, %swap3A_16, %swap3A_17] : memref<1x1000x256xf32, #tpu.memory_space<vmem>>, vector<1x1000x256xf32>
    %swap3A_19 = vector.shape_cast %swap3A_18 : vector<1x1000x256xf32> to vector<1000x256xf32>
    %swap3A_20 = vector.shape_cast %add3A_14 : vector<1000x256xf32> to vector<1x1000x256xf32>
    tpu.vector_store %arg6[%swap3A_15, %swap3A_16, %swap3A_17], %swap3A_20 {strides = array<i32>} : memref<1x1000x256xf32, #tpu.memory_space<vmem>>, vector<1x1000x256xf32>,
    return
  }
  func.func @transform_0(%arg0: i32, %arg1: i32) -> (i32, i32) {
    %c0_i32 = arith.constant 0 : i32
    %c0_i32_0 = arith.constant 0 : i32
    return %arg1, %c0_i32 : i32, i32
  }
  func.func @transform_1(%arg0: i32, %arg1: i32) -> (i32, i32) {
    %c0_i32 = arith.constant 0 : i32
    %c0_i32_0 = arith.constant 0 : i32
    return %c0_i32, %arg0 : i32, i32
  }
  func.func @transform_2(%arg0: i32, %arg1: i32) -> (i32, i32) {
    %c0_i32 = arith.constant 0 : i32
    %c0_i32_0 = arith.constant 0 : i32
    return %c0_i32, %arg0 : i32, i32
  }
  func.func @transform_3(%arg0: i32, %arg1: i32) -> (i32, i32, i32) {
    %c0_i32 = arith.constant 0 : i32
    %c0_i32_0 = arith.constant 0 : i32
    return %arg0, %arg1, %c0_i32 : i32, i32, i32
  }
  func.func @transform_4(%arg0: i32, %arg1: i32) -> (i32, i32, i32) {
    %c0_i32 = arith.constant 0 : i32
    %c0_i32_0 = arith.constant 0 : i32
    return %arg0, %arg1, %c0_i32 : i32, i32, i32
  }
}

module attributes {stable_mosaic.version = 14 : i64} {
  func.func @_matmul_bias_kernel(%arg0: i32, %arg1: memref<640x512xf32, #tpu.memory_space<vmem>>, %arg2: memref<512x512xf32, #tpu.memory_space<vmem>>, %arg3: memref<1x512xf32, #tpu.memory_space<vmem>>, %arg4: memref<640x512xf32, #tpu.memory_space<vmem>>) attributes {dimension_semantics = [#tpu.dimension_semantics<arbitrary>], iteration_bounds = array<i64: 4>, scalar_prefetch = 0 : i64, scratch_operands = 0 : i64, tpu.core_type = #tpu.core_type<tc>, window_params = [{transform_indices = @transform_0, window_bounds = array<i64: 640, 512>}, {pipeline_mode = #tpu.pipeline_mode<synchronous>, transform_indices = @transform_1, window_bounds = array<i64: 512, 512>}, {pipeline_mode = #tpu.pipeline_mode<synchronous>, transform_indices = @transform_2, window_bounds = array<i64: 1, 512>}, {transform_indices = @transform_3, window_bounds = array<i64: 640, 512>}]} {
    %get3A = arith.constant 0 : index
    %get3A_0 = arith.constant 0 : index
    %get3A_1 = vector.load %arg1[%get3A, %get3A_0] : memref<640x512xf32, #tpu.memory_space<vmem>>, vector<640x512xf32>
    %get3A_2 = arith.constant 0 : index
    %get3A_3 = arith.constant 0 : index
    %get3A_4 = vector.load %arg2[%get3A_2, %get3A_3] : memref<512x512xf32, #tpu.memory_space<vmem>>, vector<512x512xf32>
    %dot_general3A = arith.constant dense<0.000000e+00> : vector<640x512xf32>
    %dot_general3A_5 = tpu.matmul %get3A_1, %get3A_4, %dot_general3A {dimension_numbers = #tpu.dot_dimension_numbers<[1], [0], [0], [1], [0, 0, 1, 1], [], []>, transpose_lhs_hint = false} : vector<640x512xf32>, vector<512x512xf32>, vector<640x512xf32> -> vector<640x512xf32>
    %get3A_6 = arith.constant 0 : index
    %get3A_7 = arith.constant 0 : index
    %get3A_8 = vector.load %arg3[%get3A_6, %get3A_7] : memref<1x512xf32, #tpu.memory_space<vmem>>, vector<1x512xf32>
    %add3A = vector.broadcast %get3A_8 : vector<1x512xf32> to vector<640x512xf32>
    %add3A_9 = arith.addf %dot_general3A_5, %add3A : vector<640x512xf32>
    %swap3A = arith.constant 0 : index
    %swap3A_10 = arith.constant 0 : index
    %swap3A_11 = vector.load %arg4[%swap3A, %swap3A_10] : memref<640x512xf32, #tpu.memory_space<vmem>>, vector<640x512xf32>
    tpu.vector_store %arg4[%swap3A, %swap3A_10], %add3A_9 {strides = array<i32>} : memref<640x512xf32, #tpu.memory_space<vmem>>, vector<640x512xf32>,
    return
  }
  func.func @transform_0(%arg0: i32) -> (i32, i32) {
    %c0_i32 = arith.constant 0 : i32
    %c0_i32_0 = arith.constant 0 : i32
    return %arg0, %c0_i32 : i32, i32
  }
  func.func @transform_1(%arg0: i32) -> (i32, i32) {
    %c0_i32 = arith.constant 0 : i32
    %c0_i32_0 = arith.constant 0 : i32
    %c0_i32_1 = arith.constant 0 : i32
    return %c0_i32, %c0_i32_0 : i32, i32
  }
  func.func @transform_2(%arg0: i32) -> (i32, i32) {
    %c0_i32 = arith.constant 0 : i32
    %c0_i32_0 = arith.constant 0 : i32
    %c0_i32_1 = arith.constant 0 : i32
    return %c0_i32, %c0_i32_0 : i32, i32
  }
  func.func @transform_3(%arg0: i32) -> (i32, i32) {
    %c0_i32 = arith.constant 0 : i32
    %c0_i32_0 = arith.constant 0 : i32
    return %arg0, %c0_i32 : i32, i32
  }
}

</mosaic_0001>

<sc_bundles>
// kernel: kernel.11.cloned.1.call-start
scs
__scs_entry_jumppad:
0x0: {  	(pc) =	sbr.rel $0x88, $3  }
0x1: {  	(tag) =	ssettag $0x0;
	lr =	simm.s32 $0x1  }
0x2: {  	[smem:$0x3F98] =	sst lr;
	_ =	strace $0xD0000000  }
0x3: {  	_ = 	snop  }
0x4: {  	_ = 	snop  }
0x5: {  	_ = 	snop  }
0x6: {  	_ = 	snop  }
0x7: {  	_ = 	snop  }
__scs_overlays_trampoline_lowered:
0x8: {  	[smem:$0x3FA7] =	sst s0  }
0x9: {  	[smem:$0x3FA8] =	sst s1  }
0xa: {  	[smem:$0x3FA9] =	sst s2  }
0xb: {  	[smem:$0x3FAA] =	sst s3  }
0xc: {  	[smem:$0x3FAB] =	sst s4  }
0xd: {  	[smem:$0x3FAC] =	sst s5  }
0xe: {  	[smem:$0x3FAD] =	sst s6  }
0xf: {  	[smem:$0x3FAE] =	sst s7  }
0x10: {  	[smem:$0x3FAF] =	sst s8  }
0x11: {  	[smem:$0x3FB0] =	sst s9;
	s0 =	simm.s32 @!p0 $0x0  }
0x12: {  	s1 =	sld [smem:$0x3F96];
	s0 =	simm.s32 @p0 $0x1  }
0x13: {  	[smem:$0x3FB1] =	sst s0;
	s0 =	simm.s32 @!p1 $0x0  }
0x14: {  	s2 =	sld [smem:$0x3F95];
	s0 =	simm.s32 @p1 $0x1  }
0x15: {  	[smem:$0x3FB2] =	sst s0;
	s0 =	simm.s32 @!p2 $0x0  }
0x16: {  	s3 =	sld [smem:$0x3FDB];
	s0 =	simm.s32 @p2 $0x1  }
0x17: {  	s4 =	simm.s32 $0x1BF5;
	[smem:$0x3FB4] =	sst s0  }
0x18: {  	s0 =	sld [smem:$0x3F97];
	_ =	swait.ge [sflag:s4], $0x0  }
0x19: {  	s7 =	sld [smem:$0x3F98]  }
0x1a: {  	s8 =	sadd.s32 $0xFFFFE003, lr  }
0x1b: {  	s9 =	sadd.s32 $0xFFFFFEF7, lr;
	s5 =	simm.s32 $0xFFFFFFFF;
	p2 =	slt.u32 s8, $0xFFFFF086  }
0x1c: {  	p1 =	slt.u32 s9, $0xF7A;
	s5 =	simm.s32 @!p2 $0x0  }
0x1d: {  	s5 =	simm.s32 @p1 $0x1;
	p0 =	seq.s32 s7, s2  }
0x1e: {  	s7 =	smul.u32 @!p0 $0xF7A, s2;
	p2 =	seq.s32 @!p0 s5, $0x0  }
0x1f: {  	s9 =	smul.u32 $0xF7A, s1;
	s8 =	simm.s32 @!p0 $0x1BF5;
	p2 =	por !p2, p0  }
0x20: {  	[sflag:s8] =	ssyncset.s32 @!p0 $0xFFFFF086;
	s6 =	sadd.s32 @!p0 s3, s7;
	s7 =	simm.s32 @!p0 $0x108  }
0x21: {  	s3 =	sadd.s32 s3, s9;
	s6 =	sadd.s32 @!p0 $0x88, s6;
	s7 =	simm.s32 @p2 $0x1082  }
0x22: {  	[simem:s7], [sflag:s8] =	dma.local @!p0 [hbm:s6], $0xF7A  }
0x23: {  	s9 =	sor.u32 $0xD0000000, s2;
	s6 =	simm.s32 $0x108;
	_ =	swait.ge @!p0 [sflag:s8], $0x0  }
0x24: {  	s3 =	sadd.s32 $0x88, s3;
	s6 =	simm.s32 @!p1 $0x1082;
	[sflag:s4] =	ssyncset.s32 $0xFFFFF086  }
0x25: {  	[simem:s6], [sflag:s4] =	dma.local [hbm:s3], $0xF7A  }
0x26: {  	[smem:$0x3F98] =	sst s1;
	(tag) =	ssettag s2;
	_ =	strace s9  }
0x27: {  	s1 =	sld [smem:$0x3FA8]  }
0x28: {  	s2 =	sld [smem:$0x3FA9]  }
0x29: {  	s4 =	sld [smem:$0x3FAB]  }
0x2a: {  	p0 =	seq.s32 s5, $0x0;
	s5 =	sld [smem:$0x3FAC]  }
0x2b: {  	s6 =	sld [smem:$0x3FAD]  }
0x2c: {  	s7 =	sld [smem:$0x3FAE]  }
0x2d: {  	s3 =	simm.s32 $0x108;
	s8 =	sld [smem:$0x3FAF]  }
0x2e: {  	s3 =	simm.s32 @!p0 $0x1082;
	s9 =	sld [smem:$0x3FB0]  }
0x2f: {  	lr =	sadd.s32 s0, s3;
	s0 =	sld [smem:$0x3FA7]  }
0x30: {  	s3 =	sld [smem:$0x3FAA]  }
0x31: {  	[smem:$0x3FB3] =	sst s10  }
0x32: {  	s10 =	sld [smem:$0x3FB1];
	_ =	sdelay $0x3  }
0x33: {  	p0 =	seq.s32 s10, $0x1;
	s10 =	sld [smem:$0x3FB3];
	_ =	sdelay $0x3  }
0x34: {  	[smem:$0x3FB3] =	sst s10  }
0x35: {  	s10 =	sld [smem:$0x3FB2];
	_ =	sdelay $0x3  }
0x36: {  	p1 =	seq.s32 s10, $0x1;
	s10 =	sld [smem:$0x3FB3];
	_ =	sdelay $0x3  }
0x37: {  	[smem:$0x3FB3] =	sst s10  }
0x38: {  	s10 =	sld [smem:$0x3FB4]  }
0x39: {  	_ = 	snop;
	(pc) =	sbr.ind lr, $3  }
0x3a: {  	_ = 	snop  }
0x3b: {  	_ = 	snop  }
0x3c: {  	p2 =	seq.s32 s10, $0x1;
	s10 =	sld [smem:$0x3FB3]  }
0x3d: {  	_ =	shalt  }
0x3e: {  	_ =	shalt  }
0x3f: {  	_ =	shalt  }
0x40: {  	_ =	shalt  }
0x41: {  	_ =	shalt  }
0x42: {  	_ =	shalt  }
0x43: {  	_ =	shalt  }
0x44: {  	_ =	shalt  }
0x45: {  	_ =	shalt  }
0x46: {  	_ =	shalt  }
0x47: {  	_ =	shalt  }
0x48: {  	_ =	shalt  }
0x49: {  	_ =	shalt  }
0x4a: {  	_ =	shalt  }
0x4b: {  	_ =	shalt  }
0x4c: {  	_ =	shalt  }
0x4d: {  	_ =	shalt  }
0x4e: {  	_ =	shalt  }
0x4f: {  	_ =	shalt  }
0x50: {  	_ =	shalt  }
0x51: {  	_ =	shalt  }
0x52: {  	_ =	shalt  }
0x53: {  	_ =	shalt  }
0x54: {  	_ =	shalt  }
0x55: {  	_ =	shalt  }
0x56: {  	_ =	shalt  }
0x57: {  	_ =	shalt  }
0x58: {  	_ =	shalt  }
0x59: {  	_ =	shalt  }
0x5a: {  	_ =	shalt  }
0x5b: {  	_ =	shalt  }
0x5c: {  	_ =	shalt  }
0x5d: {  	_ =	shalt  }
0x5e: {  	_ =	shalt  }
0x5f: {  	_ =	shalt  }
0x60: {  	_ =	shalt  }
0x61: {  	_ =	shalt  }
0x62: {  	_ =	shalt  }
0x63: {  	_ =	shalt  }
0x64: {  	_ =	shalt  }
0x65: {  	_ =	shalt  }
0x66: {  	_ =	shalt  }
0x67: {  	_ =	shalt  }
0x68: {  	_ =	shalt  }
0x69: {  	_ =	shalt  }
0x6a: {  	_ =	shalt  }
0x6b: {  	_ =	shalt  }
0x6c: {  	_ =	shalt  }
0x6d: {  	_ =	shalt  }
0x6e: {  	_ =	shalt  }
0x6f: {  	_ =	shalt  }
0x70: {  	_ =	shalt  }
0x71: {  	_ =	shalt  }
0x72: {  	_ =	shalt  }
0x73: {  	_ =	shalt  }
0x74: {  	_ =	shalt  }
0x75: {  	_ =	shalt  }
0x76: {  	_ =	shalt  }
0x77: {  	_ =	shalt  }
0x78: {  	_ =	shalt  }
0x79: {  	_ =	shalt  }
0x7a: {  	_ =	shalt  }
0x7b: {  	_ =	shalt  }
0x7c: {  	_ =	shalt  }
0x7d: {  	_ =	shalt  }
0x7e: {  	_ =	shalt  }
0x7f: {  	_ =	shalt  }
0x80: {  	_ =	shalt  }
0x81: {  	_ =	shalt  }
0x82: {  	_ =	shalt  }
0x83: {  	_ =	shalt  }
0x84: {  	_ =	shalt  }
0x85: {  	_ =	shalt  }
0x86: {  	_ =	shalt  }
0x87: {  	_ =	shalt  }
.Lfunc_end0:
.L_simem_size_0:
called_computation.1_lowered:
.L_overlay_start_0:
0x88: {  	s2 =	sld [smem:$0x3FD9]  }
0x89: {  	s3 =	sld [smem:$0x3FFE];
	_ =	sdelay $0x1  }
0x8a: {  	s1 =	srdreg.scid  }
0x8b: {  	s0 =	sand.u32 $0x1, s1  }
0x8c: {  	s16 =	sshll.u32 s0, $0xA;
	s2 =	sadd.s32 s3, s2  }
0x8d: {  	s2 =	sadd.s32 s2, s16  }
0x8e: {  	[smem:$0x3FBF] =	sst s2  }
0x8f: {  	_ = 	snop  }
0x90: {  	(tm) =	ssettm $0x1  }
0x91: {  	s17 =	sld [smem:$0x3FFB];
	_ =	sdelay $0x3  }
0x92: {  	_ =	strace s17  }
0x93: {  	s2 =	sld [smem:$0x3FFC];
	_ =	sdelay $0x3  }
0x94: {  	_ =	strace s2  }
0x95: {  	s2 =	sld [smem:$0x3FFD];
	_ =	sdelay $0x3  }
0x96: {  	_ =	strace s2  }
0x97: {  	_ =	strace $0x8FFFFFFF  }
0x98: {  	s18 =	sld [smem:$0x3FDB];
	_ =	sdelay $0x1  }
0x99: {  	s19 =	simm.s32 $_scs_section_size  }
0x9a: {  	s4 =	simm.s32 $_size__tile_overlayer_lowered;
	s5 =	simm.s32 $_tile_overlayer_lowered  }
0x9b: {  	s22 =	simm.s32 $0x1BFF;
	s21 =	sshll.u32 s5, $0x1;
	s2 =	sadd.s32 s19, s18  }
0x9c: {  	s6 =	simm.s32 $0x0;
	s20 =	sshll.u32 s4, $0x1;
	s4 =	sadd.s32 s21, s2  }
0x9d: {  	[timem:s6], [sflag:s22] =	dma.local [hbm:s4], s20  }
0x9e: {  	_ =	swait.ge [sflag:s22], s20  }
0x9f: {  	s3 =	ssub.s32 $0x0, s20;
	[sflag:s22] =	ssyncset.done $0x0  }
0xa0: {  	[sflag:s22] =	ssyncadd.s32 s3;
	_ =	sdelay $0x1  }
0xa1: {  	s23 =	simm.s32 $0x1B8B  }
0xa2: {  	_ =	swait.ge [sflag:s23], $0x1  }
0xa3: {  	[sflag:s23] =	ssyncset.done $0x0  }
0xa4: {  	s25 =	simm.s32 $0x1B8E;
	s24 =	sld [smem:$0x3FFE];
	[sflag:s23] =	ssyncadd.s32 $0xFFFFFFFF  }
0xa5: {  	s26 =	simm.s32 $execute0_lowered;
	[smem:$0x3FD2] =	sst s25  }
0xa6: {  	s4 =	sshll.u32 s26, $0x1;
	_ =	strace $0x80000049;
	[dreg:$0x1] =	wrdreg $0xFFFFFFFF  }
0xa7: {  	s28 =	simm.s32 $_size_execute0_lowered;
	s2 =	sadd.s32 s2, s4;
	[dreg:$0x0] =	wrdreg $0x0  }
0xa8: {  	s4 =	sshll.u32 s28, $0x1;
	[dreg:$0x2] =	wrdreg s2  }
0xa9: {  	[dreg:$0x3] =	wrdreg s4  }
0xaa: {  	[dreg:$0x4] =	wrdreg $0xC0  }
0xab: {  	_ =	task [dreg:s6], $0x5FFFF  }
0xac: {  	[dreg:$0x1] =	wrdreg $0xFFFFFFFF  }
0xad: {  	[dreg:$0x0] =	wrdreg $0x60  }
0xae: {  	[dreg:$0x2] =	wrdreg s24  }
0xaf: {  	[dreg:$0x3] =	wrdreg $0x9  }
0xb0: {  	_ =	task.clear_ibuf [dreg:s6], $0x4FFFF;
	_ =	strace $0x90000049  }
0xb1: {  	s29 =	simm.s32 $0x9;
	_ =	strace $0x8000004B  }
0xb2: {  	_ =	swait.ge [sflag:s29], $0x1  }
0xb3: {  	[sflag:s29] =	ssyncadd.s32 $0xFFFFFFFF  }
0xb4: {  	_ =	strace $0x9000004B  }
0xb5: {  	_ =	sfence  }
0xb6: {  	s30 =	sld [smem:$0x0];
	_ =	sdelay $0x2  }
0xb7: {  	s31 =	sshll.u32 s1, $0xD;
	s1 =	sshrl.u32 s1, $0x2  }
0xb8: {  	s3 =	sand.u32 $0x4000, s31;
	s1 =	sadd.s32 s1, s30  }
0xb9: {  	s0 =	sor.u32 s3, s0;
	s1 =	sshll.u32 s1, $0x11  }
0xba: {  	s0 =	sor.u32 s1, s0  }
0xbb: {  	s0 =	sadd.s32 $0x8F2B, s0  }
0xbc: {  	[sflag:s0] =	ssyncadd.remote.s32 $0x1  }
0xbd: {  	_ =	sfence.sel $0xFFFF  }
0xbe: {  	[dreg:$0x0] =	wrdreg $0xFFFFFFFF;
	(pc) =	sbr.abs _section_cstart, $3  }
0xbf: {  	[dreg:$0x1] =	wrdreg $0xFFFFFFFF  }
0xc0: {  	_ =	task.clear_ibuf [dreg:s6], $0x2FFFF;
	_ =	strace $0x9FFFFFFF  }
0xc1: {  	(tm) =	ssettm $0x7FFFFFFF  }
tec
execute0_lowered:
.L_overlay_start_1:
0x0: {  	(tag) =	ssettag $0x1  }
0x1: {  	s0 =	rddreg [dreg:$0x0];
	s1 =	srdreg.scid  }
0x2: {  	s2 =	simm.s32 $0x0;
	s3 =	stileid.u32;
	s11 =	simm.s32 $0x1  }
0x3: {  	s13 =	simm.s32 $0x9F00;
	s14 =	simm.s32 $0xA700;
	s15 =	simm.s32 $0xAF00  }
0x4: {  	s16 =	simm.s32 $0xB700;
	s17 =	simm.s32 $0xBF00;
	s18 =	simm.s32 $0xC700  }
0x5: {  	s19 =	simm.s32 $0xCF00;
	s1 =	sand.u32 $0x1, s1;
	s5 =	smul.u32 $0xA000, s3  }
0x6: {  	[smem:$0x7FF] =	sst s2;
	s3 =	sadd.s32 $0x15B400, s0;
	s4 =	smul.u32 $0xA0000, s1  }
0x7: {  	s6 =	sadd.s32 $0x4E00, s0;
	s7 =	sadd.s32 $0x4200, s0;
	_ =	strace $0x8000004A  }
0x8: {  	[dreg:$0x2] =	wrdreg s6;
	s29 =	ssub.s32 $0x2, s1;
	s4 =	sadd.s32 s5, s4  }
.Ltmp0:
0x9: {  	[dreg:$0x3] =	wrdreg s7;
	s4 =	sshrl.u32 s4, $0x3;
	(pc) =	sbr.rel .LBB2_1-.Ltmp0, $4  }
0xa: {  	s30 =	sshrl.u32 s29, $0x1;
	s5 =	sadd.s32 $0x2E00, s0;
	s0 =	sadd.s32 s4, s0  }
0xb: {  	v4 =	vlaneseq.u32;
	v1 =	vimm.f32 $0.0e+00;
	s1 =	smul.u32 $0x9400, s1;
	s4 =	ssub.s32 s29, s30;
	s0 =	sadd.s32 $0x6200, s0  }
0xc: {  	s20 =	simm.s32 $0x9600;
	vm0 =	vmmov $0xffff;
	v2 =	vand.u32 $0x7, v4;
	v3 =	vshrl.u32 v4, $0x3;
	s31 =	smax.u32 s4, $0x1;
	[dreg:$0x4] =	wrdreg s0  }
0xd: {  	v4 =	vor.u32 $0x8, v4;
	s6 =	simm.s32 $0x3;
	v3 =	vmul.u32 $0x8, v3;
	v0 =	vmov s1;
	[dreg:$0x5] =	wrdreg s31;
	s0 =	simm.s32 $0x0  }
.LBB2_19:
0xe: {  	s1 =	rddreg [dreg:$0x4];
	s4 =	simm.s32 $0x11700;
	s6 =	simm.s32 $0x3  }
0xf: {  	[hbm4b:s1+s2] =	stream.linear.scatter [tilespmem:s4], [sflag:$0x3], $0xA000, $0x38;
	[tilespmem:$0x1B700] =	vst v63  }
0x10: {  	_ =	swait.ge [sflag:s6], $0xA000  }
0x11: {  	s0 =	sadd.s32 $0x1, s0;
	s31 =	rddreg [dreg:$0x5]  }
0x12: {  	p0 =	sne.s32 s0, s31  }
.Ltmp1:
0x13: {  	_ = 	snop;
	(pc) =	sbr.rel @!p0 .LBB2_20-.Ltmp1, $3  }
0x14: {  	_ =	sdelay $0x1  }
0x15: {  	[sflag:s6] =	ssyncset.done $0x0  }
0x16: {  	[sflag:s6] =	ssyncadd.s32 $0xFFFF6000  }
.LBB2_1:
0x17: {  	s1 =	rddreg [dreg:$0x3];
	s4 =	simm.s32 $0x9480  }
0x18: {  	[tilespmem:s4], [sflag:$0x3] =	stream.linear.gather [hbm4b:s1+s2], $0x80, $0x38;
	[tilespmem:$0x1B700] =	vst v63  }
0x19: {  	_ =	swait.ge [sflag:s6], $0x80  }
0x1a: {  	[sflag:s6] =	ssyncset.done $0x0  }
0x1b: {  	s26 =	rddreg [dreg:$0x2];
	[sflag:s6] =	ssyncadd.s32 $0xFFFFFF80  }
0x1c: {  	[tilespmem:s2], [sflag:$0x3] =	stream.linear.gather [hbm4b:s26+s2], $0x9480, $0x38;
	[tilespmem:$0x1B700] =	vst v63  }
0x1d: {  	_ =	swait.ge [sflag:s6], $0x9480  }
0x1e: {  	s28 =	stileid.u32;
	[sflag:s6] =	ssyncset.done $0x0  }
0x1f: {  	s29 =	sand.u32 $0xF800, s2;
	s30 =	sand.u32 $0x380, s2;
	[sflag:s6] =	ssyncadd.s32 $0xFFFF6B80  }
0x20: {  	s4 =	sor.u32 s30, s29;
	v5 =	vld [tilespmem:s28+$0x9480]  }
0x21: {  	s1 =	sadd.s32 $0x11700, s4;
	v6 =	vld [tilespmem:s28+$0x9481];
	[tilespmem:s4+$0x11700] =	vst v1  }
0x22: {  	[tilespmem:s1+$0x40] =	vst v1  }
0x23: {  	[tilespmem:s1+$0x50] =	vst v1  }
0x24: {  	[tilespmem:s1+$0x60] =	vst v1  }
0x25: {  	[tilespmem:s1+$0x70] =	vst v1  }
0x26: {  	[tilespmem:s1+$0x400] =	vst v1  }
0x27: {  	[tilespmem:s1+$0x410] =	vst v1  }
0x28: {  	[tilespmem:s1+$0x420] =	vst v1  }
0x29: {  	[tilespmem:s1+$0x430] =	vst v1  }
0x2a: {  	[tilespmem:s1+$0x440] =	vst v1  }
0x2b: {  	[tilespmem:s1+$0x450] =	vst v1  }
0x2c: {  	[tilespmem:s1+$0x460] =	vst v1  }
0x2d: {  	[tilespmem:s1+$0x10] =	vst v1  }
0x2e: {  	s31 =	simm.s32 $0x100;
	s4 =	simm.s32 $0x80;
	[tilespmem:s1+$0x20] =	vst v1  }
0x2f: {  	s7 =	sand.u32 $0xF800, s31;
	s6 =	simm.s32 $0x200;
	[tilespmem:s1+$0x30] =	vst v1;
	s8 =	sand.u32 $0x380, s4  }
.LBB2_2:
0x30: {  	p0 =	sne.s32 s6, $0x9F00;
	s7 =	sor.u32 s8, s7;
	[tilespmem:s1+$0x470] =	vst v1  }
0x31: {  	s1 =	sadd.s32 $0x11700, s7;
	[tilespmem:s7+$0x11700] =	vst v1  }
0x32: {  	[tilespmem:s1+$0x10] =	vst v1  }
0x33: {  	[tilespmem:s1+$0x20] =	vst v1  }
0x34: {  	[tilespmem:s1+$0x30] =	vst v1  }
0x35: {  	[tilespmem:s1+$0x40] =	vst v1  }
0x36: {  	[tilespmem:s1+$0x50] =	vst v1  }
0x37: {  	[tilespmem:s1+$0x60] =	vst v1  }
0x38: {  	[tilespmem:s1+$0x70] =	vst v1  }
0x39: {  	[tilespmem:s1+$0x400] =	vst v1  }
0x3a: {  	[tilespmem:s1+$0x410] =	vst v1  }
.Ltmp2:
0x3b: {  	[tilespmem:s1+$0x420] =	vst v1;
	(pc) =	sbr.rel @p0 .LBB2_2-.Ltmp2, $4  }
0x3c: {  	[tilespmem:s1+$0x430] =	vst v1  }
0x3d: {  	[tilespmem:s1+$0x440] =	vst v1  }
0x3e: {  	s4 =	sadd.s32 $0x80, s4;
	[tilespmem:s1+$0x450] =	vst v1  }
0x3f: {  	s7 =	sand.u32 $0xF800, s6;
	s8 =	sand.u32 $0x380, s4;
	s6 =	sadd.s32 $0x100, s6;
	[tilespmem:s1+$0x460] =	vst v1  }
0x40: {  	(v2sf) =	vpush v5, $0x0;
	_ =	sdelay $0x6  }
0x41: {  	(v2sf) =	vpush v6, $0x0;
	_ =	sdelay $0x7  }
0x42: {  	s9 =	spop (v2sf)  }
0x43: {  	s4 =	sor.u32 s8, s7;
	s25 =	sand.u32 $0x3F, s9  }
0x44: {  	s26 =	sshra.s32 s9, $0x1F;
	p0 =	slt.s32 s9, $0x1;
	p1 =	sne.s32 s25, $0x0  }
0x45: {  	[tilespmem:s1+$0x470] =	vst v1;
	s7 =	sadd.s32 $0x11700, s4;
	s28 =	sshrl.u32 s26, $0x1A;
	p0 =	por !p0, !p1  }
0x46: {  	[tilespmem:s4+$0x11700] =	vst v1;
	s4 =	simm.s32 $0x1;
	s1 =	sadd.s32 s28, s9;
	p0 =	por !p0, !p0  }
0x47: {  	s1 =	sshra.s32 s1, $0x6;
	s4 =	simm.s32 @!p0 $0x0  }
0x48: {  	s31 =	ssub.s32 s1, s4  }
0x49: {  	[tilespmem:s7+$0x10] =	vst v1;
	s1 =	spop (v2sf);
	s4 =	sshll.u32 s31, $0x6  }
0x4a: {  	[tilespmem:s7+$0x20] =	vst v1;
	s6 =	ssub.s32 s1, s4  }
0x4b: {  	[tilespmem:s7+$0x30] =	vst v1;
	s6 =	sadd.s32 $0x3F, s6  }
0x4c: {  	[tilespmem:s7+$0x40] =	vst v1;
	s29 =	sand.u32 $0x3F, s6  }
0x4d: {  	[tilespmem:s7+$0x50] =	vst v1;
	s30 =	sshra.s32 s6, $0x1F;
	p6 =	slt.s32 s6, $0x1;
	p5 =	sne.s32 s29, $0x0  }
0x4e: {  	[tilespmem:s7+$0x60] =	vst v1;
	s8 =	sshrl.u32 s30, $0x1A;
	p0 =	por !p6, !p5  }
0x4f: {  	[tilespmem:s7+$0x70] =	vst v1;
	s6 =	sadd.s32 s8, s6;
	s8 =	simm.s32 $0x1;
	p0 =	por !p0, !p0  }
0x50: {  	[tilespmem:s7+$0x400] =	vst v1;
	s6 =	sshra.s32 s6, $0x6;
	s8 =	simm.s32 @!p0 $0x0  }
0x51: {  	[tilespmem:s7+$0x410] =	vst v1;
	s6 =	ssub.s32 s6, s8  }
0x52: {  	[tilespmem:s7+$0x420] =	vst v1;
	p0 =	slt.s32 s6, $0x1  }
.Ltmp3:
0x53: {  	[tilespmem:s7+$0x430] =	vst v1;
	(pc) =	sbr.rel @p0 .LBB2_5-.Ltmp3, $4  }
0x54: {  	[tilespmem:s7+$0x440] =	vst v1  }
0x55: {  	[tilespmem:s7+$0x450] =	vst v1  }
0x56: {  	[tilespmem:s7+$0x460] =	vst v1  }
0x57: {  	[tilespmem:s7+$0x470] =	vst v1  }
0x58: {  	v5 =	vld [tilespmem:s4+$0x0];
	_ =	sdelay $0x4  }
0x59: {  	v6 =	vadd.s32 v0, v5  }
0x5a: {  	[tilespmem:$0x9500] =	vst v6  }
0x5b: {  	v7 =	vld [tilespmem:s4+$0x10];
	_ =	sdelay $0x4  }
0x5c: {  	v7 =	vadd.s32 v0, v7  }
0x5d: {  	[tilespmem:$0x9510] =	vst v7  }
0x5e: {  	v7 =	vld [tilespmem:s4+$0x20];
	_ =	sdelay $0x3  }
0x5f: {  	v6 =	vshll.u32 v6, $0x1  }
0x60: {  	v5 =	vand.u32 $0x7, v5;
	v6 =	vand.u32 $0xFFFFFFF0, v6;
	v7 =	vadd.s32 v0, v7  }
0x61: {  	v5 =	vor.u32 v5, v6;
	[tilespmem:$0x9520] =	vst v7  }
0x62: {  	v7 =	vperm.xlane v5, v2;
	v6 =	vld [tilespmem:s4+$0x30];
	_ =	sdelay $0x1  }
0x63: {  	v5 =	vperm.xlane v5, v4;
	v7 =	vadd.s32 v3, v7;
	_ =	sdelay $0x1  }
0x64: {  	v5 =	vadd.s32 v3, v5  }
0x65: {  	v6 =	vadd.s32 v0, v6  }
0x66: {  	s7 =	simm.s32 $0x9700;
	[tilespmem:$0x9530] =	vst v6  }
0x67: {  	[tilespmem:s7], [sflag:$0x1] =	stream.indirect_vreg.gather [hbm4b:s3+s2], $0x80, v7, vm0, $0xb8;
	[tilespmem:$0x1B700] =	vst v63  }
0x68: {  	_ = 	snop  }
0x69: {  	[tilespmem:s13], [sflag:$0x1] =	stream.indirect_vreg.gather [hbm4b:s3+s2], $0x80, v5, vm0, $0xb8;
	[tilespmem:$0x1B700] =	vst v63  }
0x6a: {  	v5 =	vld [tilespmem:$0x9510];
	_ =	sdelay $0x4  }
0x6b: {  	v6 =	vshll.u32 v5, $0x1  }
0x6c: {  	v5 =	vand.u32 $0x7, v5;
	v6 =	vand.u32 $0xFFFFFFF0, v6  }
0x6d: {  	v5 =	vor.u32 v5, v6  }
0x6e: {  	v6 =	vperm.xlane v5, v2;
	_ =	sdelay $0x1  }
0x6f: {  	v5 =	vperm.xlane v5, v4;
	v6 =	vadd.s32 v3, v6;
	_ =	sdelay $0x1  }
0x70: {  	v5 =	vadd.s32 v3, v5;
	_ =	sdelay $0x2  }
0x71: {  	[tilespmem:s14], [sflag:$0x1] =	stream.indirect_vreg.gather [hbm4b:s3+s2], $0x80, v6, vm0, $0xb8;
	[tilespmem:$0x1B700] =	vst v63  }
0x72: {  	_ = 	snop  }
0x73: {  	[tilespmem:s15], [sflag:$0x1] =	stream.indirect_vreg.gather [hbm4b:s3+s2], $0x80, v5, vm0, $0xb8;
	[tilespmem:$0x1B700] =	vst v63  }
0x74: {  	v5 =	vld [tilespmem:$0x9520];
	_ =	sdelay $0x4  }
0x75: {  	v6 =	vshll.u32 v5, $0x1  }
0x76: {  	v5 =	vand.u32 $0x7, v5;
	v6 =	vand.u32 $0xFFFFFFF0, v6  }
0x77: {  	v5 =	vor.u32 v5, v6  }
0x78: {  	v6 =	vperm.xlane v5, v2;
	_ =	sdelay $0x1  }
0x79: {  	v5 =	vperm.xlane v5, v4;
	v6 =	vadd.s32 v3, v6;
	_ =	sdelay $0x1  }
0x7a: {  	v5 =	vadd.s32 v3, v5;
	_ =	sdelay $0x2  }
0x7b: {  	[tilespmem:s16], [sflag:$0x1] =	stream.indirect_vreg.gather [hbm4b:s3+s2], $0x80, v6, vm0, $0xb8;
	[tilespmem:$0x1B700] =	vst v63  }
0x7c: {  	_ = 	snop  }
0x7d: {  	[tilespmem:s17], [sflag:$0x1] =	stream.indirect_vreg.gather [hbm4b:s3+s2], $0x80, v5, vm0, $0xb8;
	[tilespmem:$0x1B700] =	vst v63  }
0x7e: {  	v5 =	vld [tilespmem:$0x9530];
	_ =	sdelay $0x4  }
0x7f: {  	v6 =	vshll.u32 v5, $0x1  }
0x80: {  	v5 =	vand.u32 $0x7, v5;
	v6 =	vand.u32 $0xFFFFFFF0, v6  }
0x81: {  	v5 =	vor.u32 v5, v6  }
0x82: {  	v6 =	vperm.xlane v5, v2;
	_ =	sdelay $0x1  }
0x83: {  	v5 =	vperm.xlane v5, v4;
	v6 =	vadd.s32 v3, v6;
	_ =	sdelay $0x1  }
0x84: {  	v5 =	vadd.s32 v3, v5;
	_ =	sdelay $0x2  }
0x85: {  	[tilespmem:s18], [sflag:$0x1] =	stream.indirect_vreg.gather [hbm4b:s3+s2], $0x80, v6, vm0, $0xb8;
	[tilespmem:$0x1B700] =	vst v63  }
0x86: {  	s30 =	sshrl.u32 s4, $0x3  }
0x87: {  	[tilespmem:s19], [sflag:$0x1] =	stream.indirect_vreg.gather [hbm4b:s3+s2], $0x80, v5, vm0, $0xb8;
	[tilespmem:$0x1B700] =	vst v63  }
0x88: {  	s7 =	sadd.s32 s5, s30  }
0x89: {  	[tilespmem:s20], [sflag:$0x1] =	stream.linear.gather [hbm4b:s7+s2], $0x50, $0x38;
	[tilespmem:$0x1B700] =	vst v63  }
.LBB2_5:
0x8a: {  	s7 =	sadd.s32 $0x1, s6  }
0x8b: {  	s8 =	sand.u32 $0x1, s7  }
0x8c: {  	p0 =	slt.s32 s6, $0x0;
	p1 =	seq.s32 s8, $0x1  }
0x8d: {  	s30 =	sshrl.u32 s7, $0x1F;
	p0 =	por !p0, !p1  }
0x8e: {  	s7 =	sadd.s32 s30, s7;
	s8 =	simm.s32 $0x1;
	p0 =	por !p0, !p0  }
0x8f: {  	s7 =	sshra.s32 s7, $0x1;
	s8 =	simm.s32 @!p0 $0x0  }
0x90: {  	s7 =	ssub.s32 s7, s8  }
0x91: {  	p0 =	slt.s32 s7, $0x1  }
.Ltmp4:
0x92: {  	_ = 	snop;
	(pc) =	sbr.rel @!p0 .LBB2_6-.Ltmp4, $4  }
.Ltmp5:
0x93: {  	_ = 	snop;
	(pc) =	sbr.rel @p0 .LBB2_19-.Ltmp5, $4  }
0x94: {  	_ = 	snop  }
0x95: {  	_ = 	snop  }
0x96: {  	s8 =	simm.s32 $0x0  }
0x97: {  	_ = 	snop  }
.LBB2_18:
0x98: {  	s8 =	sadd.s32 $0x1, s8  }
0x99: {  	p0 =	sne.s32 s8, s7  }
.Ltmp6:
0x9a: {  	_ = 	snop;
	(pc) =	sbr.rel @!p0 .LBB2_19-.Ltmp6, $1  }
0x9b: {  	_ =	sdelay $0x3  }
.LBB2_6:
0x9c: {  	s10 =	sshllo.u32 s8, $0x1  }
0x9d: {  	_ =	swait.ge [sflag:s11], $0x4000;
	p0 =	sge.s32 s10, s6  }
.Ltmp7:
0x9e: {  	[sflag:s11] =	ssyncset.done $0x0;
	(pc) =	sbr.rel @p0 .LBB2_8-.Ltmp7, $4  }
0x9f: {  	[sflag:s11] =	ssyncadd.s32 $0xFFFFC000  }
0xa0: {  	_ =	swait.ge [sflag:s11], $0x50  }
0xa1: {  	[sflag:s11] =	ssyncset.done $0x0  }
0xa2: {  	[sflag:s11] =	ssyncadd.s32 $0xFFFFFFB0  }
0xa3: {  	s12 =	sadd.s32 s31, s10  }
0xa4: {  	s12 =	sshll.u32 s12, $0x6  }
0xa5: {  	v5 =	vld [tilespmem:s12+$0x0];
	_ =	sdelay $0x4  }
0xa6: {  	v6 =	vadd.s32 v0, v5  }
0xa7: {  	[tilespmem:$0x9580] =	vst v6  }
0xa8: {  	v7 =	vld [tilespmem:s12+$0x10];
	_ =	sdelay $0x4  }
0xa9: {  	v7 =	vadd.s32 v0, v7  }
0xaa: {  	[tilespmem:$0x9590] =	vst v7  }
0xab: {  	v7 =	vld [tilespmem:s12+$0x20];
	_ =	sdelay $0x3  }
0xac: {  	v6 =	vshll.u32 v6, $0x1  }
0xad: {  	v5 =	vand.u32 $0x7, v5;
	v6 =	vand.u32 $0xFFFFFFF0, v6;
	v7 =	vadd.s32 v0, v7  }
0xae: {  	v5 =	vor.u32 v5, v6;
	[tilespmem:$0x95A0] =	vst v7  }
0xaf: {  	v7 =	vperm.xlane v5, v2;
	v6 =	vld [tilespmem:s12+$0x30];
	_ =	sdelay $0x1  }
0xb0: {  	v5 =	vperm.xlane v5, v4;
	v7 =	vadd.s32 v3, v7;
	_ =	sdelay $0x1  }
0xb1: {  	v5 =	vadd.s32 v3, v5  }
0xb2: {  	v6 =	vadd.s32 v0, v6  }
0xb3: {  	s21 =	simm.s32 $0xD700;
	[tilespmem:$0x95B0] =	vst v6  }
0xb4: {  	[tilespmem:s21], [sflag:$0x2] =	stream.indirect_vreg.gather [hbm4b:s3+s2], $0x80, v7, vm0, $0xb8;
	[tilespmem:$0x1B700] =	vst v63  }
0xb5: {  	s22 =	simm.s32 $0xDF00  }
0xb6: {  	[tilespmem:s22], [sflag:$0x2] =	stream.indirect_vreg.gather [hbm4b:s3+s2], $0x80, v5, vm0, $0xb8;
	[tilespmem:$0x1B700] =	vst v63  }
0xb7: {  	v5 =	vld [tilespmem:$0x9590];
	_ =	sdelay $0x4  }
0xb8: {  	v6 =	vshll.u32 v5, $0x1  }
0xb9: {  	v5 =	vand.u32 $0x7, v5;
	v6 =	vand.u32 $0xFFFFFFF0, v6  }
0xba: {  	v5 =	vor.u32 v5, v6  }
0xbb: {  	v6 =	vperm.xlane v5, v2;
	_ =	sdelay $0x1  }
0xbc: {  	v5 =	vperm.xlane v5, v4;
	v6 =	vadd.s32 v3, v6;
	_ =	sdelay $0x1  }
0xbd: {  	v5 =	vadd.s32 v3, v5;
	_ =	sdelay $0x1  }
0xbe: {  	s23 =	simm.s32 $0xE700  }
0xbf: {  	[tilespmem:s23], [sflag:$0x2] =	stream.indirect_vreg.gather [hbm4b:s3+s2], $0x80, v6, vm0, $0xb8;
	[tilespmem:$0x1B700] =	vst v63  }
0xc0: {  	s24 =	simm.s32 $0xEF00  }
0xc1: {  	[tilespmem:s24], [sflag:$0x2] =	stream.indirect_vreg.gather [hbm4b:s3+s2], $0x80, v5, vm0, $0xb8;
	[tilespmem:$0x1B700] =	vst v63  }
0xc2: {  	v5 =	vld [tilespmem:$0x95A0];
	_ =	sdelay $0x4  }
0xc3: {  	v6 =	vshll.u32 v5, $0x1  }
0xc4: {  	v5 =	vand.u32 $0x7, v5;
	v6 =	vand.u32 $0xFFFFFFF0, v6  }
0xc5: {  	v5 =	vor.u32 v5, v6  }
0xc6: {  	v6 =	vperm.xlane v5, v2;
	_ =	sdelay $0x1  }
0xc7: {  	v5 =	vperm.xlane v5, v4;
	v6 =	vadd.s32 v3, v6;
	_ =	sdelay $0x1  }
0xc8: {  	v5 =	vadd.s32 v3, v5;
	_ =	sdelay $0x1  }
0xc9: {  	s25 =	simm.s32 $0xF700  }
0xca: {  	[tilespmem:s25], [sflag:$0x2] =	stream.indirect_vreg.gather [hbm4b:s3+s2], $0x80, v6, vm0, $0xb8;
	[tilespmem:$0x1B700] =	vst v63  }
0xcb: {  	s26 =	simm.s32 $0xFF00  }
0xcc: {  	[tilespmem:s26], [sflag:$0x2] =	stream.indirect_vreg.gather [hbm4b:s3+s2], $0x80, v5, vm0, $0xb8;
	[tilespmem:$0x1B700] =	vst v63  }
0xcd: {  	v5 =	vld [tilespmem:$0x95B0];
	_ =	sdelay $0x4  }
0xce: {  	v6 =	vshll.u32 v5, $0x1  }
0xcf: {  	v5 =	vand.u32 $0x7, v5;
	v6 =	vand.u32 $0xFFFFFFF0, v6  }
0xd0: {  	v5 =	vor.u32 v5, v6  }
0xd1: {  	v6 =	vperm.xlane v5, v2;
	_ =	sdelay $0x1  }
0xd2: {  	v5 =	vperm.xlane v5, v4;
	v6 =	vadd.s32 v3, v6;
	_ =	sdelay $0x1  }
0xd3: {  	v5 =	vadd.s32 v3, v5;
	_ =	sdelay $0x1  }
0xd4: {  	s28 =	simm.s32 $0x10700  }
0xd5: {  	[tilespmem:s28], [sflag:$0x2] =	stream.indirect_vreg.gather [hbm4b:s3+s2], $0x80, v6, vm0, $0xb8;
	[tilespmem:$0x1B700] =	vst v63  }
0xd6: {  	s29 =	simm.s32 $0x10F00;
	s12 =	sshrl.u32 s12, $0x3  }
0xd7: {  	[tilespmem:s29], [sflag:$0x2] =	stream.indirect_vreg.gather [hbm4b:s3+s2], $0x80, v5, vm0, $0xb8;
	[tilespmem:$0x1B700] =	vst v63  }
0xd8: {  	s30 =	simm.s32 $0x9680;
	s12 =	sadd.s32 s5, s12  }
0xd9: {  	[tilespmem:s30], [sflag:$0x2] =	stream.linear.gather [hbm4b:s12+s2], $0x50, $0x38;
	[tilespmem:$0x1B700] =	vst v63  }
.LBB2_8:
0xda: {  	s12 =	sshll.u32 s8, $0x7  }
0xdb: {  	s12 =	sadd.s32 s4, s12  }
0xdc: {  	s21 =	ssub.s32 s9, s12;
	s22 =	ssub.s32 s1, s12  }
0xdd: {  	p1 =	sgt.s32 s21, $0x0;
	p2 =	slt.s32 s22, $0x40  }
0xde: {  	s21 =	simm.s32 @!p1 $0x0;
	s22 =	simm.s32 @!p2 $0x40  }
0xdf: {  	p1 =	sge.s32 s21, s22  }
.Ltmp8:
0xe0: {  	_ = 	snop;
	(pc) =	sbr.rel @p1 .LBB2_12-.Ltmp8, $1  }
0xe1: {  	_ =	sdelay $0x3  }
.LBB2_9:
0xe2: {  	v5 =	vld [tilespmem:s21+$0x9600];
	_ =	sdelay $0x4  }
0xe3: {  	(v2sf) =	vpush v5, $0x0;
	_ =	sdelay $0xd  }
0xe4: {  	s24 =	sshll.u32 s21, $0x8;
	s25 =	sshll.u32 s21, $0x7  }
0xe5: {  	s24 =	sand.u32 $0x7FFFF800, s24;
	s25 =	sand.u32 $0x380, s25;
	s12 =	spop (v2sf)  }
0xe6: {  	s24 =	sor.u32 s25, s24;
	s23 =	sshll.u32 s12, $0x8;
	s12 =	sshll.u32 s12, $0x7  }
0xe7: {  	s25 =	simm.s32 $0x0;
	s23 =	sand.u32 $0xFFFFF800, s23;
	s12 =	sand.u32 $0x380, s12  }
0xe8: {  	s26 =	sand.u32 $0x400, s25;
	s12 =	sor.u32 s12, s23;
	s23 =	sadd.s32 $0x9700, s24  }
0xe9: {  	s24 =	sadd.s32 $0x11700, s12;
	s12 =	sand.u32 $0x70, s25;
	s25 =	sadd.s32 s26, s23  }
0xea: {  	s26 =	sadd.s32 s26, s24;
	s28 =	sadd.s32 s12, s25  }
0xeb: {  	s25 =	sadd.s32 s12, s26;
	v5 =	vld [tilespmem:s28+$0x0]  }
0xec: {  	v6 =	vld [tilespmem:s25+$0x0];
	_ =	sdelay $0x3  }
0xed: {  	s26 =	simm.s32 $0x80  }
0xee: {  	s12 =	simm.s32 $0x10;
	s30 =	sand.u32 $0x400, s26;
	v5 =	vadd.f32 v5, v6  }
0xef: {  	s28 =	simm.s32 $0x20;
	s29 =	sand.u32 $0x70, s12;
	s12 =	sadd.s32 s30, s23  }
.LBB2_10:
0xf0: {  	p1 =	sne.s32 s28, $0xF0;
	s30 =	sadd.s32 s30, s24;
	s12 =	sadd.s32 s29, s12;
	[tilespmem:s25+$0x0] =	vst v5  }
0xf1: {  	s25 =	sadd.s32 s29, s30;
	v5 =	vld [tilespmem:s12+$0x0]  }
0xf2: {  	v6 =	vld [tilespmem:s25+$0x0];
	_ =	sdelay $0x1  }
.Ltmp9:
0xf3: {  	(pc) =	sbr.rel @p1 .LBB2_10-.Ltmp9, $4  }
0xf4: {  	_ = 	snop  }
0xf5: {  	s26 =	sadd.s32 $0x80, s26  }
0xf6: {  	s30 =	sand.u32 $0x400, s26;
	v5 =	vadd.f32 v5, v6  }
0xf7: {  	s29 =	sand.u32 $0x70, s28;
	s28 =	sadd.s32 $0x10, s28;
	s12 =	sadd.s32 s30, s23  }
0xf8: {  	s23 =	sadd.s32 s30, s24;
	s12 =	sadd.s32 s29, s12;
	[tilespmem:s25+$0x0] =	vst v5  }
0xf9: {  	s23 =	sadd.s32 s29, s23;
	v5 =	vld [tilespmem:s12+$0x0]  }
0xfa: {  	v6 =	vld [tilespmem:s23+$0x0]  }
0xfb: {  	s21 =	sadd.s32 $0x1, s21  }
0xfc: {  	p1 =	slt.s32 s21, s22  }
.Ltmp10:
0xfd: {  	_ = 	snop;
	(pc) =	sbr.rel @p1 .LBB2_9-.Ltmp10, $3  }
0xfe: {  	_ = 	snop  }
0xff: {  	v5 =	vadd.f32 v5, v6;
	_ =	sdelay $0x1  }
0x100: {  	[tilespmem:s23+$0x0] =	vst v5  }
.LBB2_12:
0x101: {  	s12 =	sshll.u32 s8, $0x1  }
0x102: {  	s12 =	sadd.s32 $0x2, s12  }
0x103: {  	p1 =	sge.s32 s12, s6  }
.Ltmp11:
0x104: {  	_ = 	snop;
	(pc) =	sbr.rel @p1 .LBB2_14-.Ltmp11, $1  }
0x105: {  	_ =	sdelay $0x3  }
0x106: {  	s12 =	sadd.s32 s31, s12  }
0x107: {  	s12 =	sshll.u32 s12, $0x6  }
0x108: {  	v5 =	vld [tilespmem:s12+$0x0];
	_ =	sdelay $0x4  }
0x109: {  	v6 =	vadd.s32 v0, v5  }
0x10a: {  	[tilespmem:$0x9500] =	vst v6  }
0x10b: {  	v7 =	vld [tilespmem:s12+$0x10];
	_ =	sdelay $0x4  }
0x10c: {  	v7 =	vadd.s32 v0, v7  }
0x10d: {  	[tilespmem:$0x9510] =	vst v7  }
0x10e: {  	v7 =	vld [tilespmem:s12+$0x20];
	_ =	sdelay $0x3  }
0x10f: {  	v6 =	vshll.u32 v6, $0x1  }
0x110: {  	v5 =	vand.u32 $0x7, v5;
	v6 =	vand.u32 $0xFFFFFFF0, v6;
	v7 =	vadd.s32 v0, v7  }
0x111: {  	v5 =	vor.u32 v5, v6;
	[tilespmem:$0x9520] =	vst v7  }
0x112: {  	v7 =	vperm.xlane v5, v2;
	v6 =	vld [tilespmem:s12+$0x30];
	_ =	sdelay $0x1  }
0x113: {  	v5 =	vperm.xlane v5, v4;
	v7 =	vadd.s32 v3, v7;
	_ =	sdelay $0x1  }
0x114: {  	v5 =	vadd.s32 v3, v5  }
0x115: {  	v6 =	vadd.s32 v0, v6  }
0x116: {  	s21 =	simm.s32 $0x9700;
	[tilespmem:$0x9530] =	vst v6  }
0x117: {  	[tilespmem:s21], [sflag:$0x1] =	stream.indirect_vreg.gather [hbm4b:s3+s2], $0x80, v7, vm0, $0xb8;
	[tilespmem:$0x1B700] =	vst v63  }
0x118: {  	_ = 	snop  }
0x119: {  	[tilespmem:s13], [sflag:$0x1] =	stream.indirect_vreg.gather [hbm4b:s3+s2], $0x80, v5, vm0, $0xb8;
	[tilespmem:$0x1B700] =	vst v63  }
0x11a: {  	v5 =	vld [tilespmem:$0x9510];
	_ =	sdelay $0x4  }
0x11b: {  	v6 =	vshll.u32 v5, $0x1  }
0x11c: {  	v5 =	vand.u32 $0x7, v5;
	v6 =	vand.u32 $0xFFFFFFF0, v6  }
0x11d: {  	v5 =	vor.u32 v5, v6  }
0x11e: {  	v6 =	vperm.xlane v5, v2;
	_ =	sdelay $0x1  }
0x11f: {  	v5 =	vperm.xlane v5, v4;
	v6 =	vadd.s32 v3, v6;
	_ =	sdelay $0x1  }
0x120: {  	v5 =	vadd.s32 v3, v5;
	_ =	sdelay $0x2  }
0x121: {  	[tilespmem:s14], [sflag:$0x1] =	stream.indirect_vreg.gather [hbm4b:s3+s2], $0x80, v6, vm0, $0xb8;
	[tilespmem:$0x1B700] =	vst v63  }
0x122: {  	_ = 	snop  }
0x123: {  	[tilespmem:s15], [sflag:$0x1] =	stream.indirect_vreg.gather [hbm4b:s3+s2], $0x80, v5, vm0, $0xb8;
	[tilespmem:$0x1B700] =	vst v63  }
0x124: {  	v5 =	vld [tilespmem:$0x9520];
	_ =	sdelay $0x4  }
0x125: {  	v6 =	vshll.u32 v5, $0x1  }
0x126: {  	v5 =	vand.u32 $0x7, v5;
	v6 =	vand.u32 $0xFFFFFFF0, v6  }
0x127: {  	v5 =	vor.u32 v5, v6  }
0x128: {  	v6 =	vperm.xlane v5, v2;
	_ =	sdelay $0x1  }
0x129: {  	v5 =	vperm.xlane v5, v4;
	v6 =	vadd.s32 v3, v6;
	_ =	sdelay $0x1  }
0x12a: {  	v5 =	vadd.s32 v3, v5;
	_ =	sdelay $0x2  }
0x12b: {  	[tilespmem:s16], [sflag:$0x1] =	stream.indirect_vreg.gather [hbm4b:s3+s2], $0x80, v6, vm0, $0xb8;
	[tilespmem:$0x1B700] =	vst v63  }
0x12c: {  	_ = 	snop  }
0x12d: {  	[tilespmem:s17], [sflag:$0x1] =	stream.indirect_vreg.gather [hbm4b:s3+s2], $0x80, v5, vm0, $0xb8;
	[tilespmem:$0x1B700] =	vst v63  }
0x12e: {  	v5 =	vld [tilespmem:$0x9530];
	_ =	sdelay $0x4  }
0x12f: {  	v6 =	vshll.u32 v5, $0x1  }
0x130: {  	v5 =	vand.u32 $0x7, v5;
	v6 =	vand.u32 $0xFFFFFFF0, v6  }
0x131: {  	v5 =	vor.u32 v5, v6  }
0x132: {  	v6 =	vperm.xlane v5, v2;
	_ =	sdelay $0x1  }
0x133: {  	v5 =	vperm.xlane v5, v4;
	v6 =	vadd.s32 v3, v6;
	_ =	sdelay $0x1  }
0x134: {  	v5 =	vadd.s32 v3, v5;
	_ =	sdelay $0x2  }
0x135: {  	[tilespmem:s18], [sflag:$0x1] =	stream.indirect_vreg.gather [hbm4b:s3+s2], $0x80, v6, vm0, $0xb8;
	[tilespmem:$0x1B700] =	vst v63  }
0x136: {  	s12 =	sshrl.u32 s12, $0x3  }
0x137: {  	[tilespmem:s19], [sflag:$0x1] =	stream.indirect_vreg.gather [hbm4b:s3+s2], $0x80, v5, vm0, $0xb8;
	[tilespmem:$0x1B700] =	vst v63  }
0x138: {  	s12 =	sadd.s32 s5, s12  }
0x139: {  	[tilespmem:s20], [sflag:$0x1] =	stream.linear.gather [hbm4b:s12+s2], $0x50, $0x38;
	[tilespmem:$0x1B700] =	vst v63  }
.LBB2_14:
0x13a: {  	s10 =	sadd.s32 @!p0 s31, s10  }
0x13b: {  	s12 =	sshll.u32 @!p0 s10, $0x6  }
0x13c: {  	s10 =	ssub.s32 @!p0 s9, s12;
	s21 =	ssub.s32 @!p0 s1, s12  }
0x13d: {  	p1 =	sgt.s32 @!p0 s10, $0x0;
	p2 =	slt.s32 @!p0 s21, $0x40  }
0x13e: {  	p1 =	por !p1, p0;
	p2 =	por !p2, p0  }
0x13f: {  	s10 =	simm.s32 @p1 $0x0;
	s21 =	simm.s32 @p2 $0x40  }
0x140: {  	s22 =	simm.s32 @!p0 $0x2;
	p1 =	sge.s32 @!p0 s10, s21  }
0x141: {  	_ =	swait.ge @!p0 [sflag:s22], $0x4000;
	p1 =	por p0, p1  }
.Ltmp12:
0x142: {  	[sflag:s22] =	ssyncset.done @!p0 $0x0;
	(pc) =	sbr.rel @p1 .LBB2_18-.Ltmp12, $4  }
0x143: {  	[sflag:s22] =	ssyncadd.s32 @!p0 $0xFFFFC000  }
0x144: {  	_ =	swait.ge @!p0 [sflag:s22], $0x50  }
0x145: {  	[sflag:s22] =	ssyncset.done @!p0 $0x0  }
0x146: {  	[sflag:s22] =	ssyncadd.s32 @!p0 $0xFFFFFFB0  }
.LBB2_15:
0x147: {  	v5 =	vld [tilespmem:s10+$0x9680];
	_ =	sdelay $0x4  }
0x148: {  	(v2sf) =	vpush v5, $0x0;
	_ =	sdelay $0xd  }
0x149: {  	s23 =	sshll.u32 s10, $0x8;
	s24 =	sshll.u32 s10, $0x7  }
0x14a: {  	s26 =	simm.s32 $0x0;
	s23 =	sand.u32 $0x7FFFF800, s23;
	s12 =	spop (v2sf)  }
0x14b: {  	s24 =	sand.u32 $0x380, s24;
	s22 =	sshll.u32 s12, $0x8;
	s12 =	sshll.u32 s12, $0x7  }
0x14c: {  	s23 =	sor.u32 s24, s23;
	s22 =	sand.u32 $0xFFFFF800, s22;
	s12 =	sand.u32 $0x380, s12  }
0x14d: {  	s25 =	sand.u32 $0x400, s26;
	s12 =	sor.u32 s12, s22;
	s22 =	sadd.s32 $0xD700, s23  }
0x14e: {  	s30 =	sand.u32 $0x70, s26;
	s23 =	sadd.s32 $0x11700, s12;
	s26 =	sadd.s32 s25, s22  }
0x14f: {  	s25 =	sadd.s32 s25, s23;
	s26 =	sadd.s32 s30, s26  }
0x150: {  	s24 =	sadd.s32 s30, s25;
	v5 =	vld [tilespmem:s26+$0x0]  }
0x151: {  	v6 =	vld [tilespmem:s24+$0x0];
	_ =	sdelay $0x3  }
0x152: {  	s25 =	simm.s32 $0x80  }
0x153: {  	s30 =	simm.s32 $0x10;
	s29 =	sand.u32 $0x400, s25;
	v5 =	vadd.f32 v5, v6  }
0x154: {  	s26 =	simm.s32 $0x20;
	s28 =	sand.u32 $0x70, s30;
	s12 =	sadd.s32 s29, s22  }
.LBB2_16:
0x155: {  	p0 =	sne.s32 s26, $0xF0;
	s29 =	sadd.s32 s29, s23;
	s12 =	sadd.s32 s28, s12;
	[tilespmem:s24+$0x0] =	vst v5  }
0x156: {  	s24 =	sadd.s32 s28, s29;
	v5 =	vld [tilespmem:s12+$0x0]  }
0x157: {  	v6 =	vld [tilespmem:s24+$0x0];
	_ =	sdelay $0x1  }
.Ltmp13:
0x158: {  	(pc) =	sbr.rel @p0 .LBB2_16-.Ltmp13, $4  }
0x159: {  	_ = 	snop  }
0x15a: {  	s25 =	sadd.s32 $0x80, s25  }
0x15b: {  	s29 =	sand.u32 $0x400, s25;
	v5 =	vadd.f32 v5, v6  }
0x15c: {  	s28 =	sand.u32 $0x70, s26;
	s26 =	sadd.s32 $0x10, s26;
	s12 =	sadd.s32 s29, s22  }
0x15d: {  	s22 =	sadd.s32 s29, s23;
	s12 =	sadd.s32 s28, s12;
	[tilespmem:s24+$0x0] =	vst v5  }
0x15e: {  	s22 =	sadd.s32 s28, s22;
	v5 =	vld [tilespmem:s12+$0x0]  }
0x15f: {  	v6 =	vld [tilespmem:s22+$0x0]  }
0x160: {  	s10 =	sadd.s32 $0x1, s10  }
0x161: {  	p0 =	slt.s32 s10, s21  }
.Ltmp14:
0x162: {  	_ = 	snop;
	(pc) =	sbr.rel @p0 .LBB2_15-.Ltmp14, $4  }
.Ltmp15:
0x163: {  	_ = 	snop;
	(pc) =	sbr.rel @!p0 .LBB2_18-.Ltmp15, $4  }
0x164: {  	v5 =	vadd.f32 v5, v6  }
0x165: {  	_ = 	snop  }
0x166: {  	[tilespmem:s22+$0x0] =	vst v5  }
0x167: {  	_ = 	snop  }
.LBB2_20:
0x168: {  	_ =	sfence.sel $0x180000  }
0x169: {  	[bflag:$0x0] =	sbarrier.arrive $0xFFFF  }
0x16a: {  	_ =	strace $0x9000004A  }
0x16b: {  	s0 =	stileid.u32;
	[bflag:$0x2] =	sbarrier.arrive $0xFFFF  }
0x16c: {  	p0 =	sne.s32 s0, $0x0;
	s0 =	rddreg [dreg:$0x1]  }
0x16d: {  	s0 =	sadd.s32 @!p0 $0x100000, s0  }
0x16e: {  	[sflag:s0] =	ssyncadd.tile.s32 @!p0 $0x1;
	_ =	shalt  }
.Lfunc_end2:
_tile_overlayer_lowered:
.L_overlay_start_2:
0x16f: {  	(tag) =	ssettag $0x2  }
0x170: {  	s0 =	rddreg [dreg:$0x0];
	s2 =	stileid.u32  }
0x171: {  	s1 =	rddreg [dreg:$0x1];
	p0 =	sne.s32 s2, $0x0  }
0x172: {  	s3 =	rddreg [dreg:$0x2];
	[bflag:$0x3] =	sbarrier.arrive $0xFFFF;
	s2 =	simm.s32 @!p0 $0x1C03  }
0x173: {  	[timem:s3], [sflag:s2] =	dma.local @!p0 [hbm:s0], s1  }
0x174: {  	s0 =	simm.s32 @!p0 $0x3  }
0x175: {  	_ =	swait.ge @!p0 [sflag:s0], s1  }
0x176: {  	s1 =	ssub.s32 @!p0 $0x0, s1;
	[sflag:s0] =	ssyncset.done @!p0 $0x0  }
0x177: {  	[sflag:s0] =	ssyncadd.s32 @!p0 s1  }
0x178: {  	[bflag:$0x3] =	sbarrier.arrive $0xFFFF  }
0x179: {  	_ =	shalt  }

// kernel: kernel.8.cloned.1.call-start
scs
__scs_entry_jumppad:
0x0: {  	(pc) =	sbr.rel $0x88, $3  }
0x1: {  	(tag) =	ssettag $0x0;
	lr =	simm.s32 $0x1  }
0x2: {  	[smem:$0x3F98] =	sst lr;
	_ =	strace $0xD0000000  }
0x3: {  	_ = 	snop  }
0x4: {  	_ = 	snop  }
0x5: {  	_ = 	snop  }
0x6: {  	_ = 	snop  }
0x7: {  	_ = 	snop  }
__scs_overlays_trampoline_lowered:
0x8: {  	[smem:$0x3FA7] =	sst s0  }
0x9: {  	[smem:$0x3FA8] =	sst s1  }
0xa: {  	[smem:$0x3FA9] =	sst s2  }
0xb: {  	[smem:$0x3FAA] =	sst s3  }
0xc: {  	[smem:$0x3FAB] =	sst s4  }
0xd: {  	[smem:$0x3FAC] =	sst s5  }
0xe: {  	[smem:$0x3FAD] =	sst s6  }
0xf: {  	[smem:$0x3FAE] =	sst s7  }
0x10: {  	[smem:$0x3FAF] =	sst s8  }
0x11: {  	[smem:$0x3FB0] =	sst s9;
	s0 =	simm.s32 @!p0 $0x0  }
0x12: {  	s1 =	sld [smem:$0x3F96];
	s0 =	simm.s32 @p0 $0x1  }
0x13: {  	[smem:$0x3FB1] =	sst s0;
	s0 =	simm.s32 @!p1 $0x0  }
0x14: {  	s2 =	sld [smem:$0x3F95];
	s0 =	simm.s32 @p1 $0x1  }
0x15: {  	[smem:$0x3FB2] =	sst s0;
	s0 =	simm.s32 @!p2 $0x0  }
0x16: {  	s3 =	sld [smem:$0x3FDB];
	s0 =	simm.s32 @p2 $0x1  }
0x17: {  	s4 =	simm.s32 $0x1BF5;
	[smem:$0x3FB4] =	sst s0  }
0x18: {  	s0 =	sld [smem:$0x3F97];
	_ =	swait.ge [sflag:s4], $0x0  }
0x19: {  	s7 =	sld [smem:$0x3F98]  }
0x1a: {  	s8 =	sadd.s32 $0xFFFFE003, lr  }
0x1b: {  	s9 =	sadd.s32 $0xFFFFFEF7, lr;
	s5 =	simm.s32 $0xFFFFFFFF;
	p2 =	slt.u32 s8, $0xFFFFF086  }
0x1c: {  	p1 =	slt.u32 s9, $0xF7A;
	s5 =	simm.s32 @!p2 $0x0  }
0x1d: {  	s5 =	simm.s32 @p1 $0x1;
	p0 =	seq.s32 s7, s2  }
0x1e: {  	s7 =	smul.u32 @!p0 $0xF7A, s2;
	p2 =	seq.s32 @!p0 s5, $0x0  }
0x1f: {  	s9 =	smul.u32 $0xF7A, s1;
	s8 =	simm.s32 @!p0 $0x1BF5;
	p2 =	por !p2, p0  }
0x20: {  	[sflag:s8] =	ssyncset.s32 @!p0 $0xFFFFF086;
	s6 =	sadd.s32 @!p0 s3, s7;
	s7 =	simm.s32 @!p0 $0x108  }
0x21: {  	s3 =	sadd.s32 s3, s9;
	s6 =	sadd.s32 @!p0 $0x88, s6;
	s7 =	simm.s32 @p2 $0x1082  }
0x22: {  	[simem:s7], [sflag:s8] =	dma.local @!p0 [hbm:s6], $0xF7A  }
0x23: {  	s9 =	sor.u32 $0xD0000000, s2;
	s6 =	simm.s32 $0x108;
	_ =	swait.ge @!p0 [sflag:s8], $0x0  }
0x24: {  	s3 =	sadd.s32 $0x88, s3;
	s6 =	simm.s32 @!p1 $0x1082;
	[sflag:s4] =	ssyncset.s32 $0xFFFFF086  }
0x25: {  	[simem:s6], [sflag:s4] =	dma.local [hbm:s3], $0xF7A  }
0x26: {  	[smem:$0x3F98] =	sst s1;
	(tag) =	ssettag s2;
	_ =	strace s9  }
0x27: {  	s1 =	sld [smem:$0x3FA8]  }
0x28: {  	s2 =	sld [smem:$0x3FA9]  }
0x29: {  	s4 =	sld [smem:$0x3FAB]  }
0x2a: {  	p0 =	seq.s32 s5, $0x0;
	s5 =	sld [smem:$0x3FAC]  }
0x2b: {  	s6 =	sld [smem:$0x3FAD]  }
0x2c: {  	s7 =	sld [smem:$0x3FAE]  }
0x2d: {  	s3 =	simm.s32 $0x108;
	s8 =	sld [smem:$0x3FAF]  }
0x2e: {  	s3 =	simm.s32 @!p0 $0x1082;
	s9 =	sld [smem:$0x3FB0]  }
0x2f: {  	lr =	sadd.s32 s0, s3;
	s0 =	sld [smem:$0x3FA7]  }
0x30: {  	s3 =	sld [smem:$0x3FAA]  }
0x31: {  	[smem:$0x3FB3] =	sst s10  }
0x32: {  	s10 =	sld [smem:$0x3FB1];
	_ =	sdelay $0x3  }
0x33: {  	p0 =	seq.s32 s10, $0x1;
	s10 =	sld [smem:$0x3FB3];
	_ =	sdelay $0x3  }
0x34: {  	[smem:$0x3FB3] =	sst s10  }
0x35: {  	s10 =	sld [smem:$0x3FB2];
	_ =	sdelay $0x3  }
0x36: {  	p1 =	seq.s32 s10, $0x1;
	s10 =	sld [smem:$0x3FB3];
	_ =	sdelay $0x3  }
0x37: {  	[smem:$0x3FB3] =	sst s10  }
0x38: {  	s10 =	sld [smem:$0x3FB4]  }
0x39: {  	_ = 	snop;
	(pc) =	sbr.ind lr, $3  }
0x3a: {  	_ = 	snop  }
0x3b: {  	_ = 	snop  }
0x3c: {  	p2 =	seq.s32 s10, $0x1;
	s10 =	sld [smem:$0x3FB3]  }
0x3d: {  	_ =	shalt  }
0x3e: {  	_ =	shalt  }
0x3f: {  	_ =	shalt  }
0x40: {  	_ =	shalt  }
0x41: {  	_ =	shalt  }
0x42: {  	_ =	shalt  }
0x43: {  	_ =	shalt  }
0x44: {  	_ =	shalt  }
0x45: {  	_ =	shalt  }
0x46: {  	_ =	shalt  }
0x47: {  	_ =	shalt  }
0x48: {  	_ =	shalt  }
0x49: {  	_ =	shalt  }
0x4a: {  	_ =	shalt  }
0x4b: {  	_ =	shalt  }
0x4c: {  	_ =	shalt  }
0x4d: {  	_ =	shalt  }
0x4e: {  	_ =	shalt  }
0x4f: {  	_ =	shalt  }
0x50: {  	_ =	shalt  }
0x51: {  	_ =	shalt  }
0x52: {  	_ =	shalt  }
0x53: {  	_ =	shalt  }
0x54: {  	_ =	shalt  }
0x55: {  	_ =	shalt  }
0x56: {  	_ =	shalt  }
0x57: {  	_ =	shalt  }
0x58: {  	_ =	shalt  }
0x59: {  	_ =	shalt  }
0x5a: {  	_ =	shalt  }
0x5b: {  	_ =	shalt  }
0x5c: {  	_ =	shalt  }
0x5d: {  	_ =	shalt  }
0x5e: {  	_ =	shalt  }
0x5f: {  	_ =	shalt  }
0x60: {  	_ =	shalt  }
0x61: {  	_ =	shalt  }
0x62: {  	_ =	shalt  }
0x63: {  	_ =	shalt  }
0x64: {  	_ =	shalt  }
0x65: {  	_ =	shalt  }
0x66: {  	_ =	shalt  }
0x67: {  	_ =	shalt  }
0x68: {  	_ =	shalt  }
0x69: {  	_ =	shalt  }
0x6a: {  	_ =	shalt  }
0x6b: {  	_ =	shalt  }
0x6c: {  	_ =	shalt  }
0x6d: {  	_ =	shalt  }
0x6e: {  	_ =	shalt  }
0x6f: {  	_ =	shalt  }
0x70: {  	_ =	shalt  }
0x71: {  	_ =	shalt  }
0x72: {  	_ =	shalt  }
0x73: {  	_ =	shalt  }
0x74: {  	_ =	shalt  }
0x75: {  	_ =	shalt  }
0x76: {  	_ =	shalt  }
0x77: {  	_ =	shalt  }
0x78: {  	_ =	shalt  }
0x79: {  	_ =	shalt  }
0x7a: {  	_ =	shalt  }
0x7b: {  	_ =	shalt  }
0x7c: {  	_ =	shalt  }
0x7d: {  	_ =	shalt  }
0x7e: {  	_ =	shalt  }
0x7f: {  	_ =	shalt  }
0x80: {  	_ =	shalt  }
0x81: {  	_ =	shalt  }
0x82: {  	_ =	shalt  }
0x83: {  	_ =	shalt  }
0x84: {  	_ =	shalt  }
0x85: {  	_ =	shalt  }
0x86: {  	_ =	shalt  }
0x87: {  	_ =	shalt  }
.Lfunc_end0:
.L_simem_size_0:
called_computation_lowered:
.L_overlay_start_0:
0x88: {  	s2 =	sld [smem:$0x3FD9]  }
0x89: {  	s3 =	sld [smem:$0x3FFE];
	_ =	sdelay $0x1  }
0x8a: {  	s1 =	srdreg.scid  }
0x8b: {  	s0 =	sand.u32 $0x1, s1  }
0x8c: {  	s16 =	sshll.u32 s0, $0xA;
	s2 =	sadd.s32 s3, s2  }
0x8d: {  	s2 =	sadd.s32 s2, s16  }
0x8e: {  	[smem:$0x3FBF] =	sst s2  }
0x8f: {  	_ = 	snop  }
0x90: {  	(tm) =	ssettm $0x1  }
0x91: {  	s17 =	sld [smem:$0x3FFB];
	_ =	sdelay $0x3  }
0x92: {  	_ =	strace s17  }
0x93: {  	s2 =	sld [smem:$0x3FFC];
	_ =	sdelay $0x3  }
0x94: {  	_ =	strace s2  }
0x95: {  	s2 =	sld [smem:$0x3FFD];
	_ =	sdelay $0x3  }
0x96: {  	_ =	strace s2  }
0x97: {  	_ =	strace $0x8FFFFFFF  }
0x98: {  	s18 =	sld [smem:$0x3FDB];
	_ =	sdelay $0x1  }
0x99: {  	s19 =	simm.s32 $_scs_section_size  }
0x9a: {  	s4 =	simm.s32 $_size__tile_overlayer_lowered;
	s5 =	simm.s32 $_tile_overlayer_lowered  }
0x9b: {  	s22 =	simm.s32 $0x1BFF;
	s21 =	sshll.u32 s5, $0x1;
	s2 =	sadd.s32 s19, s18  }
0x9c: {  	s6 =	simm.s32 $0x0;
	s20 =	sshll.u32 s4, $0x1;
	s4 =	sadd.s32 s21, s2  }
0x9d: {  	[timem:s6], [sflag:s22] =	dma.local [hbm:s4], s20  }
0x9e: {  	_ =	swait.ge [sflag:s22], s20  }
0x9f: {  	s3 =	ssub.s32 $0x0, s20;
	[sflag:s22] =	ssyncset.done $0x0  }
0xa0: {  	[sflag:s22] =	ssyncadd.s32 s3;
	_ =	sdelay $0x1  }
0xa1: {  	s23 =	simm.s32 $0x1B8B  }
0xa2: {  	_ =	swait.ge [sflag:s23], $0x1  }
0xa3: {  	[sflag:s23] =	ssyncset.done $0x0  }
0xa4: {  	s25 =	simm.s32 $0x1B8E;
	s24 =	sld [smem:$0x3FFE];
	[sflag:s23] =	ssyncadd.s32 $0xFFFFFFFF  }
0xa5: {  	s26 =	simm.s32 $execute0_lowered;
	[smem:$0x3FD2] =	sst s25  }
0xa6: {  	s4 =	sshll.u32 s26, $0x1;
	_ =	strace $0x80000046;
	[dreg:$0x1] =	wrdreg $0xFFFFFFFF  }
0xa7: {  	s28 =	simm.s32 $_size_execute0_lowered;
	s2 =	sadd.s32 s2, s4;
	[dreg:$0x0] =	wrdreg $0x0  }
0xa8: {  	s4 =	sshll.u32 s28, $0x1;
	[dreg:$0x2] =	wrdreg s2  }
0xa9: {  	[dreg:$0x3] =	wrdreg s4  }
0xaa: {  	[dreg:$0x4] =	wrdreg $0xC0  }
0xab: {  	_ =	task [dreg:s6], $0x5FFFF  }
0xac: {  	[dreg:$0x1] =	wrdreg $0xFFFFFFFF  }
0xad: {  	[dreg:$0x0] =	wrdreg $0x60  }
0xae: {  	[dreg:$0x2] =	wrdreg s24  }
0xaf: {  	[dreg:$0x3] =	wrdreg $0x9  }
0xb0: {  	_ =	task.clear_ibuf [dreg:s6], $0x4FFFF;
	_ =	strace $0x90000046  }
0xb1: {  	s29 =	simm.s32 $0x9;
	_ =	strace $0x80000048  }
0xb2: {  	_ =	swait.ge [sflag:s29], $0x1  }
0xb3: {  	[sflag:s29] =	ssyncadd.s32 $0xFFFFFFFF  }
0xb4: {  	_ =	strace $0x90000048  }
0xb5: {  	_ =	sfence  }
0xb6: {  	s30 =	sld [smem:$0x0];
	_ =	sdelay $0x2  }
0xb7: {  	s31 =	sshll.u32 s1, $0xD;
	s1 =	sshrl.u32 s1, $0x2  }
0xb8: {  	s3 =	sand.u32 $0x4000, s31;
	s1 =	sadd.s32 s1, s30  }
0xb9: {  	s0 =	sor.u32 s3, s0;
	s1 =	sshll.u32 s1, $0x11  }
0xba: {  	s0 =	sor.u32 s1, s0  }
0xbb: {  	s0 =	sadd.s32 $0x8F2B, s0  }
0xbc: {  	[sflag:s0] =	ssyncadd.remote.s32 $0x1  }
0xbd: {  	_ =	sfence.sel $0xFFFF  }
0xbe: {  	[dreg:$0x0] =	wrdreg $0xFFFFFFFF;
	(pc) =	sbr.abs _section_cstart, $3  }
0xbf: {  	[dreg:$0x1] =	wrdreg $0xFFFFFFFF  }
0xc0: {  	_ =	task.clear_ibuf [dreg:s6], $0x2FFFF;
	_ =	strace $0x9FFFFFFF  }
0xc1: {  	(tm) =	ssettm $0x7FFFFFFF  }
tec
execute0_lowered:
.L_overlay_start_1:
0x0: {  	(tag) =	ssettag $0x1  }
0x1: {  	s3 =	stileid.u32  }
0x2: {  	s0 =	srdreg.scid;
	s1 =	rddreg [dreg:$0x0]  }
0x3: {  	s2 =	simm.s32 $0x0;
	s12 =	simm.s32 $0x3;
	s14 =	simm.s32 $0x2800  }
0x4: {  	s24 =	simm.s32 $0x7800;
	s28 =	simm.s32 $0x9000;
	s29 =	simm.s32 $0x9800  }
0x5: {  	s30 =	simm.s32 $0xA000;
	s31 =	simm.s32 $0xA800;
	s15 =	simm.s32 $0x11800  }
0x6: {  	s10 =	simm.s32 $0x12000;
	s16 =	simm.s32 $0x1;
	s5 =	smul.u32 $0x280, s3  }
0x7: {  	s0 =	sand.u32 $0x1, s0;
	[smem:$0x7FF] =	sst s2;
	s7 =	smul.u32 $0x94000, s3  }
0x8: {  	s3 =	sadd.s32 $0x22C00, s1;
	s4 =	sadd.s32 $0xBF000, s1;
	s6 =	smul.u32 $0x940000, s0  }
0x9: {  	_ =	strace $0x80000047;
	s9 =	ssub.s32 $0x2, s0;
	s0 =	smul.u32 $0x2710, s0  }
0xa: {  	s8 =	sadd.s32 s5, s1;
	s25 =	sshrl.u32 s9, $0x1;
	s5 =	sadd.s32 s7, s6  }
0xb: {  	s6 =	sadd.s32 $0x15B400, s1;
	s1 =	ssub.s32 s9, s25;
	s26 =	sadd.s32 $0x600, s8  }
0xc: {  	s8 =	sadd.s32 $0x20400, s8;
	s25 =	simm.s32 $0x8000;
	[dreg:$0x2] =	wrdreg s26  }
0xd: {  	s9 =	simm.s32 $0x11000;
	s7 =	sshrl.u32 s5, $0x3;
	[dreg:$0x3] =	wrdreg s8  }
0xe: {  	v3 =	vlaneseq.u32;
	s1 =	smax.u32 s1, $0x1;
	s11 =	sadd.s32 $0x4000, s5;
	s7 =	sadd.s32 s6, s7  }
0xf: {  	vm0 =	vmmov $0xffff;
	v1 =	vand.u32 $0x7, v3;
	v2 =	vshrl.u32 v3, $0x3;
	s26 =	simm.s32 $0x8800;
	[dreg:$0x5] =	wrdreg s1;
	s7 =	sadd.s32 $0x12000, s7  }
0x10: {  	v3 =	vor.u32 $0x8, v3;
	v2 =	vmul.u32 $0x8, v2;
	v0 =	vmov s0;
	s1 =	simm.s32 $0x2;
	[dreg:$0x4] =	wrdreg s7;
	s7 =	simm.s32 $0x0  }
.LBB2_1:
0x11: {  	[dreg:$0x6] =	wrdreg s7  }
0x12: {  	s0 =	rddreg [dreg:$0x2]  }
0x13: {  	[tilespmem:s2], [sflag:$0x3] =	stream.linear.gather [hbm4b:s0+s2], $0x1280, $0x38;
	[tilespmem:$0x12800] =	vst v63  }
0x14: {  	_ =	swait.ge [sflag:s12], $0x1280  }
0x15: {  	[sflag:s12] =	ssyncset.done $0x0  }
0x16: {  	s23 =	simm.s32 $0x1400;
	s22 =	rddreg [dreg:$0x3];
	[sflag:s12] =	ssyncadd.s32 $0xFFFFED80  }
0x17: {  	[tilespmem:s23], [sflag:$0x3] =	stream.linear.gather [hbm4b:s22+s2], $0x1280, $0x38;
	[tilespmem:$0x12800] =	vst v63  }
0x18: {  	_ =	swait.ge [sflag:s12], $0x1280  }
0x19: {  	[sflag:s12] =	ssyncset.done $0x0  }
0x1a: {  	s0 =	simm.s32 $0x0;
	[sflag:s12] =	ssyncadd.s32 $0xFFFFED80  }
0x1b: {  	v6 =	vld [tilespmem:s0+$0x0]  }
0x1c: {  	v8 =	vld [tilespmem:s0+$0x1400]  }
0x1d: {  	v7 =	vld [tilespmem:s0+$0x10]  }
0x1e: {  	v5 =	vld [tilespmem:s0+$0x1410]  }
0x1f: {  	v4 =	vld [tilespmem:s0+$0x20]  }
0x20: {  	v9 =	vadd.s32 v0, v6;
	v6 =	vld [tilespmem:s0+$0x1420]  }
0x21: {  	s13 =	simm.s32 $0x200;
	[tilespmem:s0+$0x0] =	vst v9;
	v9 =	vadd.s32 v0, v8;
	v8 =	vld [tilespmem:s0+$0x30]  }
.LBB2_2:
0x22: {  	s7 =	sshra.s32 s13, $0x2;
	p0 =	sne.s32 s13, $0x4800;
	[tilespmem:s0+$0x1400] =	vst v9;
	v7 =	vadd.s32 v0, v7;
	v9 =	vld [tilespmem:s0+$0x1430]  }
0x23: {  	v10 =	vld [tilespmem:s7+$0x0];
	[tilespmem:s0+$0x10] =	vst v7;
	v5 =	vadd.s32 v0, v5  }
0x24: {  	v11 =	vld [tilespmem:s7+$0x1400];
	[tilespmem:s0+$0x1410] =	vst v5;
	v4 =	vadd.s32 v0, v4  }
.Ltmp0:
0x25: {  	v7 =	vld [tilespmem:s7+$0x10];
	[tilespmem:s0+$0x20] =	vst v4;
	v4 =	vadd.s32 v0, v6;
	(pc) =	sbr.rel @p0 .LBB2_2-.Ltmp0, $4  }
0x26: {  	v5 =	vld [tilespmem:s7+$0x1410];
	[tilespmem:s0+$0x1420] =	vst v4;
	v6 =	vadd.s32 v0, v8  }
0x27: {  	v4 =	vld [tilespmem:s7+$0x20];
	[tilespmem:s0+$0x30] =	vst v6;
	v8 =	vadd.s32 v0, v9  }
0x28: {  	v9 =	vadd.s32 v0, v10;
	v6 =	vld [tilespmem:s7+$0x1420];
	[tilespmem:s0+$0x1430] =	vst v8;
	s0 =	smov.u32 s7  }
0x29: {  	s13 =	sadd.s32 $0x200, s13;
	[tilespmem:s0+$0x0] =	vst v9;
	v9 =	vadd.s32 v0, v11;
	v8 =	vld [tilespmem:s0+$0x30]  }
0x2a: {  	[tilespmem:s0+$0x1400] =	vst v9;
	v7 =	vadd.s32 v0, v7;
	v63 =	vld [tilespmem:s0+$0x1430]  }
0x2b: {  	[tilespmem:s0+$0x10] =	vst v7;
	v5 =	vadd.s32 v0, v5  }
0x2c: {  	[tilespmem:s0+$0x1410] =	vst v5;
	v4 =	vadd.s32 v0, v4  }
0x2d: {  	[tilespmem:s0+$0x20] =	vst v4;
	v4 =	vadd.s32 v0, v6  }
0x2e: {  	[tilespmem:s0+$0x1420] =	vst v4;
	v4 =	vadd.s32 v0, v8  }
0x2f: {  	[tilespmem:s0+$0x30] =	vst v4;
	v4 =	vadd.s32 v0, v63  }
0x30: {  	[tilespmem:s0+$0x1430] =	vst v4  }
0x31: {  	v4 =	vld [tilespmem:$0x0];
	_ =	sdelay $0x4  }
0x32: {  	v5 =	vshll.u32 v4, $0x1  }
0x33: {  	v4 =	vand.u32 $0x7, v4;
	v5 =	vand.u32 $0xFFFFFFF0, v5  }
0x34: {  	v4 =	vor.u32 v4, v5  }
0x35: {  	v5 =	vperm.xlane v4, v1;
	_ =	sdelay $0x1  }
0x36: {  	v4 =	vperm.xlane v4, v3;
	v5 =	vadd.s32 v2, v5;
	_ =	sdelay $0x1  }
0x37: {  	v4 =	vadd.s32 v2, v4;
	_ =	sdelay $0x1  }
0x38: {  	s17 =	simm.s32 $0x0  }
0x39: {  	[tilespmem:s14], [sflag:$0x1] =	stream.indirect_vreg.gather [hbm4b:s3+s17], $0x80, v5, vm0, $0xb8;
	[tilespmem:$0x12800] =	vst v63  }
0x3a: {  	s21 =	simm.s32 $0x3000  }
0x3b: {  	[tilespmem:s21], [sflag:$0x1] =	stream.indirect_vreg.gather [hbm4b:s3+s17], $0x80, v4, vm0, $0xb8;
	[tilespmem:$0x12800] =	vst v63  }
0x3c: {  	v4 =	vld [tilespmem:$0x10];
	_ =	sdelay $0x4  }
0x3d: {  	v5 =	vshll.u32 v4, $0x1  }
0x3e: {  	v4 =	vand.u32 $0x7, v4;
	v5 =	vand.u32 $0xFFFFFFF0, v5  }
0x3f: {  	v4 =	vor.u32 v4, v5  }
0x40: {  	v5 =	vperm.xlane v4, v1;
	_ =	sdelay $0x1  }
0x41: {  	v4 =	vperm.xlane v4, v3;
	v5 =	vadd.s32 v2, v5;
	_ =	sdelay $0x1  }
0x42: {  	v4 =	vadd.s32 v2, v4;
	_ =	sdelay $0x1  }
0x43: {  	s22 =	simm.s32 $0x3800  }
0x44: {  	[tilespmem:s22], [sflag:$0x1] =	stream.indirect_vreg.gather [hbm4b:s3+s17], $0x80, v5, vm0, $0xb8;
	[tilespmem:$0x12800] =	vst v63  }
0x45: {  	s23 =	simm.s32 $0x4000  }
0x46: {  	[tilespmem:s23], [sflag:$0x1] =	stream.indirect_vreg.gather [hbm4b:s3+s17], $0x80, v4, vm0, $0xb8;
	[tilespmem:$0x12800] =	vst v63  }
0x47: {  	v4 =	vld [tilespmem:$0x20];
	_ =	sdelay $0x4  }
0x48: {  	v5 =	vshll.u32 v4, $0x1  }
0x49: {  	v4 =	vand.u32 $0x7, v4;
	v5 =	vand.u32 $0xFFFFFFF0, v5  }
0x4a: {  	v4 =	vor.u32 v4, v5  }
0x4b: {  	v5 =	vperm.xlane v4, v1;
	_ =	sdelay $0x1  }
0x4c: {  	v4 =	vperm.xlane v4, v3;
	v5 =	vadd.s32 v2, v5;
	_ =	sdelay $0x1  }
0x4d: {  	v4 =	vadd.s32 v2, v4;
	_ =	sdelay $0x1  }
0x4e: {  	s7 =	simm.s32 $0x4800  }
0x4f: {  	[tilespmem:s7], [sflag:$0x1] =	stream.indirect_vreg.gather [hbm4b:s3+s17], $0x80, v5, vm0, $0xb8;
	[tilespmem:$0x12800] =	vst v63  }
0x50: {  	s8 =	simm.s32 $0x5000  }
0x51: {  	[tilespmem:s8], [sflag:$0x1] =	stream.indirect_vreg.gather [hbm4b:s3+s17], $0x80, v4, vm0, $0xb8;
	[tilespmem:$0x12800] =	vst v63  }
0x52: {  	v4 =	vld [tilespmem:$0x30];
	_ =	sdelay $0x4  }
0x53: {  	v5 =	vshll.u32 v4, $0x1  }
0x54: {  	v4 =	vand.u32 $0x7, v4;
	v5 =	vand.u32 $0xFFFFFFF0, v5  }
0x55: {  	v4 =	vor.u32 v4, v5  }
0x56: {  	v5 =	vperm.xlane v4, v1;
	_ =	sdelay $0x1  }
0x57: {  	v4 =	vperm.xlane v4, v3;
	v5 =	vadd.s32 v2, v5;
	_ =	sdelay $0x1  }
0x58: {  	v4 =	vadd.s32 v2, v4;
	_ =	sdelay $0x1  }
0x59: {  	s13 =	simm.s32 $0x5800  }
0x5a: {  	[tilespmem:s13], [sflag:$0x1] =	stream.indirect_vreg.gather [hbm4b:s3+s17], $0x80, v5, vm0, $0xb8;
	[tilespmem:$0x12800] =	vst v63  }
0x5b: {  	s18 =	simm.s32 $0x6000  }
0x5c: {  	[tilespmem:s18], [sflag:$0x1] =	stream.indirect_vreg.gather [hbm4b:s3+s17], $0x80, v4, vm0, $0xb8;
	[tilespmem:$0x12800] =	vst v63  }
0x5d: {  	v4 =	vld [tilespmem:$0x1400];
	_ =	sdelay $0x4  }
0x5e: {  	v5 =	vshll.u32 v4, $0x1  }
0x5f: {  	v4 =	vand.u32 $0x7, v4;
	v5 =	vand.u32 $0xFFFFFFF0, v5  }
0x60: {  	v4 =	vor.u32 v4, v5  }
0x61: {  	v5 =	vperm.xlane v4, v1;
	_ =	sdelay $0x1  }
0x62: {  	v4 =	vperm.xlane v4, v3;
	v5 =	vadd.s32 v2, v5;
	_ =	sdelay $0x1  }
0x63: {  	v4 =	vadd.s32 v2, v4;
	_ =	sdelay $0x1  }
0x64: {  	s19 =	simm.s32 $0x6800  }
0x65: {  	[tilespmem:s19], [sflag:$0x1] =	stream.indirect_vreg.gather [hbm4b:s4+s17], $0x80, v5, vm0, $0xb8;
	[tilespmem:$0x12800] =	vst v63  }
0x66: {  	s20 =	simm.s32 $0x7000  }
0x67: {  	[tilespmem:s20], [sflag:$0x1] =	stream.indirect_vreg.gather [hbm4b:s4+s17], $0x80, v4, vm0, $0xb8;
	[tilespmem:$0x12800] =	vst v63  }
0x68: {  	v4 =	vld [tilespmem:$0x1410];
	_ =	sdelay $0x4  }
0x69: {  	v5 =	vshll.u32 v4, $0x1  }
0x6a: {  	v4 =	vand.u32 $0x7, v4;
	v5 =	vand.u32 $0xFFFFFFF0, v5  }
0x6b: {  	v4 =	vor.u32 v4, v5  }
0x6c: {  	v5 =	vperm.xlane v4, v1;
	_ =	sdelay $0x1  }
0x6d: {  	v4 =	vperm.xlane v4, v3;
	v5 =	vadd.s32 v2, v5;
	_ =	sdelay $0x1  }
0x6e: {  	v4 =	vadd.s32 v2, v4;
	_ =	sdelay $0x2  }
0x6f: {  	[tilespmem:s24], [sflag:$0x1] =	stream.indirect_vreg.gather [hbm4b:s4+s17], $0x80, v5, vm0, $0xb8;
	[tilespmem:$0x12800] =	vst v63  }
0x70: {  	_ = 	snop  }
0x71: {  	[tilespmem:s25], [sflag:$0x1] =	stream.indirect_vreg.gather [hbm4b:s4+s17], $0x80, v4, vm0, $0xb8;
	[tilespmem:$0x12800] =	vst v63  }
0x72: {  	v4 =	vld [tilespmem:$0x1420];
	_ =	sdelay $0x4  }
0x73: {  	v5 =	vshll.u32 v4, $0x1  }
0x74: {  	v4 =	vand.u32 $0x7, v4;
	v5 =	vand.u32 $0xFFFFFFF0, v5  }
0x75: {  	v4 =	vor.u32 v4, v5  }
0x76: {  	v5 =	vperm.xlane v4, v1;
	_ =	sdelay $0x1  }
0x77: {  	v4 =	vperm.xlane v4, v3;
	v5 =	vadd.s32 v2, v5;
	_ =	sdelay $0x1  }
0x78: {  	v4 =	vadd.s32 v2, v4;
	_ =	sdelay $0x2  }
0x79: {  	[tilespmem:s26], [sflag:$0x1] =	stream.indirect_vreg.gather [hbm4b:s4+s17], $0x80, v5, vm0, $0xb8;
	[tilespmem:$0x12800] =	vst v63  }
0x7a: {  	_ = 	snop  }
0x7b: {  	[tilespmem:s28], [sflag:$0x1] =	stream.indirect_vreg.gather [hbm4b:s4+s17], $0x80, v4, vm0, $0xb8;
	[tilespmem:$0x12800] =	vst v63  }
0x7c: {  	v4 =	vld [tilespmem:$0x1430];
	_ =	sdelay $0x4  }
0x7d: {  	v5 =	vshll.u32 v4, $0x1  }
0x7e: {  	v4 =	vand.u32 $0x7, v4;
	v5 =	vand.u32 $0xFFFFFFF0, v5  }
0x7f: {  	v4 =	vor.u32 v4, v5  }
0x80: {  	v5 =	vperm.xlane v4, v1;
	_ =	sdelay $0x1  }
0x81: {  	v4 =	vperm.xlane v4, v3;
	v5 =	vadd.s32 v2, v5;
	_ =	sdelay $0x1  }
0x82: {  	v4 =	vadd.s32 v2, v4;
	_ =	sdelay $0x2  }
0x83: {  	[tilespmem:s29], [sflag:$0x1] =	stream.indirect_vreg.gather [hbm4b:s4+s17], $0x80, v5, vm0, $0xb8;
	[tilespmem:$0x12800] =	vst v63  }
0x84: {  	_ = 	snop  }
0x85: {  	[tilespmem:s30], [sflag:$0x1] =	stream.indirect_vreg.gather [hbm4b:s4+s17], $0x80, v4, vm0, $0xb8;
	[tilespmem:$0x12800] =	vst v63  }
0x86: {  	v4 =	vld [tilespmem:$0x80];
	_ =	sdelay $0x4  }
0x87: {  	v5 =	vshll.u32 v4, $0x1  }
0x88: {  	v4 =	vand.u32 $0x7, v4;
	v5 =	vand.u32 $0xFFFFFFF0, v5  }
0x89: {  	v4 =	vor.u32 v4, v5  }
0x8a: {  	v5 =	vperm.xlane v4, v1;
	_ =	sdelay $0x1  }
0x8b: {  	v4 =	vperm.xlane v4, v3;
	v5 =	vadd.s32 v2, v5;
	_ =	sdelay $0x1  }
0x8c: {  	v4 =	vadd.s32 v2, v4;
	_ =	sdelay $0x2  }
0x8d: {  	[tilespmem:s31], [sflag:$0x2] =	stream.indirect_vreg.gather [hbm4b:s3+s17], $0x80, v5, vm0, $0xb8;
	[tilespmem:$0x12800] =	vst v63  }
0x8e: {  	s21 =	simm.s32 $0xB000  }
0x8f: {  	[tilespmem:s21], [sflag:$0x2] =	stream.indirect_vreg.gather [hbm4b:s3+s17], $0x80, v4, vm0, $0xb8;
	[tilespmem:$0x12800] =	vst v63  }
0x90: {  	v4 =	vld [tilespmem:$0x90];
	_ =	sdelay $0x4  }
0x91: {  	v5 =	vshll.u32 v4, $0x1  }
0x92: {  	v4 =	vand.u32 $0x7, v4;
	v5 =	vand.u32 $0xFFFFFFF0, v5  }
0x93: {  	v4 =	vor.u32 v4, v5  }
0x94: {  	v5 =	vperm.xlane v4, v1;
	_ =	sdelay $0x1  }
0x95: {  	v4 =	vperm.xlane v4, v3;
	v5 =	vadd.s32 v2, v5;
	_ =	sdelay $0x1  }
0x96: {  	v4 =	vadd.s32 v2, v4;
	_ =	sdelay $0x1  }
0x97: {  	s22 =	simm.s32 $0xB800  }
0x98: {  	[tilespmem:s22], [sflag:$0x2] =	stream.indirect_vreg.gather [hbm4b:s3+s17], $0x80, v5, vm0, $0xb8;
	[tilespmem:$0x12800] =	vst v63  }
0x99: {  	s23 =	simm.s32 $0xC000  }
0x9a: {  	[tilespmem:s23], [sflag:$0x2] =	stream.indirect_vreg.gather [hbm4b:s3+s17], $0x80, v4, vm0, $0xb8;
	[tilespmem:$0x12800] =	vst v63  }
0x9b: {  	v4 =	vld [tilespmem:$0xA0];
	_ =	sdelay $0x4  }
0x9c: {  	v5 =	vshll.u32 v4, $0x1  }
0x9d: {  	v4 =	vand.u32 $0x7, v4;
	v5 =	vand.u32 $0xFFFFFFF0, v5  }
0x9e: {  	v4 =	vor.u32 v4, v5  }
0x9f: {  	v5 =	vperm.xlane v4, v1;
	_ =	sdelay $0x1  }
0xa0: {  	v4 =	vperm.xlane v4, v3;
	v5 =	vadd.s32 v2, v5;
	_ =	sdelay $0x1  }
0xa1: {  	v4 =	vadd.s32 v2, v4;
	_ =	sdelay $0x1  }
0xa2: {  	s7 =	simm.s32 $0xC800  }
0xa3: {  	[tilespmem:s7], [sflag:$0x2] =	stream.indirect_vreg.gather [hbm4b:s3+s17], $0x80, v5, vm0, $0xb8;
	[tilespmem:$0x12800] =	vst v63  }
0xa4: {  	s8 =	simm.s32 $0xD000  }
0xa5: {  	[tilespmem:s8], [sflag:$0x2] =	stream.indirect_vreg.gather [hbm4b:s3+s17], $0x80, v4, vm0, $0xb8;
	[tilespmem:$0x12800] =	vst v63  }
0xa6: {  	v4 =	vld [tilespmem:$0xB0];
	_ =	sdelay $0x4  }
0xa7: {  	v5 =	vshll.u32 v4, $0x1  }
0xa8: {  	v4 =	vand.u32 $0x7, v4;
	v5 =	vand.u32 $0xFFFFFFF0, v5  }
0xa9: {  	v4 =	vor.u32 v4, v5  }
0xaa: {  	v5 =	vperm.xlane v4, v1;
	_ =	sdelay $0x1  }
0xab: {  	v4 =	vperm.xlane v4, v3;
	v5 =	vadd.s32 v2, v5;
	_ =	sdelay $0x1  }
0xac: {  	v4 =	vadd.s32 v2, v4;
	_ =	sdelay $0x1  }
0xad: {  	s13 =	simm.s32 $0xD800  }
0xae: {  	[tilespmem:s13], [sflag:$0x2] =	stream.indirect_vreg.gather [hbm4b:s3+s17], $0x80, v5, vm0, $0xb8;
	[tilespmem:$0x12800] =	vst v63  }
0xaf: {  	s18 =	simm.s32 $0xE000  }
0xb0: {  	[tilespmem:s18], [sflag:$0x2] =	stream.indirect_vreg.gather [hbm4b:s3+s17], $0x80, v4, vm0, $0xb8;
	[tilespmem:$0x12800] =	vst v63  }
0xb1: {  	v4 =	vld [tilespmem:$0x1480];
	_ =	sdelay $0x4  }
0xb2: {  	v5 =	vshll.u32 v4, $0x1  }
0xb3: {  	v4 =	vand.u32 $0x7, v4;
	v5 =	vand.u32 $0xFFFFFFF0, v5  }
0xb4: {  	v4 =	vor.u32 v4, v5  }
0xb5: {  	v5 =	vperm.xlane v4, v1;
	_ =	sdelay $0x1  }
0xb6: {  	v4 =	vperm.xlane v4, v3;
	v5 =	vadd.s32 v2, v5;
	_ =	sdelay $0x1  }
0xb7: {  	v4 =	vadd.s32 v2, v4;
	_ =	sdelay $0x1  }
0xb8: {  	s19 =	simm.s32 $0xE800  }
0xb9: {  	[tilespmem:s19], [sflag:$0x2] =	stream.indirect_vreg.gather [hbm4b:s4+s17], $0x80, v5, vm0, $0xb8;
	[tilespmem:$0x12800] =	vst v63  }
0xba: {  	s20 =	simm.s32 $0xF000  }
0xbb: {  	[tilespmem:s20], [sflag:$0x2] =	stream.indirect_vreg.gather [hbm4b:s4+s17], $0x80, v4, vm0, $0xb8;
	[tilespmem:$0x12800] =	vst v63  }
0xbc: {  	v4 =	vld [tilespmem:$0x1490];
	_ =	sdelay $0x4  }
0xbd: {  	v5 =	vshll.u32 v4, $0x1  }
0xbe: {  	v4 =	vand.u32 $0x7, v4;
	v5 =	vand.u32 $0xFFFFFFF0, v5  }
0xbf: {  	v4 =	vor.u32 v4, v5  }
0xc0: {  	v5 =	vperm.xlane v4, v1;
	_ =	sdelay $0x1  }
0xc1: {  	v4 =	vperm.xlane v4, v3;
	v5 =	vadd.s32 v2, v5;
	_ =	sdelay $0x1  }
0xc2: {  	v4 =	vadd.s32 v2, v4;
	_ =	sdelay $0x1  }
0xc3: {  	s21 =	simm.s32 $0xF800  }
0xc4: {  	[tilespmem:s21], [sflag:$0x2] =	stream.indirect_vreg.gather [hbm4b:s4+s17], $0x80, v5, vm0, $0xb8;
	[tilespmem:$0x12800] =	vst v63  }
0xc5: {  	s22 =	simm.s32 $0x10000  }
0xc6: {  	[tilespmem:s22], [sflag:$0x2] =	stream.indirect_vreg.gather [hbm4b:s4+s17], $0x80, v4, vm0, $0xb8;
	[tilespmem:$0x12800] =	vst v63  }
0xc7: {  	v4 =	vld [tilespmem:$0x14A0];
	_ =	sdelay $0x4  }
0xc8: {  	v5 =	vshll.u32 v4, $0x1  }
0xc9: {  	v4 =	vand.u32 $0x7, v4;
	v5 =	vand.u32 $0xFFFFFFF0, v5  }
0xca: {  	v4 =	vor.u32 v4, v5  }
0xcb: {  	v5 =	vperm.xlane v4, v1;
	_ =	sdelay $0x1  }
0xcc: {  	v4 =	vperm.xlane v4, v3;
	v5 =	vadd.s32 v2, v5;
	_ =	sdelay $0x1  }
0xcd: {  	v4 =	vadd.s32 v2, v4;
	_ =	sdelay $0x1  }
0xce: {  	s23 =	simm.s32 $0x10800  }
0xcf: {  	[tilespmem:s23], [sflag:$0x2] =	stream.indirect_vreg.gather [hbm4b:s4+s17], $0x80, v5, vm0, $0xb8;
	[tilespmem:$0x12800] =	vst v63  }
0xd0: {  	_ = 	snop  }
0xd1: {  	[tilespmem:s9], [sflag:$0x2] =	stream.indirect_vreg.gather [hbm4b:s4+s17], $0x80, v4, vm0, $0xb8;
	[tilespmem:$0x12800] =	vst v63  }
0xd2: {  	v4 =	vld [tilespmem:$0x14B0];
	_ =	sdelay $0x4  }
0xd3: {  	v5 =	vshll.u32 v4, $0x1  }
0xd4: {  	v4 =	vand.u32 $0x7, v4;
	v5 =	vand.u32 $0xFFFFFFF0, v5  }
0xd5: {  	v4 =	vor.u32 v4, v5  }
0xd6: {  	v5 =	vperm.xlane v4, v1;
	_ =	sdelay $0x1  }
0xd7: {  	v4 =	vperm.xlane v4, v3;
	v5 =	vadd.s32 v2, v5;
	_ =	sdelay $0x1  }
0xd8: {  	v4 =	vadd.s32 v2, v4;
	_ =	sdelay $0x2  }
0xd9: {  	[tilespmem:s15], [sflag:$0x2] =	stream.indirect_vreg.gather [hbm4b:s4+s17], $0x80, v5, vm0, $0xb8;
	[tilespmem:$0x12800] =	vst v63  }
0xda: {  	_ = 	snop  }
0xdb: {  	[tilespmem:s10], [sflag:$0x2] =	stream.indirect_vreg.gather [hbm4b:s4+s17], $0x80, v4, vm0, $0xb8;
	[tilespmem:$0x12800] =	vst v63  }
.LBB2_4:
0xdc: {  	_ =	swait.ge [sflag:s16], $0x4000  }
0xdd: {  	[sflag:s16] =	ssyncset.done $0x0  }
0xde: {  	[sflag:s16] =	ssyncadd.s32 $0xFFFFC000  }
0xdf: {  	_ =	swait.ge [sflag:s16], $0x4000  }
0xe0: {  	[sflag:s16] =	ssyncset.done $0x0  }
0xe1: {  	s0 =	simm.s32 $0x0;
	[sflag:s16] =	ssyncadd.s32 $0xFFFFC000  }
.LBB2_5:
0xe2: {  	s7 =	sshll.u32 s0, $0x8;
	s8 =	sshll.u32 s0, $0x7  }
0xe3: {  	s18 =	simm.s32 $0x0;
	s7 =	sand.u32 $0x3800, s7;
	s8 =	sand.u32 $0x380, s8  }
0xe4: {  	s21 =	sand.u32 $0x400, s18;
	s13 =	sor.u32 s7, s8  }
0xe5: {  	s22 =	sand.u32 $0x70, s18;
	s7 =	sor.u32 s21, s13  }
0xe6: {  	s18 =	sor.u32 s22, s7  }
0xe7: {  	v4 =	vld [tilespmem:s18+$0x6800]  }
0xe8: {  	v5 =	vld [tilespmem:s18+$0x2800];
	_ =	sdelay $0x3  }
0xe9: {  	s7 =	simm.s32 $0x80  }
0xea: {  	s23 =	simm.s32 $0x10;
	s19 =	sand.u32 $0x400, s7;
	v4 =	vsub.f32 v5, v4  }
0xeb: {  	s8 =	sand.u32 $0x70, s23;
	s20 =	sor.u32 s19, s13;
	s19 =	simm.s32 $0x20  }
.LBB2_6:
0xec: {  	p0 =	sne.s32 s19, $0xF0;
	s8 =	sor.u32 s8, s20;
	v4 =	vmax.f32 v4, $0.0e+00  }
0xed: {  	v5 =	vld [tilespmem:s8+$0x6800];
	[tilespmem:s18+$0x2800] =	vst v4;
	s18 =	smov.u32 s8  }
0xee: {  	v4 =	vld [tilespmem:s18+$0x2800];
	_ =	sdelay $0x1  }
.Ltmp1:
0xef: {  	(pc) =	sbr.rel @p0 .LBB2_6-.Ltmp1, $4  }
0xf0: {  	_ = 	snop  }
0xf1: {  	s7 =	sadd.s32 $0x80, s7  }
0xf2: {  	s20 =	sand.u32 $0x400, s7;
	v4 =	vsub.f32 v4, v5  }
0xf3: {  	s8 =	sand.u32 $0x70, s19;
	s19 =	sadd.s32 $0x10, s19;
	s20 =	sor.u32 s20, s13  }
0xf4: {  	s7 =	sor.u32 s8, s20;
	v4 =	vmax.f32 v4, $0.0e+00  }
0xf5: {  	v5 =	vld [tilespmem:s7+$0x6800];
	[tilespmem:s18+$0x2800] =	vst v4  }
0xf6: {  	v4 =	vld [tilespmem:s7+$0x2800];
	_ =	sdelay $0x1  }
0xf7: {  	s0 =	sadd.s32 $0x1, s0  }
0xf8: {  	p0 =	sne.s32 s0, $0x40  }
.Ltmp2:
0xf9: {  	_ = 	snop;
	(pc) =	sbr.rel @p0 .LBB2_5-.Ltmp2, $3  }
0xfa: {  	v4 =	vsub.f32 v4, v5;
	_ =	sdelay $0x1  }
0xfb: {  	v4 =	vmax.f32 v4, $0.0e+00  }
0xfc: {  	[tilespmem:s7+$0x2800] =	vst v4  }
0xfd: {  	s18 =	sshll.u32 s17, $0xF  }
0xfe: {  	s0 =	sadd.s32 s18, s5  }
0xff: {  	s0 =	sshrl.u32 s0, $0x3  }
0x100: {  	s19 =	simm.s32 $0x0;
	s0 =	sadd.s32 s6, s0  }
0x101: {  	[hbm4b:s0+s19] =	stream.linear.scatter [tilespmem:s14], [sflag:$0x3], $0x4000, $0x38;
	[tilespmem:$0x12800] =	vst v63  }
0x102: {  	_ =	swait.ge [sflag:s12], $0x4000  }
0x103: {  	[sflag:s12] =	ssyncset.done $0x0  }
0x104: {  	s0 =	sshll.u32 s17, $0x8;
	[sflag:s12] =	ssyncadd.s32 $0xFFFFC000  }
0x105: {  	v4 =	vld [tilespmem:s0+$0x100];
	_ =	sdelay $0x4  }
0x106: {  	v5 =	vshll.u32 v4, $0x1  }
0x107: {  	v4 =	vand.u32 $0x7, v4;
	v5 =	vand.u32 $0xFFFFFFF0, v5  }
0x108: {  	v4 =	vor.u32 v4, v5  }
0x109: {  	v5 =	vperm.xlane v4, v1;
	_ =	sdelay $0x1  }
0x10a: {  	v4 =	vperm.xlane v4, v3;
	v5 =	vadd.s32 v2, v5;
	_ =	sdelay $0x1  }
0x10b: {  	v4 =	vadd.s32 v2, v4;
	_ =	sdelay $0x2  }
0x10c: {  	[tilespmem:s14], [sflag:$0x1] =	stream.indirect_vreg.gather [hbm4b:s3+s19], $0x80, v5, vm0, $0xb8;
	[tilespmem:$0x12800] =	vst v63  }
0x10d: {  	s7 =	simm.s32 $0x3000  }
0x10e: {  	[tilespmem:s7], [sflag:$0x1] =	stream.indirect_vreg.gather [hbm4b:s3+s19], $0x80, v4, vm0, $0xb8;
	[tilespmem:$0x12800] =	vst v63  }
0x10f: {  	v4 =	vld [tilespmem:s0+$0x110];
	_ =	sdelay $0x4  }
0x110: {  	v5 =	vshll.u32 v4, $0x1  }
0x111: {  	v4 =	vand.u32 $0x7, v4;
	v5 =	vand.u32 $0xFFFFFFF0, v5  }
0x112: {  	v4 =	vor.u32 v4, v5  }
0x113: {  	v5 =	vperm.xlane v4, v1;
	_ =	sdelay $0x1  }
0x114: {  	v4 =	vperm.xlane v4, v3;
	v5 =	vadd.s32 v2, v5;
	_ =	sdelay $0x1  }
0x115: {  	v4 =	vadd.s32 v2, v4;
	_ =	sdelay $0x1  }
0x116: {  	s22 =	simm.s32 $0x3800  }
0x117: {  	[tilespmem:s22], [sflag:$0x1] =	stream.indirect_vreg.gather [hbm4b:s3+s19], $0x80, v5, vm0, $0xb8;
	[tilespmem:$0x12800] =	vst v63  }
0x118: {  	s23 =	simm.s32 $0x4000  }
0x119: {  	[tilespmem:s23], [sflag:$0x1] =	stream.indirect_vreg.gather [hbm4b:s3+s19], $0x80, v4, vm0, $0xb8;
	[tilespmem:$0x12800] =	vst v63  }
0x11a: {  	v4 =	vld [tilespmem:s0+$0x120];
	_ =	sdelay $0x4  }
0x11b: {  	v5 =	vshll.u32 v4, $0x1  }
0x11c: {  	v4 =	vand.u32 $0x7, v4;
	v5 =	vand.u32 $0xFFFFFFF0, v5  }
0x11d: {  	v4 =	vor.u32 v4, v5  }
0x11e: {  	v5 =	vperm.xlane v4, v1;
	_ =	sdelay $0x1  }
0x11f: {  	v4 =	vperm.xlane v4, v3;
	v5 =	vadd.s32 v2, v5;
	_ =	sdelay $0x1  }
0x120: {  	v4 =	vadd.s32 v2, v4;
	_ =	sdelay $0x1  }
0x121: {  	s8 =	simm.s32 $0x4800  }
0x122: {  	[tilespmem:s8], [sflag:$0x1] =	stream.indirect_vreg.gather [hbm4b:s3+s19], $0x80, v5, vm0, $0xb8;
	[tilespmem:$0x12800] =	vst v63  }
0x123: {  	s13 =	simm.s32 $0x5000  }
0x124: {  	[tilespmem:s13], [sflag:$0x1] =	stream.indirect_vreg.gather [hbm4b:s3+s19], $0x80, v4, vm0, $0xb8;
	[tilespmem:$0x12800] =	vst v63  }
0x125: {  	v4 =	vld [tilespmem:s0+$0x130];
	_ =	sdelay $0x4  }
0x126: {  	v5 =	vshll.u32 v4, $0x1  }
0x127: {  	v4 =	vand.u32 $0x7, v4;
	v5 =	vand.u32 $0xFFFFFFF0, v5  }
0x128: {  	v4 =	vor.u32 v4, v5  }
0x129: {  	v5 =	vperm.xlane v4, v1;
	_ =	sdelay $0x1  }
0x12a: {  	v4 =	vperm.xlane v4, v3;
	v5 =	vadd.s32 v2, v5;
	_ =	sdelay $0x1  }
0x12b: {  	v4 =	vadd.s32 v2, v4;
	_ =	sdelay $0x1  }
0x12c: {  	s20 =	simm.s32 $0x5800  }
0x12d: {  	[tilespmem:s20], [sflag:$0x1] =	stream.indirect_vreg.gather [hbm4b:s3+s19], $0x80, v5, vm0, $0xb8;
	[tilespmem:$0x12800] =	vst v63  }
0x12e: {  	s21 =	simm.s32 $0x6000  }
0x12f: {  	[tilespmem:s21], [sflag:$0x1] =	stream.indirect_vreg.gather [hbm4b:s3+s19], $0x80, v4, vm0, $0xb8;
	[tilespmem:$0x12800] =	vst v63  }
0x130: {  	v4 =	vld [tilespmem:s0+$0x1500];
	_ =	sdelay $0x4  }
0x131: {  	v5 =	vshll.u32 v4, $0x1  }
0x132: {  	v4 =	vand.u32 $0x7, v4;
	v5 =	vand.u32 $0xFFFFFFF0, v5  }
0x133: {  	v4 =	vor.u32 v4, v5  }
0x134: {  	v5 =	vperm.xlane v4, v1;
	_ =	sdelay $0x1  }
0x135: {  	v4 =	vperm.xlane v4, v3;
	v5 =	vadd.s32 v2, v5;
	_ =	sdelay $0x1  }
0x136: {  	v4 =	vadd.s32 v2, v4;
	_ =	sdelay $0x1  }
0x137: {  	s22 =	simm.s32 $0x6800  }
0x138: {  	[tilespmem:s22], [sflag:$0x1] =	stream.indirect_vreg.gather [hbm4b:s4+s19], $0x80, v5, vm0, $0xb8;
	[tilespmem:$0x12800] =	vst v63  }
0x139: {  	s23 =	simm.s32 $0x7000  }
0x13a: {  	[tilespmem:s23], [sflag:$0x1] =	stream.indirect_vreg.gather [hbm4b:s4+s19], $0x80, v4, vm0, $0xb8;
	[tilespmem:$0x12800] =	vst v63  }
0x13b: {  	v4 =	vld [tilespmem:s0+$0x1510];
	_ =	sdelay $0x4  }
0x13c: {  	v5 =	vshll.u32 v4, $0x1  }
0x13d: {  	v4 =	vand.u32 $0x7, v4;
	v5 =	vand.u32 $0xFFFFFFF0, v5  }
0x13e: {  	v4 =	vor.u32 v4, v5  }
0x13f: {  	v5 =	vperm.xlane v4, v1;
	_ =	sdelay $0x1  }
0x140: {  	v4 =	vperm.xlane v4, v3;
	v5 =	vadd.s32 v2, v5;
	_ =	sdelay $0x1  }
0x141: {  	v4 =	vadd.s32 v2, v4;
	_ =	sdelay $0x2  }
0x142: {  	[tilespmem:s24], [sflag:$0x1] =	stream.indirect_vreg.gather [hbm4b:s4+s19], $0x80, v5, vm0, $0xb8;
	[tilespmem:$0x12800] =	vst v63  }
0x143: {  	_ = 	snop  }
0x144: {  	[tilespmem:s25], [sflag:$0x1] =	stream.indirect_vreg.gather [hbm4b:s4+s19], $0x80, v4, vm0, $0xb8;
	[tilespmem:$0x12800] =	vst v63  }
0x145: {  	v4 =	vld [tilespmem:s0+$0x1520];
	_ =	sdelay $0x4  }
0x146: {  	v5 =	vshll.u32 v4, $0x1  }
0x147: {  	v4 =	vand.u32 $0x7, v4;
	v5 =	vand.u32 $0xFFFFFFF0, v5  }
0x148: {  	v4 =	vor.u32 v4, v5  }
0x149: {  	v5 =	vperm.xlane v4, v1;
	_ =	sdelay $0x1  }
0x14a: {  	v4 =	vperm.xlane v4, v3;
	v5 =	vadd.s32 v2, v5;
	_ =	sdelay $0x1  }
0x14b: {  	v4 =	vadd.s32 v2, v4;
	_ =	sdelay $0x2  }
0x14c: {  	[tilespmem:s26], [sflag:$0x1] =	stream.indirect_vreg.gather [hbm4b:s4+s19], $0x80, v5, vm0, $0xb8;
	[tilespmem:$0x12800] =	vst v63  }
0x14d: {  	_ = 	snop  }
0x14e: {  	[tilespmem:s28], [sflag:$0x1] =	stream.indirect_vreg.gather [hbm4b:s4+s19], $0x80, v4, vm0, $0xb8;
	[tilespmem:$0x12800] =	vst v63  }
0x14f: {  	v4 =	vld [tilespmem:s0+$0x1530];
	_ =	sdelay $0x4  }
0x150: {  	v5 =	vshll.u32 v4, $0x1  }
0x151: {  	v4 =	vand.u32 $0x7, v4;
	v5 =	vand.u32 $0xFFFFFFF0, v5  }
0x152: {  	v4 =	vor.u32 v4, v5  }
0x153: {  	v5 =	vperm.xlane v4, v1;
	_ =	sdelay $0x1  }
0x154: {  	v4 =	vperm.xlane v4, v3;
	v5 =	vadd.s32 v2, v5;
	_ =	sdelay $0x1  }
0x155: {  	v4 =	vadd.s32 v2, v4;
	_ =	sdelay $0x2  }
0x156: {  	[tilespmem:s29], [sflag:$0x1] =	stream.indirect_vreg.gather [hbm4b:s4+s19], $0x80, v5, vm0, $0xb8;
	[tilespmem:$0x12800] =	vst v63  }
0x157: {  	_ = 	snop  }
0x158: {  	[tilespmem:s30], [sflag:$0x1] =	stream.indirect_vreg.gather [hbm4b:s4+s19], $0x80, v4, vm0, $0xb8;
	[tilespmem:$0x12800] =	vst v63  }
0x159: {  	_ =	swait.ge [sflag:s1], $0x4000  }
0x15a: {  	[sflag:s1] =	ssyncset.done $0x0  }
0x15b: {  	[sflag:s1] =	ssyncadd.s32 $0xFFFFC000  }
0x15c: {  	_ =	swait.ge [sflag:s1], $0x4000  }
0x15d: {  	[sflag:s1] =	ssyncset.done $0x0  }
0x15e: {  	s13 =	simm.s32 $0x0;
	[sflag:s1] =	ssyncadd.s32 $0xFFFFC000  }
.LBB2_9:
0x15f: {  	s7 =	sshll.u32 s13, $0x8;
	s8 =	sshll.u32 s13, $0x7  }
0x160: {  	s7 =	sand.u32 $0x3800, s7;
	s8 =	sand.u32 $0x380, s8  }
0x161: {  	s20 =	sor.u32 s7, s8;
	s8 =	sand.u32 $0x400, s19  }
0x162: {  	s21 =	sand.u32 $0x70, s19;
	s7 =	sor.u32 s8, s20  }
0x163: {  	s7 =	sor.u32 s21, s7  }
0x164: {  	v4 =	vld [tilespmem:s7+$0xE800]  }
0x165: {  	v5 =	vld [tilespmem:s7+$0xA800];
	_ =	sdelay $0x3  }
0x166: {  	s21 =	simm.s32 $0x80  }
0x167: {  	s22 =	simm.s32 $0x10;
	s23 =	sand.u32 $0x400, s21;
	v4 =	vsub.f32 v5, v4  }
0x168: {  	s22 =	sand.u32 $0x70, s22;
	s8 =	simm.s32 $0x20;
	s23 =	sor.u32 s23, s20  }
.LBB2_10:
0x169: {  	p0 =	sne.s32 s8, $0xF0;
	s22 =	sor.u32 s22, s23;
	v4 =	vmax.f32 v4, $0.0e+00  }
0x16a: {  	v5 =	vld [tilespmem:s22+$0xE800];
	[tilespmem:s7+$0xA800] =	vst v4;
	s7 =	smov.u32 s22  }
0x16b: {  	v4 =	vld [tilespmem:s7+$0xA800];
	_ =	sdelay $0x1  }
.Ltmp3:
0x16c: {  	(pc) =	sbr.rel @p0 .LBB2_10-.Ltmp3, $4  }
0x16d: {  	_ = 	snop  }
0x16e: {  	s21 =	sadd.s32 $0x80, s21  }
0x16f: {  	s23 =	sand.u32 $0x400, s21;
	v4 =	vsub.f32 v4, v5  }
0x170: {  	s22 =	sand.u32 $0x70, s8;
	s8 =	sadd.s32 $0x10, s8;
	s23 =	sor.u32 s23, s20  }
0x171: {  	s8 =	sor.u32 s22, s23;
	v4 =	vmax.f32 v4, $0.0e+00  }
0x172: {  	v5 =	vld [tilespmem:s8+$0xE800];
	[tilespmem:s7+$0xA800] =	vst v4  }
0x173: {  	v4 =	vld [tilespmem:s8+$0xA800];
	_ =	sdelay $0x1  }
0x174: {  	s13 =	sadd.s32 $0x1, s13  }
0x175: {  	p0 =	sne.s32 s13, $0x40  }
.Ltmp4:
0x176: {  	_ = 	snop;
	(pc) =	sbr.rel @p0 .LBB2_9-.Ltmp4, $3  }
0x177: {  	v4 =	vsub.f32 v4, v5;
	_ =	sdelay $0x1  }
0x178: {  	v4 =	vmax.f32 v4, $0.0e+00  }
0x179: {  	[tilespmem:s8+$0xA800] =	vst v4  }
0x17a: {  	s7 =	sadd.s32 s11, s18  }
0x17b: {  	p0 =	seq.s32 s17, $0x11;
	s7 =	sshrl.u32 s7, $0x3  }
.Ltmp5:
0x17c: {  	s7 =	sadd.s32 s6, s7;
	(pc) =	sbr.rel @p0 .LBB2_14-.Ltmp5, $4  }
0x17d: {  	[hbm4b:s7+s2] =	stream.linear.scatter [tilespmem:s31], [sflag:$0x3], $0x4000, $0x38;
	[tilespmem:$0x12800] =	vst v63  }
0x17e: {  	_ =	swait.ge [sflag:s12], $0x4000  }
0x17f: {  	[sflag:s12] =	ssyncset.done $0x0  }
0x180: {  	[sflag:s12] =	ssyncadd.s32 $0xFFFFC000  }
0x181: {  	v4 =	vld [tilespmem:s0+$0x180];
	_ =	sdelay $0x4  }
0x182: {  	v5 =	vshll.u32 v4, $0x1  }
0x183: {  	v4 =	vand.u32 $0x7, v4;
	v5 =	vand.u32 $0xFFFFFFF0, v5  }
0x184: {  	v4 =	vor.u32 v4, v5  }
0x185: {  	v5 =	vperm.xlane v4, v1;
	_ =	sdelay $0x1  }
0x186: {  	v4 =	vperm.xlane v4, v3;
	v5 =	vadd.s32 v2, v5;
	_ =	sdelay $0x1  }
0x187: {  	v4 =	vadd.s32 v2, v4;
	_ =	sdelay $0x2  }
0x188: {  	[tilespmem:s31], [sflag:$0x2] =	stream.indirect_vreg.gather [hbm4b:s3+s2], $0x80, v5, vm0, $0xb8;
	[tilespmem:$0x12800] =	vst v63  }
0x189: {  	s7 =	simm.s32 $0xB000  }
0x18a: {  	[tilespmem:s7], [sflag:$0x2] =	stream.indirect_vreg.gather [hbm4b:s3+s2], $0x80, v4, vm0, $0xb8;
	[tilespmem:$0x12800] =	vst v63  }
0x18b: {  	v4 =	vld [tilespmem:s0+$0x190];
	_ =	sdelay $0x4  }
0x18c: {  	v5 =	vshll.u32 v4, $0x1  }
0x18d: {  	v4 =	vand.u32 $0x7, v4;
	v5 =	vand.u32 $0xFFFFFFF0, v5  }
0x18e: {  	v4 =	vor.u32 v4, v5  }
0x18f: {  	v5 =	vperm.xlane v4, v1;
	_ =	sdelay $0x1  }
0x190: {  	v4 =	vperm.xlane v4, v3;
	v5 =	vadd.s32 v2, v5;
	_ =	sdelay $0x1  }
0x191: {  	v4 =	vadd.s32 v2, v4;
	_ =	sdelay $0x1  }
0x192: {  	s21 =	simm.s32 $0xB800  }
0x193: {  	[tilespmem:s21], [sflag:$0x2] =	stream.indirect_vreg.gather [hbm4b:s3+s2], $0x80, v5, vm0, $0xb8;
	[tilespmem:$0x12800] =	vst v63  }
0x194: {  	s22 =	simm.s32 $0xC000  }
0x195: {  	[tilespmem:s22], [sflag:$0x2] =	stream.indirect_vreg.gather [hbm4b:s3+s2], $0x80, v4, vm0, $0xb8;
	[tilespmem:$0x12800] =	vst v63  }
0x196: {  	v4 =	vld [tilespmem:s0+$0x1A0];
	_ =	sdelay $0x4  }
0x197: {  	v5 =	vshll.u32 v4, $0x1  }
0x198: {  	v4 =	vand.u32 $0x7, v4;
	v5 =	vand.u32 $0xFFFFFFF0, v5  }
0x199: {  	v4 =	vor.u32 v4, v5  }
0x19a: {  	v5 =	vperm.xlane v4, v1;
	_ =	sdelay $0x1  }
0x19b: {  	v4 =	vperm.xlane v4, v3;
	v5 =	vadd.s32 v2, v5;
	_ =	sdelay $0x1  }
0x19c: {  	v4 =	vadd.s32 v2, v4;
	_ =	sdelay $0x1  }
0x19d: {  	s23 =	simm.s32 $0xC800  }
0x19e: {  	[tilespmem:s23], [sflag:$0x2] =	stream.indirect_vreg.gather [hbm4b:s3+s2], $0x80, v5, vm0, $0xb8;
	[tilespmem:$0x12800] =	vst v63  }
0x19f: {  	s8 =	simm.s32 $0xD000  }
0x1a0: {  	[tilespmem:s8], [sflag:$0x2] =	stream.indirect_vreg.gather [hbm4b:s3+s2], $0x80, v4, vm0, $0xb8;
	[tilespmem:$0x12800] =	vst v63  }
0x1a1: {  	v4 =	vld [tilespmem:s0+$0x1B0];
	_ =	sdelay $0x4  }
0x1a2: {  	v5 =	vshll.u32 v4, $0x1  }
0x1a3: {  	v4 =	vand.u32 $0x7, v4;
	v5 =	vand.u32 $0xFFFFFFF0, v5  }
0x1a4: {  	v4 =	vor.u32 v4, v5  }
0x1a5: {  	v5 =	vperm.xlane v4, v1;
	_ =	sdelay $0x1  }
0x1a6: {  	v4 =	vperm.xlane v4, v3;
	v5 =	vadd.s32 v2, v5;
	_ =	sdelay $0x1  }
0x1a7: {  	v4 =	vadd.s32 v2, v4;
	_ =	sdelay $0x1  }
0x1a8: {  	s13 =	simm.s32 $0xD800  }
0x1a9: {  	[tilespmem:s13], [sflag:$0x2] =	stream.indirect_vreg.gather [hbm4b:s3+s2], $0x80, v5, vm0, $0xb8;
	[tilespmem:$0x12800] =	vst v63  }
0x1aa: {  	s18 =	simm.s32 $0xE000  }
0x1ab: {  	[tilespmem:s18], [sflag:$0x2] =	stream.indirect_vreg.gather [hbm4b:s3+s2], $0x80, v4, vm0, $0xb8;
	[tilespmem:$0x12800] =	vst v63  }
0x1ac: {  	v4 =	vld [tilespmem:s0+$0x1580];
	_ =	sdelay $0x4  }
0x1ad: {  	v5 =	vshll.u32 v4, $0x1  }
0x1ae: {  	v4 =	vand.u32 $0x7, v4;
	v5 =	vand.u32 $0xFFFFFFF0, v5  }
0x1af: {  	v4 =	vor.u32 v4, v5  }
0x1b0: {  	v5 =	vperm.xlane v4, v1;
	_ =	sdelay $0x1  }
0x1b1: {  	v4 =	vperm.xlane v4, v3;
	v5 =	vadd.s32 v2, v5;
	_ =	sdelay $0x1  }
0x1b2: {  	v4 =	vadd.s32 v2, v4;
	_ =	sdelay $0x1  }
0x1b3: {  	s19 =	simm.s32 $0xE800  }
0x1b4: {  	[tilespmem:s19], [sflag:$0x2] =	stream.indirect_vreg.gather [hbm4b:s4+s2], $0x80, v5, vm0, $0xb8;
	[tilespmem:$0x12800] =	vst v63  }
0x1b5: {  	s20 =	simm.s32 $0xF000  }
0x1b6: {  	[tilespmem:s20], [sflag:$0x2] =	stream.indirect_vreg.gather [hbm4b:s4+s2], $0x80, v4, vm0, $0xb8;
	[tilespmem:$0x12800] =	vst v63  }
0x1b7: {  	v4 =	vld [tilespmem:s0+$0x1590];
	_ =	sdelay $0x4  }
0x1b8: {  	v5 =	vshll.u32 v4, $0x1  }
0x1b9: {  	v4 =	vand.u32 $0x7, v4;
	v5 =	vand.u32 $0xFFFFFFF0, v5  }
0x1ba: {  	v4 =	vor.u32 v4, v5  }
0x1bb: {  	v5 =	vperm.xlane v4, v1;
	_ =	sdelay $0x1  }
0x1bc: {  	v4 =	vperm.xlane v4, v3;
	v5 =	vadd.s32 v2, v5;
	_ =	sdelay $0x1  }
0x1bd: {  	v4 =	vadd.s32 v2, v4;
	_ =	sdelay $0x1  }
0x1be: {  	s21 =	simm.s32 $0xF800  }
0x1bf: {  	[tilespmem:s21], [sflag:$0x2] =	stream.indirect_vreg.gather [hbm4b:s4+s2], $0x80, v5, vm0, $0xb8;
	[tilespmem:$0x12800] =	vst v63  }
0x1c0: {  	s22 =	simm.s32 $0x10000  }
0x1c1: {  	[tilespmem:s22], [sflag:$0x2] =	stream.indirect_vreg.gather [hbm4b:s4+s2], $0x80, v4, vm0, $0xb8;
	[tilespmem:$0x12800] =	vst v63  }
0x1c2: {  	v4 =	vld [tilespmem:s0+$0x15A0];
	_ =	sdelay $0x4  }
0x1c3: {  	v5 =	vshll.u32 v4, $0x1  }
0x1c4: {  	v4 =	vand.u32 $0x7, v4;
	v5 =	vand.u32 $0xFFFFFFF0, v5  }
0x1c5: {  	v4 =	vor.u32 v4, v5  }
0x1c6: {  	v5 =	vperm.xlane v4, v1;
	_ =	sdelay $0x1  }
0x1c7: {  	v4 =	vperm.xlane v4, v3;
	v5 =	vadd.s32 v2, v5;
	_ =	sdelay $0x1  }
0x1c8: {  	v4 =	vadd.s32 v2, v4;
	_ =	sdelay $0x1  }
0x1c9: {  	s23 =	simm.s32 $0x10800  }
0x1ca: {  	[tilespmem:s23], [sflag:$0x2] =	stream.indirect_vreg.gather [hbm4b:s4+s2], $0x80, v5, vm0, $0xb8;
	[tilespmem:$0x12800] =	vst v63  }
0x1cb: {  	_ = 	snop  }
0x1cc: {  	[tilespmem:s9], [sflag:$0x2] =	stream.indirect_vreg.gather [hbm4b:s4+s2], $0x80, v4, vm0, $0xb8;
	[tilespmem:$0x12800] =	vst v63  }
0x1cd: {  	v4 =	vld [tilespmem:s0+$0x15B0];
	_ =	sdelay $0x4  }
0x1ce: {  	v5 =	vshll.u32 v4, $0x1  }
0x1cf: {  	v4 =	vand.u32 $0x7, v4;
	v5 =	vand.u32 $0xFFFFFFF0, v5  }
0x1d0: {  	v4 =	vor.u32 v4, v5  }
0x1d1: {  	v5 =	vperm.xlane v4, v1;
	_ =	sdelay $0x1  }
0x1d2: {  	v4 =	vperm.xlane v4, v3;
	v5 =	vadd.s32 v2, v5;
	_ =	sdelay $0x1  }
0x1d3: {  	v4 =	vadd.s32 v2, v4  }
.Ltmp6:
0x1d4: {  	_ = 	snop;
	(pc) =	sbr.rel .LBB2_4-.Ltmp6, $4  }
0x1d5: {  	_ = 	snop  }
0x1d6: {  	[tilespmem:s15], [sflag:$0x2] =	stream.indirect_vreg.gather [hbm4b:s4+s2], $0x80, v5, vm0, $0xb8;
	[tilespmem:$0x12800] =	vst v63  }
0x1d7: {  	s17 =	sadd.s32 $0x1, s17  }
0x1d8: {  	[tilespmem:s10], [sflag:$0x2] =	stream.indirect_vreg.gather [hbm4b:s4+s2], $0x80, v4, vm0, $0xb8;
	[tilespmem:$0x12800] =	vst v63  }
.LBB2_14:
0x1d9: {  	_ =	swait.ge [sflag:s16], $0x4000  }
0x1da: {  	[sflag:s16] =	ssyncset.done $0x0  }
0x1db: {  	[sflag:s16] =	ssyncadd.s32 $0xFFFFC000  }
0x1dc: {  	_ =	swait.ge [sflag:s16], $0x4000  }
0x1dd: {  	[sflag:s16] =	ssyncset.done $0x0  }
0x1de: {  	s0 =	simm.s32 $0x0;
	s13 =	simm.s32 $0x0;
	[sflag:s16] =	ssyncadd.s32 $0xFFFFC000  }
.LBB2_15:
0x1df: {  	s7 =	sshll.u32 s13, $0x8;
	s8 =	sshll.u32 s13, $0x7  }
0x1e0: {  	s7 =	sand.u32 $0x3800, s7;
	s8 =	sand.u32 $0x380, s8  }
0x1e1: {  	s21 =	sand.u32 $0x400, s0;
	s17 =	sor.u32 s7, s8  }
0x1e2: {  	s22 =	sand.u32 $0x70, s0;
	s7 =	sor.u32 s21, s17  }
0x1e3: {  	s7 =	sor.u32 s22, s7  }
0x1e4: {  	v4 =	vld [tilespmem:s7+$0x6800]  }
0x1e5: {  	v5 =	vld [tilespmem:s7+$0x2800];
	_ =	sdelay $0x3  }
0x1e6: {  	s18 =	simm.s32 $0x80  }
0x1e7: {  	s23 =	simm.s32 $0x10;
	s20 =	sand.u32 $0x400, s18;
	v4 =	vsub.f32 v5, v4  }
0x1e8: {  	s19 =	sand.u32 $0x70, s23;
	s8 =	simm.s32 $0x20;
	s20 =	sor.u32 s20, s17  }
.LBB2_16:
0x1e9: {  	p0 =	sne.s32 s8, $0xF0;
	s19 =	sor.u32 s19, s20;
	v4 =	vmax.f32 v4, $0.0e+00  }
0x1ea: {  	v5 =	vld [tilespmem:s19+$0x6800];
	[tilespmem:s7+$0x2800] =	vst v4;
	s7 =	smov.u32 s19  }
0x1eb: {  	v4 =	vld [tilespmem:s7+$0x2800];
	_ =	sdelay $0x1  }
.Ltmp7:
0x1ec: {  	(pc) =	sbr.rel @p0 .LBB2_16-.Ltmp7, $4  }
0x1ed: {  	_ = 	snop  }
0x1ee: {  	s18 =	sadd.s32 $0x80, s18  }
0x1ef: {  	s20 =	sand.u32 $0x400, s18;
	v4 =	vsub.f32 v4, v5  }
0x1f0: {  	s19 =	sand.u32 $0x70, s8;
	s8 =	sadd.s32 $0x10, s8;
	s20 =	sor.u32 s20, s17  }
0x1f1: {  	s8 =	sor.u32 s19, s20;
	v4 =	vmax.f32 v4, $0.0e+00  }
0x1f2: {  	v5 =	vld [tilespmem:s8+$0x6800];
	[tilespmem:s7+$0x2800] =	vst v4  }
0x1f3: {  	v4 =	vld [tilespmem:s8+$0x2800];
	_ =	sdelay $0x1  }
0x1f4: {  	s13 =	sadd.s32 $0x1, s13  }
0x1f5: {  	p0 =	sne.s32 s13, $0x40  }
.Ltmp8:
0x1f6: {  	_ = 	snop;
	(pc) =	sbr.rel @p0 .LBB2_15-.Ltmp8, $3  }
0x1f7: {  	v4 =	vsub.f32 v4, v5;
	_ =	sdelay $0x1  }
0x1f8: {  	v4 =	vmax.f32 v4, $0.0e+00  }
0x1f9: {  	[tilespmem:s8+$0x2800] =	vst v4  }
0x1fa: {  	s0 =	rddreg [dreg:$0x4]  }
0x1fb: {  	[hbm4b:s0+s2] =	stream.linear.scatter [tilespmem:s14], [sflag:$0x3], $0x4000, $0x38;
	[tilespmem:$0x12800] =	vst v63  }
0x1fc: {  	_ =	swait.ge [sflag:s12], $0x4000  }
0x1fd: {  	s7 =	rddreg [dreg:$0x6]  }
0x1fe: {  	s23 =	rddreg [dreg:$0x5];
	s7 =	sadd.s32 $0x1, s7  }
0x1ff: {  	p0 =	sne.s32 s7, s23  }
.Ltmp9:
0x200: {  	_ = 	snop;
	(pc) =	sbr.rel @p0 .LBB2_1-.Ltmp9, $3  }
0x201: {  	_ =	sdelay $0x1  }
0x202: {  	[sflag:s12] =	ssyncset.done $0x0  }
0x203: {  	[sflag:s12] =	ssyncadd.s32 $0xFFFFC000  }
0x204: {  	_ =	sfence.sel $0x180000  }
0x205: {  	[bflag:$0x0] =	sbarrier.arrive $0xFFFF  }
0x206: {  	_ =	strace $0x90000047  }
0x207: {  	s0 =	stileid.u32;
	[bflag:$0x2] =	sbarrier.arrive $0xFFFF  }
0x208: {  	p0 =	sne.s32 s0, $0x0;
	s0 =	rddreg [dreg:$0x1]  }
0x209: {  	s0 =	sadd.s32 @!p0 $0x100000, s0  }
0x20a: {  	[sflag:s0] =	ssyncadd.tile.s32 @!p0 $0x1;
	_ =	shalt  }
.Lfunc_end2:
_tile_overlayer_lowered:
.L_overlay_start_2:
0x20b: {  	(tag) =	ssettag $0x2  }
0x20c: {  	s0 =	rddreg [dreg:$0x0];
	s2 =	stileid.u32  }
0x20d: {  	s1 =	rddreg [dreg:$0x1];
	p0 =	sne.s32 s2, $0x0  }
0x20e: {  	s3 =	rddreg [dreg:$0x2];
	[bflag:$0x3] =	sbarrier.arrive $0xFFFF;
	s2 =	simm.s32 @!p0 $0x1C03  }
0x20f: {  	[timem:s3], [sflag:s2] =	dma.local @!p0 [hbm:s0], s1  }
0x210: {  	s0 =	simm.s32 @!p0 $0x3  }
0x211: {  	_ =	swait.ge @!p0 [sflag:s0], s1  }
0x212: {  	s1 =	ssub.s32 @!p0 $0x0, s1;
	[sflag:s0] =	ssyncset.done @!p0 $0x0  }
0x213: {  	[sflag:s0] =	ssyncadd.s32 @!p0 s1  }
0x214: {  	[bflag:$0x3] =	sbarrier.arrive $0xFFFF  }
0x215: {  	_ =	shalt  }

</sc_bundles>
